<compile_context>
chip_gen: v7x
topology: tpu7x:2x2x1
jax: 0.10.2.dev20260603
libtpu: 0.0.44.dev20260713+nightly
codegen_flags: <defaults>
</compile_context>

<pallas_src>
import jax
import jax.numpy as jnp
from jax import lax
from jax.experimental import pallas as pl
from jax.experimental.pallas import tpu as pltpu
from jax.experimental.pallas import tpu_sc as plsc

_N_REL = 1000
_N_ENT = 1000000
_DIM = 32
_BATCH = 16384
_GAMMA = 12.0
_L = 16
_NC = 2
_NS = 16
_NW = _NC * _NS
_BPW = _BATCH // _NW
_NCHUNK = _BPW // _L
_TINY = 1e-24
_FLAT = _N_ENT * _DIM


def _rsqrt(s):
    i = plsc.bitcast(s, jnp.int32)
    i = jnp.int32(0x5F3759DF) - lax.shift_right_arithmetic(i, 1)
    y = plsc.bitcast(i, jnp.float32)
    for _ in range(4):
        y = y * (1.5 - 0.5 * s * y * y)
    return y


def _score_body(h_hbm, r_hbm, t_hbm, entf_hbm, pentf_hbm, rel_hbm, prel_hbm,
                out_hbm,
                h_v, t_v, rm_v, sgn_v,
                hv_rows, tv_rows, hp_rows, tp_rows, rv_rows,
                prel_v, out_v, sem, sem2):
    wid = lax.axis_index("s") * _NC + lax.axis_index("c")
    base = wid * _BPW
    iota = lax.broadcasted_iota(jnp.int32, (_L,), 0)

    pltpu.sync_copy(h_hbm.at[pl.ds(base, _BPW)], h_v)
    pltpu.sync_copy(t_hbm.at[pl.ds(base, _BPW)], t_v)
    pltpu.sync_copy(r_hbm.at[pl.ds(base, _BPW)], rm_v)
    prel_cp = pltpu.make_async_copy(prel_hbm, prel_v, sem2)
    prel_cp.start()

    def _prep_chunk(c, carry):
        idx = c * _L + iota
        rr = plsc.load_gather(rm_v, [idx])
        plsc.store_scatter(rm_v, [idx], lax.rem(rr, jnp.int32(_N_REL)))
        sgn = jnp.where(rr < _N_REL, jnp.float32(1.0), jnp.float32(-1.0))
        plsc.store_scatter(sgn_v, [idx], sgn)
        return carry

    lax.fori_loop(0, _NCHUNK, _prep_chunk, 0)

    def _fires(d):
        esl = entf_hbm.at[d]
        psl = pentf_hbm.at[d]
        return (
            pltpu.make_async_copy(esl.at[h_v], hv_rows.at[d], sem),
            pltpu.make_async_copy(esl.at[t_v], tv_rows.at[d], sem),
            pltpu.make_async_copy(psl.at[h_v], hp_rows.at[d], sem),
            pltpu.make_async_copy(psl.at[t_v], tp_rows.at[d], sem),
            pltpu.make_async_copy(rel_hbm.at[d].at[rm_v], rv_rows.at[d], sem),
        )

    for cp in _fires(0):
        cp.start()

    def _pipe(d, carry):
        for cp in _fires(d):
            cp.start()
        for cp in _fires(d - 1):
            cp.wait()
        return carry

    lax.fori_loop(1, _DIM, _pipe, 0)
    for cp in _fires(_DIM - 1):
        cp.wait()
    prel_cp.wait()

    def _chunk(c, carry):
        eb = pl.multiple_of(c * _L, _L)
        rmc = rm_v[pl.ds(eb, _L)]
        zero = jnp.zeros((_L,), jnp.float32)
        shh = stt = srr = spp = sht = shr = shp = str_ = stp = srp = dh = dt = zero
        for d in range(_DIM):
            dcol = jnp.full((_L,), d, jnp.int32)
            hd = hv_rows[d, pl.ds(eb, _L)]
            td = tv_rows[d, pl.ds(eb, _L)]
            hpd = hp_rows[d, pl.ds(eb, _L)]
            tpd = tp_rows[d, pl.ds(eb, _L)]
            rd = rv_rows[d, pl.ds(eb, _L)]
            pd = plsc.load_gather(prel_v, [dcol, rmc])
            shh += hd * hd
            stt += td * td
            srr += rd * rd
            spp += pd * pd
            sht += hd * td
            shr += hd * rd
            shp += hd * pd
            str_ += td * rd
            stp += td * pd
            srp += rd * pd
            dh += hd * hpd
            dt += td * tpd

        a = _rsqrt(jnp.maximum(shh, _TINY))
        cc = _rsqrt(jnp.maximum(stt, _TINY))
        rin = _rsqrt(jnp.maximum(srr, _TINY))
        bh = a * dh
        bt = cc * dt
        yh = a * a * shh + 2.0 * a * bh * shp + bh * bh * spp
        yt = cc * cc * stt + 2.0 * cc * bt * stp + bt * bt * spp
        iyh = _rsqrt(jnp.maximum(yh, _TINY))
        iyt = _rsqrt(jnp.maximum(yt, _TINY))
        sgn = sgn_v[pl.ds(eb, _L)]
        ch = iyh * a
        ct = -(iyt * cc)
        cr = sgn * rin
        cp_ = iyh * bh - iyt * bt
        s = (ch * ch * shh + ct * ct * stt + cr * cr * srr + cp_ * cp_ * spp
             + 2.0 * (ch * ct * sht + ch * cr * shr + ch * cp_ * shp
                      + ct * cr * str_ + ct * cp_ * stp + cr * cp_ * srp))
        s = jnp.maximum(s, 0.0)
        dist = s * _rsqrt(jnp.maximum(s, _TINY))
        out_v[pl.ds(eb, _L)] = _GAMMA - dist
        return carry

    lax.fori_loop(0, _NCHUNK, _chunk, 0)

    pltpu.sync_copy(out_v, out_hbm.at[pl.ds(base, _BPW)])


_score = pl.kernel(
    _score_body,
    out_type=jax.ShapeDtypeStruct((_BATCH,), jnp.float32),
    mesh=plsc.VectorSubcoreMesh(core_axis_name="c", subcore_axis_name="s"),
    compiler_params=pltpu.CompilerParams(
        needs_layout_passes=False, use_tc_tiling_on_sc=False),
    scratch_types=[
        pltpu.VMEM((_BPW,), jnp.int32),
        pltpu.VMEM((_BPW,), jnp.int32),
        pltpu.VMEM((_BPW,), jnp.int32),
        pltpu.VMEM((_BPW,), jnp.float32),
        pltpu.VMEM((_DIM, _BPW), jnp.float32),
        pltpu.VMEM((_DIM, _BPW), jnp.float32),
        pltpu.VMEM((_DIM, _BPW), jnp.float32),
        pltpu.VMEM((_DIM, _BPW), jnp.float32),
        pltpu.VMEM((_DIM, _BPW), jnp.float32),
        pltpu.VMEM((_DIM, _N_REL), jnp.float32),
        pltpu.VMEM((_BPW,), jnp.float32),
        pltpu.SemaphoreType.DMA,
        pltpu.SemaphoreType.DMA,
    ],
)


def kernel(h, r, t, ent_embed, rel_embed, proj_ent_embed, proj_rel_embed):
    h = jnp.asarray(h, jnp.int32)
    r = jnp.asarray(r, jnp.int32)
    t = jnp.asarray(t, jnp.int32)
    return _score(h, r, t, ent_embed.T, proj_ent_embed.T,
                  rel_embed.T, proj_rel_embed.T)

# --- scband reference (transcript-rebuilt; emitter-appended) ---
"""Pipeline reference for scband-trans-d-22316650070811 (READ-ONLY COPY).

The authoritative reference and input builder live on the scoring server;
editing this copy changes nothing except your own understanding.
"""

import jax, jax.numpy as jnp
import numpy as np

N_ENT = 1000000
N_REL = 1000
DIM = 32
BATCH = 16384
GAMMA = 12.0
P = 2


def _l2norm(x, axis=-1, eps=1e-12):
    n = jnp.linalg.norm(x, ord=2, axis=axis, keepdims=True)
    return x / jnp.maximum(n, eps)


def setup_inputs(seed: int = 0) -> dict:
    key = jax.random.key(seed)
    k1, k2, k3, k4, k5, k6, k7 = jax.random.split(key, 7)
    # xavier_uniform bound = sqrt(6/(fan_in+fan_out))
    b_ent = float(np.sqrt(6.0 / (N_ENT + DIM)))
    b_rel = float(np.sqrt(6.0 / (N_REL + DIM)))
    ent_embed = jax.random.uniform(k1, (N_ENT, DIM), jnp.float32, -b_ent, b_ent)
    rel_embed = jax.random.uniform(k2, (N_REL, DIM), jnp.float32, -b_rel, b_rel)
    proj_ent_embed = jax.random.uniform(k3, (N_ENT, DIM), jnp.float32, -b_ent, b_ent)
    proj_rel_embed = jax.random.uniform(k4, (N_REL, DIM), jnp.float32, -b_rel, b_rel)
    h = jax.random.randint(k5, (BATCH,), 0, N_ENT, dtype=jnp.int64 if jax.config.jax_enable_x64 else jnp.int32)
    r = jax.random.randint(k6, (BATCH,), 0, 2 * N_REL, dtype=jnp.int64 if jax.config.jax_enable_x64 else jnp.int32)
    t = jax.random.randint(k7, (BATCH,), 0, N_ENT, dtype=jnp.int64 if jax.config.jax_enable_x64 else jnp.int32)
    return {
        "h": h, "r": r, "t": t,
        "ent_embed": ent_embed, "rel_embed": rel_embed,
        "proj_ent_embed": proj_ent_embed, "proj_rel_embed": proj_rel_embed,
    }


def _transfer(e, e_t, r_t):
    return _l2norm(e + jnp.sum(e * e_t, axis=-1, keepdims=True) * r_t)


def reference(h, r, t, ent_embed, rel_embed, proj_ent_embed, proj_rel_embed):
    proj_rel_cat = jnp.concatenate([proj_rel_embed, proj_rel_embed], axis=0)
    r_t = jnp.take(proj_rel_cat, r, axis=0)
    h_t = jnp.take(proj_ent_embed, h, axis=0)
    t_t = jnp.take(proj_ent_embed, t, axis=0)
    rel_cat = jnp.concatenate([rel_embed, -rel_embed], axis=0)
    rv = jnp.take(rel_cat, r, axis=0)
    hv = jnp.take(ent_embed, h, axis=0)
    tv = jnp.take(ent_embed, t, axis=0)
    hv = _l2norm(hv)
    tv = _l2norm(tv)
    rv = _l2norm(rv)
    hv = _transfer(hv, h_t, r_t)
    tv = _transfer(tv, t_t, r_t)
    dist = hv + rv - tv
    score = GAMMA - jnp.linalg.norm(dist, ord=P, axis=-1)
    return score

if __name__ == "__main__":
    import jax
    _d = setup_inputs()
    print(jax.jit(kernel)(*tuple(_d.values())))

</pallas_src>

<mosaic_0001>
#map = affine_map<(d0, d1) -> (0)>
#map1 = affine_map<(d0, d1) -> (0, 0)>
module attributes {stable_mosaic.version = 14 : i64} {
  func.func @_score_body(%arg0: i32, %arg1: i32, %arg2: memref<16384xi32, #tpu.memory_space<hbm>>, %arg3: memref<16384xi32, #tpu.memory_space<hbm>>, %arg4: memref<16384xi32, #tpu.memory_space<hbm>>, %arg5: memref<32x1000000xf32, #tpu.memory_space<hbm>>, %arg6: memref<32x1000000xf32, #tpu.memory_space<hbm>>, %arg7: memref<32x1000xf32, #tpu.memory_space<hbm>>, %arg8: memref<32x1000xf32, #tpu.memory_space<hbm>>, %arg9: memref<16384xf32, #tpu.memory_space<hbm>>, %arg10: memref<512xi32, #tpu.memory_space<vmem>>, %arg11: memref<512xi32, #tpu.memory_space<vmem>>, %arg12: memref<512xi32, #tpu.memory_space<vmem>>, %arg13: memref<512xf32, #tpu.memory_space<vmem>>, %arg14: memref<32x512xf32, #tpu.memory_space<vmem>>, %arg15: memref<32x512xf32, #tpu.memory_space<vmem>>, %arg16: memref<32x512xf32, #tpu.memory_space<vmem>>, %arg17: memref<32x512xf32, #tpu.memory_space<vmem>>, %arg18: memref<32x512xf32, #tpu.memory_space<vmem>>, %arg19: memref<32x1000xf32, #tpu.memory_space<vmem>>, %arg20: memref<512xf32, #tpu.memory_space<vmem>>, %arg21: memref<!tpu.dma_semaphore, #tpu.memory_space<semaphore_mem>>, %arg22: memref<!tpu.dma_semaphore, #tpu.memory_space<semaphore_mem>>) attributes {dimension_semantics = [#tpu.dimension_semantics<core_parallel>, #tpu.dimension_semantics<subcore_parallel>], iteration_bounds = array<i64: 2, 16>, scalar_prefetch = 0 : i64, scratch_operands = 13 : i64, tpu.core_type = #tpu.core_type<sc_vector_subcore>, window_params = [{transform_indices = #map}, {transform_indices = #map}, {transform_indices = #map}, {transform_indices = #map1}, {transform_indices = #map1}, {transform_indices = #map1}, {transform_indices = #map1}, {transform_indices = #map}]} {
    %mul3A = arith.constant 2 : i32
    %mul3A_0 = arith.muli %arg1, %mul3A : i32
    %add3A = arith.addi %mul3A_0, %arg0 : i32
    %mul3A_1 = arith.constant 512 : i32
    %mul3A_2 = arith.muli %add3A, %mul3A_1 : i32
    %iota3A = tpu.iota {dimensions = array<i32: 0>} : vector<16xi32>
    "tpu.region"() ({
      %run_scoped3A = tpu.sem_alloc : memref<!tpu.dma_semaphore, #tpu.memory_space<semaphore_mem>>
      %dma_start3A_118 = tpu.memref_slice %arg2[%mul3A_2] : memref<16384xi32, #tpu.memory_space<hbm>> -> memref<512xi32, #tpu.memory_space<hbm>>
      %dma_start3A_119 = tpu.memref_slice %arg2[%mul3A_2] : memref<16384xi32, #tpu.memory_space<hbm>> -> memref<512xi32, #tpu.memory_space<hbm>>
      tpu.enqueue_dma source(%dma_start3A_119 : memref<512xi32, #tpu.memory_space<hbm>>) target(%arg10 : memref<512xi32, #tpu.memory_space<vmem>>) target_semaphore(%run_scoped3A : memref<!tpu.dma_semaphore, #tpu.memory_space<semaphore_mem>>)
      %dma_wait3A_120 = tpu.memref_slice %arg2[%mul3A_2] : memref<16384xi32, #tpu.memory_space<hbm>> -> memref<512xi32, #tpu.memory_space<hbm>>
      %dma_wait3A_121 = tpu.memref_slice %arg2[%mul3A_2] : memref<16384xi32, #tpu.memory_space<hbm>> -> memref<512xi32, #tpu.memory_space<hbm>>
      tpu.wait_dma2 semaphore(%run_scoped3A : memref<!tpu.dma_semaphore, #tpu.memory_space<semaphore_mem>>) src(%dma_wait3A_121 : memref<512xi32, #tpu.memory_space<hbm>>) dst(%arg10 : memref<512xi32, #tpu.memory_space<vmem>>)
      tpu.yield
    }) : () -> ()
    "tpu.region"() ({
      %run_scoped3A = tpu.sem_alloc : memref<!tpu.dma_semaphore, #tpu.memory_space<semaphore_mem>>
      %dma_start3A_118 = tpu.memref_slice %arg4[%mul3A_2] : memref<16384xi32, #tpu.memory_space<hbm>> -> memref<512xi32, #tpu.memory_space<hbm>>
      %dma_start3A_119 = tpu.memref_slice %arg4[%mul3A_2] : memref<16384xi32, #tpu.memory_space<hbm>> -> memref<512xi32, #tpu.memory_space<hbm>>
      tpu.enqueue_dma source(%dma_start3A_119 : memref<512xi32, #tpu.memory_space<hbm>>) target(%arg11 : memref<512xi32, #tpu.memory_space<vmem>>) target_semaphore(%run_scoped3A : memref<!tpu.dma_semaphore, #tpu.memory_space<semaphore_mem>>)
      %dma_wait3A_120 = tpu.memref_slice %arg4[%mul3A_2] : memref<16384xi32, #tpu.memory_space<hbm>> -> memref<512xi32, #tpu.memory_space<hbm>>
      %dma_wait3A_121 = tpu.memref_slice %arg4[%mul3A_2] : memref<16384xi32, #tpu.memory_space<hbm>> -> memref<512xi32, #tpu.memory_space<hbm>>
      tpu.wait_dma2 semaphore(%run_scoped3A : memref<!tpu.dma_semaphore, #tpu.memory_space<semaphore_mem>>) src(%dma_wait3A_121 : memref<512xi32, #tpu.memory_space<hbm>>) dst(%arg11 : memref<512xi32, #tpu.memory_space<vmem>>)
      tpu.yield
    }) : () -> ()
    "tpu.region"() ({
      %run_scoped3A = tpu.sem_alloc : memref<!tpu.dma_semaphore, #tpu.memory_space<semaphore_mem>>
      %dma_start3A_118 = tpu.memref_slice %arg3[%mul3A_2] : memref<16384xi32, #tpu.memory_space<hbm>> -> memref<512xi32, #tpu.memory_space<hbm>>
      %dma_start3A_119 = tpu.memref_slice %arg3[%mul3A_2] : memref<16384xi32, #tpu.memory_space<hbm>> -> memref<512xi32, #tpu.memory_space<hbm>>
      tpu.enqueue_dma source(%dma_start3A_119 : memref<512xi32, #tpu.memory_space<hbm>>) target(%arg12 : memref<512xi32, #tpu.memory_space<vmem>>) target_semaphore(%run_scoped3A : memref<!tpu.dma_semaphore, #tpu.memory_space<semaphore_mem>>)
      %dma_wait3A_120 = tpu.memref_slice %arg3[%mul3A_2] : memref<16384xi32, #tpu.memory_space<hbm>> -> memref<512xi32, #tpu.memory_space<hbm>>
      %dma_wait3A_121 = tpu.memref_slice %arg3[%mul3A_2] : memref<16384xi32, #tpu.memory_space<hbm>> -> memref<512xi32, #tpu.memory_space<hbm>>
      tpu.wait_dma2 semaphore(%run_scoped3A : memref<!tpu.dma_semaphore, #tpu.memory_space<semaphore_mem>>) src(%dma_wait3A_121 : memref<512xi32, #tpu.memory_space<hbm>>) dst(%arg12 : memref<512xi32, #tpu.memory_space<vmem>>)
      tpu.yield
    }) : () -> ()
    tpu.enqueue_dma source(%arg8 : memref<32x1000xf32, #tpu.memory_space<hbm>>) target(%arg19 : memref<32x1000xf32, #tpu.memory_space<vmem>>) target_semaphore(%arg22 : memref<!tpu.dma_semaphore, #tpu.memory_space<semaphore_mem>>)
    %scan3A = arith.constant 0 : i32
    %scan3A_3 = arith.constant 0 : i32
    %scan3A_4 = arith.constant 32 : i32
    %scan3A_5 = arith.addi %scan3A_3, %scan3A_4 : i32
    %scan3A_6 = arith.constant 1 : i32
    scf.for %scan3A_118 = %scan3A_3 to %scan3A_5 step %scan3A_6  : i32 {
      %mul3A_119 = arith.constant 16 : i32
      %mul3A_120 = arith.muli %scan3A_118, %mul3A_119 : i32
      %add3A_121 = vector.broadcast %mul3A_120 : i32 to vector<16xi32>
      %add3A_122 = arith.addi %add3A_121, %iota3A : vector<16xi32>
      %gather3A = tpu.vector_load_idx %arg12[%add3A_122] : memref<512xi32, #tpu.memory_space<vmem>>[vector<16xi32>], vector<16xi32>,
      %rem3A = arith.constant 1000 : i32
      %rem3A_123 = vector.broadcast %rem3A : i32 to vector<16xi32>
      %rem3A_124 = arith.remsi %gather3A, %rem3A_123 : vector<16xi32>
      tpu.vector_store_idx %arg12[%add3A_122], %rem3A_124 : memref<512xi32, #tpu.memory_space<vmem>>[vector<16xi32>], vector<16xi32>,
      %lt3A = arith.constant 1000 : i32
      %lt3A_125 = vector.broadcast %lt3A : i32 to vector<16xi32>
      %lt3A_126 = arith.cmpi slt, %gather3A, %lt3A_125 : vector<16xi32>
      %jit3A = arith.constant 1.000000e+00 : f32
      %jit3A_127 = arith.constant -1.000000e+00 : f32
      %broadcast_in_dim3A = vector.broadcast %jit3A : f32 to vector<16xf32>
      %broadcast_in_dim3A_128 = vector.broadcast %jit3A_127 : f32 to vector<16xf32>
      %select_n3A = arith.select %lt3A_126, %broadcast_in_dim3A, %broadcast_in_dim3A_128 : vector<16xi1>, vector<16xf32>
      tpu.vector_store_idx %arg13[%add3A_122], %select_n3A : memref<512xf32, #tpu.memory_space<vmem>>[vector<16xi32>], vector<16xf32>,
    }
    %scan3A_7 = arith.constant 32 : i32
    %dma_start3A = arith.constant 0 : i32
    %dma_start3A_8 = arith.constant 0 : i32
    %dma_start3A_9 = arith.constant 0 : i32
    %dma_start3A_10 = tpu.memref_slice %arg14[%dma_start3A_8, %dma_start3A_9] : memref<32x512xf32, #tpu.memory_space<vmem>> -> memref<1x512xf32, #tpu.memory_space<vmem>>
    %dma_start3A_11 = tpu.memref_squeeze %dma_start3A_10 : memref<1x512xf32, #tpu.memory_space<vmem>> -> memref<512xf32, #tpu.memory_space<vmem>>
    %dma_start3A_12 = arith.constant 0 : i32
    %dma_start3A_13 = tpu.memref_slice %arg5[%dma_start3A, %dma_start3A_12] : memref<32x1000000xf32, #tpu.memory_space<hbm>> -> memref<1x1000000xf32, #tpu.memory_space<hbm>>
    %dma_start3A_14 = tpu.memref_squeeze %dma_start3A_13 : memref<1x1000000xf32, #tpu.memory_space<hbm>> -> memref<1000000xf32, #tpu.memory_space<hbm>>
    %dma_start3A_15 = arith.constant 0 : i32
    %dma_start3A_16 = tpu.memref_slice %dma_start3A_14[%dma_start3A_15] : memref<1000000xf32, #tpu.memory_space<hbm>> -> memref<1000000xf32, #tpu.memory_space<hbm>>
    tpu.enqueue_indirect_dma source(%dma_start3A_16 : memref<1000000xf32, #tpu.memory_space<hbm>>) target(%dma_start3A_11 : memref<512xf32, #tpu.memory_space<vmem>>) offsets(%arg10 : memref<512xi32, #tpu.memory_space<vmem>>) semaphore(%arg21 : memref<!tpu.dma_semaphore, #tpu.memory_space<semaphore_mem>>)
    %dma_start3A_17 = arith.constant 0 : i32
    %dma_start3A_18 = arith.constant 0 : i32
    %dma_start3A_19 = arith.constant 0 : i32
    %dma_start3A_20 = tpu.memref_slice %arg15[%dma_start3A_18, %dma_start3A_19] : memref<32x512xf32, #tpu.memory_space<vmem>> -> memref<1x512xf32, #tpu.memory_space<vmem>>
    %dma_start3A_21 = tpu.memref_squeeze %dma_start3A_20 : memref<1x512xf32, #tpu.memory_space<vmem>> -> memref<512xf32, #tpu.memory_space<vmem>>
    %dma_start3A_22 = arith.constant 0 : i32
    %dma_start3A_23 = tpu.memref_slice %arg5[%dma_start3A_17, %dma_start3A_22] : memref<32x1000000xf32, #tpu.memory_space<hbm>> -> memref<1x1000000xf32, #tpu.memory_space<hbm>>
    %dma_start3A_24 = tpu.memref_squeeze %dma_start3A_23 : memref<1x1000000xf32, #tpu.memory_space<hbm>> -> memref<1000000xf32, #tpu.memory_space<hbm>>
    %dma_start3A_25 = arith.constant 0 : i32
    %dma_start3A_26 = tpu.memref_slice %dma_start3A_24[%dma_start3A_25] : memref<1000000xf32, #tpu.memory_space<hbm>> -> memref<1000000xf32, #tpu.memory_space<hbm>>
    tpu.enqueue_indirect_dma source(%dma_start3A_26 : memref<1000000xf32, #tpu.memory_space<hbm>>) target(%dma_start3A_21 : memref<512xf32, #tpu.memory_space<vmem>>) offsets(%arg11 : memref<512xi32, #tpu.memory_space<vmem>>) semaphore(%arg21 : memref<!tpu.dma_semaphore, #tpu.memory_space<semaphore_mem>>)
    %dma_start3A_27 = arith.constant 0 : i32
    %dma_start3A_28 = arith.constant 0 : i32
    %dma_start3A_29 = arith.constant 0 : i32
    %dma_start3A_30 = tpu.memref_slice %arg16[%dma_start3A_28, %dma_start3A_29] : memref<32x512xf32, #tpu.memory_space<vmem>> -> memref<1x512xf32, #tpu.memory_space<vmem>>
    %dma_start3A_31 = tpu.memref_squeeze %dma_start3A_30 : memref<1x512xf32, #tpu.memory_space<vmem>> -> memref<512xf32, #tpu.memory_space<vmem>>
    %dma_start3A_32 = arith.constant 0 : i32
    %dma_start3A_33 = tpu.memref_slice %arg6[%dma_start3A_27, %dma_start3A_32] : memref<32x1000000xf32, #tpu.memory_space<hbm>> -> memref<1x1000000xf32, #tpu.memory_space<hbm>>
    %dma_start3A_34 = tpu.memref_squeeze %dma_start3A_33 : memref<1x1000000xf32, #tpu.memory_space<hbm>> -> memref<1000000xf32, #tpu.memory_space<hbm>>
    %dma_start3A_35 = arith.constant 0 : i32
    %dma_start3A_36 = tpu.memref_slice %dma_start3A_34[%dma_start3A_35] : memref<1000000xf32, #tpu.memory_space<hbm>> -> memref<1000000xf32, #tpu.memory_space<hbm>>
    tpu.enqueue_indirect_dma source(%dma_start3A_36 : memref<1000000xf32, #tpu.memory_space<hbm>>) target(%dma_start3A_31 : memref<512xf32, #tpu.memory_space<vmem>>) offsets(%arg10 : memref<512xi32, #tpu.memory_space<vmem>>) semaphore(%arg21 : memref<!tpu.dma_semaphore, #tpu.memory_space<semaphore_mem>>)
    %dma_start3A_37 = arith.constant 0 : i32
    %dma_start3A_38 = arith.constant 0 : i32
    %dma_start3A_39 = arith.constant 0 : i32
    %dma_start3A_40 = tpu.memref_slice %arg17[%dma_start3A_38, %dma_start3A_39] : memref<32x512xf32, #tpu.memory_space<vmem>> -> memref<1x512xf32, #tpu.memory_space<vmem>>
    %dma_start3A_41 = tpu.memref_squeeze %dma_start3A_40 : memref<1x512xf32, #tpu.memory_space<vmem>> -> memref<512xf32, #tpu.memory_space<vmem>>
    %dma_start3A_42 = arith.constant 0 : i32
    %dma_start3A_43 = tpu.memref_slice %arg6[%dma_start3A_37, %dma_start3A_42] : memref<32x1000000xf32, #tpu.memory_space<hbm>> -> memref<1x1000000xf32, #tpu.memory_space<hbm>>
    %dma_start3A_44 = tpu.memref_squeeze %dma_start3A_43 : memref<1x1000000xf32, #tpu.memory_space<hbm>> -> memref<1000000xf32, #tpu.memory_space<hbm>>
    %dma_start3A_45 = arith.constant 0 : i32
    %dma_start3A_46 = tpu.memref_slice %dma_start3A_44[%dma_start3A_45] : memref<1000000xf32, #tpu.memory_space<hbm>> -> memref<1000000xf32, #tpu.memory_space<hbm>>
    tpu.enqueue_indirect_dma source(%dma_start3A_46 : memref<1000000xf32, #tpu.memory_space<hbm>>) target(%dma_start3A_41 : memref<512xf32, #tpu.memory_space<vmem>>) offsets(%arg11 : memref<512xi32, #tpu.memory_space<vmem>>) semaphore(%arg21 : memref<!tpu.dma_semaphore, #tpu.memory_space<semaphore_mem>>)
    %dma_start3A_47 = arith.constant 0 : i32
    %dma_start3A_48 = arith.constant 0 : i32
    %dma_start3A_49 = arith.constant 0 : i32
    %dma_start3A_50 = tpu.memref_slice %arg18[%dma_start3A_48, %dma_start3A_49] : memref<32x512xf32, #tpu.memory_space<vmem>> -> memref<1x512xf32, #tpu.memory_space<vmem>>
    %dma_start3A_51 = tpu.memref_squeeze %dma_start3A_50 : memref<1x512xf32, #tpu.memory_space<vmem>> -> memref<512xf32, #tpu.memory_space<vmem>>
    %dma_start3A_52 = arith.constant 0 : i32
    %dma_start3A_53 = tpu.memref_slice %arg7[%dma_start3A_47, %dma_start3A_52] : memref<32x1000xf32, #tpu.memory_space<hbm>> -> memref<1x1000xf32, #tpu.memory_space<hbm>>
    %dma_start3A_54 = tpu.memref_squeeze %dma_start3A_53 : memref<1x1000xf32, #tpu.memory_space<hbm>> -> memref<1000xf32, #tpu.memory_space<hbm>>
    %dma_start3A_55 = arith.constant 0 : i32
    %dma_start3A_56 = tpu.memref_slice %dma_start3A_54[%dma_start3A_55] : memref<1000xf32, #tpu.memory_space<hbm>> -> memref<1000xf32, #tpu.memory_space<hbm>>
    tpu.enqueue_indirect_dma source(%dma_start3A_56 : memref<1000xf32, #tpu.memory_space<hbm>>) target(%dma_start3A_51 : memref<512xf32, #tpu.memory_space<vmem>>) offsets(%arg12 : memref<512xi32, #tpu.memory_space<vmem>>) semaphore(%arg21 : memref<!tpu.dma_semaphore, #tpu.memory_space<semaphore_mem>>)
    %scan3A_57 = arith.constant 0 : i32
    %scan3A_58 = arith.constant 1 : i32
    %scan3A_59 = arith.constant 31 : i32
    %scan3A_60 = arith.addi %scan3A_58, %scan3A_59 : i32
    %scan3A_61 = arith.constant 1 : i32
    scf.for %scan3A_118 = %scan3A_58 to %scan3A_60 step %scan3A_61  : i32 {
      %dma_start3A_119 = arith.constant 0 : i32
      %dma_start3A_120 = tpu.memref_slice %arg14[%scan3A_118, %dma_start3A_119] : memref<32x512xf32, #tpu.memory_space<vmem>> -> memref<1x512xf32, #tpu.memory_space<vmem>>
      %dma_start3A_121 = tpu.memref_squeeze %dma_start3A_120 : memref<1x512xf32, #tpu.memory_space<vmem>> -> memref<512xf32, #tpu.memory_space<vmem>>
      %dma_start3A_122 = arith.constant 0 : i32
      %dma_start3A_123 = tpu.memref_slice %arg5[%scan3A_118, %dma_start3A_122] : memref<32x1000000xf32, #tpu.memory_space<hbm>> -> memref<1x1000000xf32, #tpu.memory_space<hbm>>
      %dma_start3A_124 = tpu.memref_squeeze %dma_start3A_123 : memref<1x1000000xf32, #tpu.memory_space<hbm>> -> memref<1000000xf32, #tpu.memory_space<hbm>>
      %dma_start3A_125 = arith.constant 0 : i32
      %dma_start3A_126 = tpu.memref_slice %dma_start3A_124[%dma_start3A_125] : memref<1000000xf32, #tpu.memory_space<hbm>> -> memref<1000000xf32, #tpu.memory_space<hbm>>
      tpu.enqueue_indirect_dma source(%dma_start3A_126 : memref<1000000xf32, #tpu.memory_space<hbm>>) target(%dma_start3A_121 : memref<512xf32, #tpu.memory_space<vmem>>) offsets(%arg10 : memref<512xi32, #tpu.memory_space<vmem>>) semaphore(%arg21 : memref<!tpu.dma_semaphore, #tpu.memory_space<semaphore_mem>>)
      %dma_start3A_127 = arith.constant 0 : i32
      %dma_start3A_128 = tpu.memref_slice %arg15[%scan3A_118, %dma_start3A_127] : memref<32x512xf32, #tpu.memory_space<vmem>> -> memref<1x512xf32, #tpu.memory_space<vmem>>
      %dma_start3A_129 = tpu.memref_squeeze %dma_start3A_128 : memref<1x512xf32, #tpu.memory_space<vmem>> -> memref<512xf32, #tpu.memory_space<vmem>>
      %dma_start3A_130 = arith.constant 0 : i32
      %dma_start3A_131 = tpu.memref_slice %arg5[%scan3A_118, %dma_start3A_130] : memref<32x1000000xf32, #tpu.memory_space<hbm>> -> memref<1x1000000xf32, #tpu.memory_space<hbm>>
      %dma_start3A_132 = tpu.memref_squeeze %dma_start3A_131 : memref<1x1000000xf32, #tpu.memory_space<hbm>> -> memref<1000000xf32, #tpu.memory_space<hbm>>
      %dma_start3A_133 = arith.constant 0 : i32
      %dma_start3A_134 = tpu.memref_slice %dma_start3A_132[%dma_start3A_133] : memref<1000000xf32, #tpu.memory_space<hbm>> -> memref<1000000xf32, #tpu.memory_space<hbm>>
      tpu.enqueue_indirect_dma source(%dma_start3A_134 : memref<1000000xf32, #tpu.memory_space<hbm>>) target(%dma_start3A_129 : memref<512xf32, #tpu.memory_space<vmem>>) offsets(%arg11 : memref<512xi32, #tpu.memory_space<vmem>>) semaphore(%arg21 : memref<!tpu.dma_semaphore, #tpu.memory_space<semaphore_mem>>)
      %dma_start3A_135 = arith.constant 0 : i32
      %dma_start3A_136 = tpu.memref_slice %arg16[%scan3A_118, %dma_start3A_135] : memref<32x512xf32, #tpu.memory_space<vmem>> -> memref<1x512xf32, #tpu.memory_space<vmem>>
      %dma_start3A_137 = tpu.memref_squeeze %dma_start3A_136 : memref<1x512xf32, #tpu.memory_space<vmem>> -> memref<512xf32, #tpu.memory_space<vmem>>
      %dma_start3A_138 = arith.constant 0 : i32
      %dma_start3A_139 = tpu.memref_slice %arg6[%scan3A_118, %dma_start3A_138] : memref<32x1000000xf32, #tpu.memory_space<hbm>> -> memref<1x1000000xf32, #tpu.memory_space<hbm>>
      %dma_start3A_140 = tpu.memref_squeeze %dma_start3A_139 : memref<1x1000000xf32, #tpu.memory_space<hbm>> -> memref<1000000xf32, #tpu.memory_space<hbm>>
      %dma_start3A_141 = arith.constant 0 : i32
      %dma_start3A_142 = tpu.memref_slice %dma_start3A_140[%dma_start3A_141] : memref<1000000xf32, #tpu.memory_space<hbm>> -> memref<1000000xf32, #tpu.memory_space<hbm>>
      tpu.enqueue_indirect_dma source(%dma_start3A_142 : memref<1000000xf32, #tpu.memory_space<hbm>>) target(%dma_start3A_137 : memref<512xf32, #tpu.memory_space<vmem>>) offsets(%arg10 : memref<512xi32, #tpu.memory_space<vmem>>) semaphore(%arg21 : memref<!tpu.dma_semaphore, #tpu.memory_space<semaphore_mem>>)
      %dma_start3A_143 = arith.constant 0 : i32
      %dma_start3A_144 = tpu.memref_slice %arg17[%scan3A_118, %dma_start3A_143] : memref<32x512xf32, #tpu.memory_space<vmem>> -> memref<1x512xf32, #tpu.memory_space<vmem>>
      %dma_start3A_145 = tpu.memref_squeeze %dma_start3A_144 : memref<1x512xf32, #tpu.memory_space<vmem>> -> memref<512xf32, #tpu.memory_space<vmem>>
      %dma_start3A_146 = arith.constant 0 : i32
      %dma_start3A_147 = tpu.memref_slice %arg6[%scan3A_118, %dma_start3A_146] : memref<32x1000000xf32, #tpu.memory_space<hbm>> -> memref<1x1000000xf32, #tpu.memory_space<hbm>>
      %dma_start3A_148 = tpu.memref_squeeze %dma_start3A_147 : memref<1x1000000xf32, #tpu.memory_space<hbm>> -> memref<1000000xf32, #tpu.memory_space<hbm>>
      %dma_start3A_149 = arith.constant 0 : i32
      %dma_start3A_150 = tpu.memref_slice %dma_start3A_148[%dma_start3A_149] : memref<1000000xf32, #tpu.memory_space<hbm>> -> memref<1000000xf32, #tpu.memory_space<hbm>>
      tpu.enqueue_indirect_dma source(%dma_start3A_150 : memref<1000000xf32, #tpu.memory_space<hbm>>) target(%dma_start3A_145 : memref<512xf32, #tpu.memory_space<vmem>>) offsets(%arg11 : memref<512xi32, #tpu.memory_space<vmem>>) semaphore(%arg21 : memref<!tpu.dma_semaphore, #tpu.memory_space<semaphore_mem>>)
      %dma_start3A_151 = arith.constant 0 : i32
      %dma_start3A_152 = tpu.memref_slice %arg18[%scan3A_118, %dma_start3A_151] : memref<32x512xf32, #tpu.memory_space<vmem>> -> memref<1x512xf32, #tpu.memory_space<vmem>>
      %dma_start3A_153 = tpu.memref_squeeze %dma_start3A_152 : memref<1x512xf32, #tpu.memory_space<vmem>> -> memref<512xf32, #tpu.memory_space<vmem>>
      %dma_start3A_154 = arith.constant 0 : i32
      %dma_start3A_155 = tpu.memref_slice %arg7[%scan3A_118, %dma_start3A_154] : memref<32x1000xf32, #tpu.memory_space<hbm>> -> memref<1x1000xf32, #tpu.memory_space<hbm>>
      %dma_start3A_156 = tpu.memref_squeeze %dma_start3A_155 : memref<1x1000xf32, #tpu.memory_space<hbm>> -> memref<1000xf32, #tpu.memory_space<hbm>>
      %dma_start3A_157 = arith.constant 0 : i32
      %dma_start3A_158 = tpu.memref_slice %dma_start3A_156[%dma_start3A_157] : memref<1000xf32, #tpu.memory_space<hbm>> -> memref<1000xf32, #tpu.memory_space<hbm>>
      tpu.enqueue_indirect_dma source(%dma_start3A_158 : memref<1000xf32, #tpu.memory_space<hbm>>) target(%dma_start3A_153 : memref<512xf32, #tpu.memory_space<vmem>>) offsets(%arg12 : memref<512xi32, #tpu.memory_space<vmem>>) semaphore(%arg21 : memref<!tpu.dma_semaphore, #tpu.memory_space<semaphore_mem>>)
      %sub3A = arith.constant 1 : i32
      %sub3A_159 = arith.subi %scan3A_118, %sub3A : i32
      %dma_wait3A_160 = arith.constant 0 : i32
      %dma_wait3A_161 = tpu.memref_slice %arg14[%sub3A_159, %dma_wait3A_160] : memref<32x512xf32, #tpu.memory_space<vmem>> -> memref<1x512xf32, #tpu.memory_space<vmem>>
      %dma_wait3A_162 = tpu.memref_squeeze %dma_wait3A_161 : memref<1x512xf32, #tpu.memory_space<vmem>> -> memref<512xf32, #tpu.memory_space<vmem>>
      %dma_wait3A_163 = arith.constant 0 : i32
      %dma_wait3A_164 = tpu.memref_slice %arg5[%sub3A_159, %dma_wait3A_163] : memref<32x1000000xf32, #tpu.memory_space<hbm>> -> memref<1x1000000xf32, #tpu.memory_space<hbm>>
      %dma_wait3A_165 = tpu.memref_squeeze %dma_wait3A_164 : memref<1x1000000xf32, #tpu.memory_space<hbm>> -> memref<1000000xf32, #tpu.memory_space<hbm>>
      %dma_wait3A_166 = arith.constant 0 : i32
      %dma_wait3A_167 = tpu.memref_slice %dma_wait3A_165[%dma_wait3A_166] : memref<1000000xf32, #tpu.memory_space<hbm>> -> memref<1000000xf32, #tpu.memory_space<hbm>>
      tpu.wait_indirect_dma semaphore(%arg21 : memref<!tpu.dma_semaphore, #tpu.memory_space<semaphore_mem>>) src(%dma_wait3A_167 : memref<1000000xf32, #tpu.memory_space<hbm>>) dst(%dma_wait3A_162 : memref<512xf32, #tpu.memory_space<vmem>>)
      %dma_wait3A_168 = arith.constant 0 : i32
      %dma_wait3A_169 = tpu.memref_slice %arg15[%sub3A_159, %dma_wait3A_168] : memref<32x512xf32, #tpu.memory_space<vmem>> -> memref<1x512xf32, #tpu.memory_space<vmem>>
      %dma_wait3A_170 = tpu.memref_squeeze %dma_wait3A_169 : memref<1x512xf32, #tpu.memory_space<vmem>> -> memref<512xf32, #tpu.memory_space<vmem>>
      %dma_wait3A_171 = arith.constant 0 : i32
      %dma_wait3A_172 = tpu.memref_slice %arg5[%sub3A_159, %dma_wait3A_171] : memref<32x1000000xf32, #tpu.memory_space<hbm>> -> memref<1x1000000xf32, #tpu.memory_space<hbm>>
      %dma_wait3A_173 = tpu.memref_squeeze %dma_wait3A_172 : memref<1x1000000xf32, #tpu.memory_space<hbm>> -> memref<1000000xf32, #tpu.memory_space<hbm>>
      %dma_wait3A_174 = arith.constant 0 : i32
      %dma_wait3A_175 = tpu.memref_slice %dma_wait3A_173[%dma_wait3A_174] : memref<1000000xf32, #tpu.memory_space<hbm>> -> memref<1000000xf32, #tpu.memory_space<hbm>>
      tpu.wait_indirect_dma semaphore(%arg21 : memref<!tpu.dma_semaphore, #tpu.memory_space<semaphore_mem>>) src(%dma_wait3A_175 : memref<1000000xf32, #tpu.memory_space<hbm>>) dst(%dma_wait3A_170 : memref<512xf32, #tpu.memory_space<vmem>>)
      %dma_wait3A_176 = arith.constant 0 : i32
      %dma_wait3A_177 = tpu.memref_slice %arg16[%sub3A_159, %dma_wait3A_176] : memref<32x512xf32, #tpu.memory_space<vmem>> -> memref<1x512xf32, #tpu.memory_space<vmem>>
      %dma_wait3A_178 = tpu.memref_squeeze %dma_wait3A_177 : memref<1x512xf32, #tpu.memory_space<vmem>> -> memref<512xf32, #tpu.memory_space<vmem>>
      %dma_wait3A_179 = arith.constant 0 : i32
      %dma_wait3A_180 = tpu.memref_slice %arg6[%sub3A_159, %dma_wait3A_179] : memref<32x1000000xf32, #tpu.memory_space<hbm>> -> memref<1x1000000xf32, #tpu.memory_space<hbm>>
      %dma_wait3A_181 = tpu.memref_squeeze %dma_wait3A_180 : memref<1x1000000xf32, #tpu.memory_space<hbm>> -> memref<1000000xf32, #tpu.memory_space<hbm>>
      %dma_wait3A_182 = arith.constant 0 : i32
      %dma_wait3A_183 = tpu.memref_slice %dma_wait3A_181[%dma_wait3A_182] : memref<1000000xf32, #tpu.memory_space<hbm>> -> memref<1000000xf32, #tpu.memory_space<hbm>>
      tpu.wait_indirect_dma semaphore(%arg21 : memref<!tpu.dma_semaphore, #tpu.memory_space<semaphore_mem>>) src(%dma_wait3A_183 : memref<1000000xf32, #tpu.memory_space<hbm>>) dst(%dma_wait3A_178 : memref<512xf32, #tpu.memory_space<vmem>>)
      %dma_wait3A_184 = arith.constant 0 : i32
      %dma_wait3A_185 = tpu.memref_slice %arg17[%sub3A_159, %dma_wait3A_184] : memref<32x512xf32, #tpu.memory_space<vmem>> -> memref<1x512xf32, #tpu.memory_space<vmem>>
      %dma_wait3A_186 = tpu.memref_squeeze %dma_wait3A_185 : memref<1x512xf32, #tpu.memory_space<vmem>> -> memref<512xf32, #tpu.memory_space<vmem>>
      %dma_wait3A_187 = arith.constant 0 : i32
      %dma_wait3A_188 = tpu.memref_slice %arg6[%sub3A_159, %dma_wait3A_187] : memref<32x1000000xf32, #tpu.memory_space<hbm>> -> memref<1x1000000xf32, #tpu.memory_space<hbm>>
      %dma_wait3A_189 = tpu.memref_squeeze %dma_wait3A_188 : memref<1x1000000xf32, #tpu.memory_space<hbm>> -> memref<1000000xf32, #tpu.memory_space<hbm>>
      %dma_wait3A_190 = arith.constant 0 : i32
      %dma_wait3A_191 = tpu.memref_slice %dma_wait3A_189[%dma_wait3A_190] : memref<1000000xf32, #tpu.memory_space<hbm>> -> memref<1000000xf32, #tpu.memory_space<hbm>>
      tpu.wait_indirect_dma semaphore(%arg21 : memref<!tpu.dma_semaphore, #tpu.memory_space<semaphore_mem>>) src(%dma_wait3A_191 : memref<1000000xf32, #tpu.memory_space<hbm>>) dst(%dma_wait3A_186 : memref<512xf32, #tpu.memory_space<vmem>>)
      %dma_wait3A_192 = arith.constant 0 : i32
      %dma_wait3A_193 = tpu.memref_slice %arg18[%sub3A_159, %dma_wait3A_192] : memref<32x512xf32, #tpu.memory_space<vmem>> -> memref<1x512xf32, #tpu.memory_space<vmem>>
      %dma_wait3A_194 = tpu.memref_squeeze %dma_wait3A_193 : memref<1x512xf32, #tpu.memory_space<vmem>> -> memref<512xf32, #tpu.memory_space<vmem>>
      %dma_wait3A_195 = arith.constant 0 : i32
      %dma_wait3A_196 = tpu.memref_slice %arg7[%sub3A_159, %dma_wait3A_195] : memref<32x1000xf32, #tpu.memory_space<hbm>> -> memref<1x1000xf32, #tpu.memory_space<hbm>>
      %dma_wait3A_197 = tpu.memref_squeeze %dma_wait3A_196 : memref<1x1000xf32, #tpu.memory_space<hbm>> -> memref<1000xf32, #tpu.memory_space<hbm>>
      %dma_wait3A_198 = arith.constant 0 : i32
      %dma_wait3A_199 = tpu.memref_slice %dma_wait3A_197[%dma_wait3A_198] : memref<1000xf32, #tpu.memory_space<hbm>> -> memref<1000xf32, #tpu.memory_space<hbm>>
      tpu.wait_indirect_dma semaphore(%arg21 : memref<!tpu.dma_semaphore, #tpu.memory_space<semaphore_mem>>) src(%dma_wait3A_199 : memref<1000xf32, #tpu.memory_space<hbm>>) dst(%dma_wait3A_194 : memref<512xf32, #tpu.memory_space<vmem>>)
    }
    %scan3A_62 = arith.constant 31 : i32
    %dma_wait3A = arith.constant 31 : i32
    %dma_wait3A_63 = arith.constant 31 : i32
    %dma_wait3A_64 = arith.constant 0 : i32
    %dma_wait3A_65 = tpu.memref_slice %arg14[%dma_wait3A_63, %dma_wait3A_64] : memref<32x512xf32, #tpu.memory_space<vmem>> -> memref<1x512xf32, #tpu.memory_space<vmem>>
    %dma_wait3A_66 = tpu.memref_squeeze %dma_wait3A_65 : memref<1x512xf32, #tpu.memory_space<vmem>> -> memref<512xf32, #tpu.memory_space<vmem>>
    %dma_wait3A_67 = arith.constant 0 : i32
    %dma_wait3A_68 = tpu.memref_slice %arg5[%dma_wait3A, %dma_wait3A_67] : memref<32x1000000xf32, #tpu.memory_space<hbm>> -> memref<1x1000000xf32, #tpu.memory_space<hbm>>
    %dma_wait3A_69 = tpu.memref_squeeze %dma_wait3A_68 : memref<1x1000000xf32, #tpu.memory_space<hbm>> -> memref<1000000xf32, #tpu.memory_space<hbm>>
    %dma_wait3A_70 = arith.constant 0 : i32
    %dma_wait3A_71 = tpu.memref_slice %dma_wait3A_69[%dma_wait3A_70] : memref<1000000xf32, #tpu.memory_space<hbm>> -> memref<1000000xf32, #tpu.memory_space<hbm>>
    tpu.wait_indirect_dma semaphore(%arg21 : memref<!tpu.dma_semaphore, #tpu.memory_space<semaphore_mem>>) src(%dma_wait3A_71 : memref<1000000xf32, #tpu.memory_space<hbm>>) dst(%dma_wait3A_66 : memref<512xf32, #tpu.memory_space<vmem>>)
    %dma_wait3A_72 = arith.constant 31 : i32
    %dma_wait3A_73 = arith.constant 31 : i32
    %dma_wait3A_74 = arith.constant 0 : i32
    %dma_wait3A_75 = tpu.memref_slice %arg15[%dma_wait3A_73, %dma_wait3A_74] : memref<32x512xf32, #tpu.memory_space<vmem>> -> memref<1x512xf32, #tpu.memory_space<vmem>>
    %dma_wait3A_76 = tpu.memref_squeeze %dma_wait3A_75 : memref<1x512xf32, #tpu.memory_space<vmem>> -> memref<512xf32, #tpu.memory_space<vmem>>
    %dma_wait3A_77 = arith.constant 0 : i32
    %dma_wait3A_78 = tpu.memref_slice %arg5[%dma_wait3A_72, %dma_wait3A_77] : memref<32x1000000xf32, #tpu.memory_space<hbm>> -> memref<1x1000000xf32, #tpu.memory_space<hbm>>
    %dma_wait3A_79 = tpu.memref_squeeze %dma_wait3A_78 : memref<1x1000000xf32, #tpu.memory_space<hbm>> -> memref<1000000xf32, #tpu.memory_space<hbm>>
    %dma_wait3A_80 = arith.constant 0 : i32
    %dma_wait3A_81 = tpu.memref_slice %dma_wait3A_79[%dma_wait3A_80] : memref<1000000xf32, #tpu.memory_space<hbm>> -> memref<1000000xf32, #tpu.memory_space<hbm>>
    tpu.wait_indirect_dma semaphore(%arg21 : memref<!tpu.dma_semaphore, #tpu.memory_space<semaphore_mem>>) src(%dma_wait3A_81 : memref<1000000xf32, #tpu.memory_space<hbm>>) dst(%dma_wait3A_76 : memref<512xf32, #tpu.memory_space<vmem>>)
    %dma_wait3A_82 = arith.constant 31 : i32
    %dma_wait3A_83 = arith.constant 31 : i32
    %dma_wait3A_84 = arith.constant 0 : i32
    %dma_wait3A_85 = tpu.memref_slice %arg16[%dma_wait3A_83, %dma_wait3A_84] : memref<32x512xf32, #tpu.memory_space<vmem>> -> memref<1x512xf32, #tpu.memory_space<vmem>>
    %dma_wait3A_86 = tpu.memref_squeeze %dma_wait3A_85 : memref<1x512xf32, #tpu.memory_space<vmem>> -> memref<512xf32, #tpu.memory_space<vmem>>
    %dma_wait3A_87 = arith.constant 0 : i32
    %dma_wait3A_88 = tpu.memref_slice %arg6[%dma_wait3A_82, %dma_wait3A_87] : memref<32x1000000xf32, #tpu.memory_space<hbm>> -> memref<1x1000000xf32, #tpu.memory_space<hbm>>
    %dma_wait3A_89 = tpu.memref_squeeze %dma_wait3A_88 : memref<1x1000000xf32, #tpu.memory_space<hbm>> -> memref<1000000xf32, #tpu.memory_space<hbm>>
    %dma_wait3A_90 = arith.constant 0 : i32
    %dma_wait3A_91 = tpu.memref_slice %dma_wait3A_89[%dma_wait3A_90] : memref<1000000xf32, #tpu.memory_space<hbm>> -> memref<1000000xf32, #tpu.memory_space<hbm>>
    tpu.wait_indirect_dma semaphore(%arg21 : memref<!tpu.dma_semaphore, #tpu.memory_space<semaphore_mem>>) src(%dma_wait3A_91 : memref<1000000xf32, #tpu.memory_space<hbm>>) dst(%dma_wait3A_86 : memref<512xf32, #tpu.memory_space<vmem>>)
    %dma_wait3A_92 = arith.constant 31 : i32
    %dma_wait3A_93 = arith.constant 31 : i32
    %dma_wait3A_94 = arith.constant 0 : i32
    %dma_wait3A_95 = tpu.memref_slice %arg17[%dma_wait3A_93, %dma_wait3A_94] : memref<32x512xf32, #tpu.memory_space<vmem>> -> memref<1x512xf32, #tpu.memory_space<vmem>>
    %dma_wait3A_96 = tpu.memref_squeeze %dma_wait3A_95 : memref<1x512xf32, #tpu.memory_space<vmem>> -> memref<512xf32, #tpu.memory_space<vmem>>
    %dma_wait3A_97 = arith.constant 0 : i32
    %dma_wait3A_98 = tpu.memref_slice %arg6[%dma_wait3A_92, %dma_wait3A_97] : memref<32x1000000xf32, #tpu.memory_space<hbm>> -> memref<1x1000000xf32, #tpu.memory_space<hbm>>
    %dma_wait3A_99 = tpu.memref_squeeze %dma_wait3A_98 : memref<1x1000000xf32, #tpu.memory_space<hbm>> -> memref<1000000xf32, #tpu.memory_space<hbm>>
    %dma_wait3A_100 = arith.constant 0 : i32
    %dma_wait3A_101 = tpu.memref_slice %dma_wait3A_99[%dma_wait3A_100] : memref<1000000xf32, #tpu.memory_space<hbm>> -> memref<1000000xf32, #tpu.memory_space<hbm>>
    tpu.wait_indirect_dma semaphore(%arg21 : memref<!tpu.dma_semaphore, #tpu.memory_space<semaphore_mem>>) src(%dma_wait3A_101 : memref<1000000xf32, #tpu.memory_space<hbm>>) dst(%dma_wait3A_96 : memref<512xf32, #tpu.memory_space<vmem>>)
    %dma_wait3A_102 = arith.constant 31 : i32
    %dma_wait3A_103 = arith.constant 31 : i32
    %dma_wait3A_104 = arith.constant 0 : i32
    %dma_wait3A_105 = tpu.memref_slice %arg18[%dma_wait3A_103, %dma_wait3A_104] : memref<32x512xf32, #tpu.memory_space<vmem>> -> memref<1x512xf32, #tpu.memory_space<vmem>>
    %dma_wait3A_106 = tpu.memref_squeeze %dma_wait3A_105 : memref<1x512xf32, #tpu.memory_space<vmem>> -> memref<512xf32, #tpu.memory_space<vmem>>
    %dma_wait3A_107 = arith.constant 0 : i32
    %dma_wait3A_108 = tpu.memref_slice %arg7[%dma_wait3A_102, %dma_wait3A_107] : memref<32x1000xf32, #tpu.memory_space<hbm>> -> memref<1x1000xf32, #tpu.memory_space<hbm>>
    %dma_wait3A_109 = tpu.memref_squeeze %dma_wait3A_108 : memref<1x1000xf32, #tpu.memory_space<hbm>> -> memref<1000xf32, #tpu.memory_space<hbm>>
    %dma_wait3A_110 = arith.constant 0 : i32
    %dma_wait3A_111 = tpu.memref_slice %dma_wait3A_109[%dma_wait3A_110] : memref<1000xf32, #tpu.memory_space<hbm>> -> memref<1000xf32, #tpu.memory_space<hbm>>
    tpu.wait_indirect_dma semaphore(%arg21 : memref<!tpu.dma_semaphore, #tpu.memory_space<semaphore_mem>>) src(%dma_wait3A_111 : memref<1000xf32, #tpu.memory_space<hbm>>) dst(%dma_wait3A_106 : memref<512xf32, #tpu.memory_space<vmem>>)
    tpu.wait_dma2 semaphore(%arg22 : memref<!tpu.dma_semaphore, #tpu.memory_space<semaphore_mem>>) src(%arg8 : memref<32x1000xf32, #tpu.memory_space<hbm>>) dst(%arg19 : memref<32x1000xf32, #tpu.memory_space<vmem>>)
    %scan3A_112 = arith.constant 0 : i32
    %scan3A_113 = arith.constant 0 : i32
    %scan3A_114 = arith.constant 32 : i32
    %scan3A_115 = arith.addi %scan3A_113, %scan3A_114 : i32
    %scan3A_116 = arith.constant 1 : i32
    scf.for %scan3A_118 = %scan3A_113 to %scan3A_115 step %scan3A_116  : i32 {
      %mul3A_119 = arith.constant 16 : i32
      %mul3A_120 = arith.muli %scan3A_118, %mul3A_119 : i32
      %multiple_of3A = tpu.assume_multiple %mul3A_120, 16 : i32
      %get3A = arith.index_cast %multiple_of3A : i32 to index
      %get3A_121 = tpu.vector_load %arg12[%get3A] {strides = array<i32>} : memref<512xi32, #tpu.memory_space<vmem>>, vector<16xi32>,
      %broadcast_in_dim3A = arith.constant 0.000000e+00 : f32
      %broadcast_in_dim3A_122 = vector.broadcast %broadcast_in_dim3A : f32 to vector<16xf32>
      %broadcast_in_dim3A_123 = arith.constant 0 : i32
      %broadcast_in_dim3A_124 = vector.broadcast %broadcast_in_dim3A_123 : i32 to vector<16xi32>
      %get3A_125 = arith.constant 0 : i32
      %get3A_126 = arith.index_cast %get3A_125 : i32 to index
      %get3A_127 = arith.index_cast %multiple_of3A : i32 to index
      %get3A_128 = tpu.vector_load %arg14[%get3A_126, %get3A_127] {strides = array<i32>} : memref<32x512xf32, #tpu.memory_space<vmem>>, vector<16xf32>,
      %get3A_129 = arith.constant 0 : i32
      %get3A_130 = arith.index_cast %get3A_129 : i32 to index
      %get3A_131 = arith.index_cast %multiple_of3A : i32 to index
      %get3A_132 = tpu.vector_load %arg15[%get3A_130, %get3A_131] {strides = array<i32>} : memref<32x512xf32, #tpu.memory_space<vmem>>, vector<16xf32>,
      %get3A_133 = arith.constant 0 : i32
      %get3A_134 = arith.index_cast %get3A_133 : i32 to index
      %get3A_135 = arith.index_cast %multiple_of3A : i32 to index
      %get3A_136 = tpu.vector_load %arg16[%get3A_134, %get3A_135] {strides = array<i32>} : memref<32x512xf32, #tpu.memory_space<vmem>>, vector<16xf32>,
      %get3A_137 = arith.constant 0 : i32
      %get3A_138 = arith.index_cast %get3A_137 : i32 to index
      %get3A_139 = arith.index_cast %multiple_of3A : i32 to index
      %get3A_140 = tpu.vector_load %arg17[%get3A_138, %get3A_139] {strides = array<i32>} : memref<32x512xf32, #tpu.memory_space<vmem>>, vector<16xf32>,
      %get3A_141 = arith.constant 0 : i32
      %get3A_142 = arith.index_cast %get3A_141 : i32 to index
      %get3A_143 = arith.index_cast %multiple_of3A : i32 to index
      %get3A_144 = tpu.vector_load %arg18[%get3A_142, %get3A_143] {strides = array<i32>} : memref<32x512xf32, #tpu.memory_space<vmem>>, vector<16xf32>,
      %gather3A = tpu.vector_load_idx %arg19[%broadcast_in_dim3A_124, %get3A_121] : memref<32x1000xf32, #tpu.memory_space<vmem>>[vector<16xi32>, vector<16xi32>], vector<16xf32>,
      %mul3A_145 = arith.mulf %get3A_128, %get3A_128 : vector<16xf32>
      %add3A_146 = arith.addf %broadcast_in_dim3A_122, %mul3A_145 : vector<16xf32>
      %mul3A_147 = arith.mulf %get3A_132, %get3A_132 : vector<16xf32>
      %add3A_148 = arith.addf %broadcast_in_dim3A_122, %mul3A_147 : vector<16xf32>
      %mul3A_149 = arith.mulf %get3A_144, %get3A_144 : vector<16xf32>
      %add3A_150 = arith.addf %broadcast_in_dim3A_122, %mul3A_149 : vector<16xf32>
      %mul3A_151 = arith.mulf %gather3A, %gather3A : vector<16xf32>
      %add3A_152 = arith.addf %broadcast_in_dim3A_122, %mul3A_151 : vector<16xf32>
      %mul3A_153 = arith.mulf %get3A_128, %get3A_132 : vector<16xf32>
      %add3A_154 = arith.addf %broadcast_in_dim3A_122, %mul3A_153 : vector<16xf32>
      %mul3A_155 = arith.mulf %get3A_128, %get3A_144 : vector<16xf32>
      %add3A_156 = arith.addf %broadcast_in_dim3A_122, %mul3A_155 : vector<16xf32>
      %mul3A_157 = arith.mulf %get3A_128, %gather3A : vector<16xf32>
      %add3A_158 = arith.addf %broadcast_in_dim3A_122, %mul3A_157 : vector<16xf32>
      %mul3A_159 = arith.mulf %get3A_132, %get3A_144 : vector<16xf32>
      %add3A_160 = arith.addf %broadcast_in_dim3A_122, %mul3A_159 : vector<16xf32>
      %mul3A_161 = arith.mulf %get3A_132, %gather3A : vector<16xf32>
      %add3A_162 = arith.addf %broadcast_in_dim3A_122, %mul3A_161 : vector<16xf32>
      %mul3A_163 = arith.mulf %get3A_144, %gather3A : vector<16xf32>
      %add3A_164 = arith.addf %broadcast_in_dim3A_122, %mul3A_163 : vector<16xf32>
      %mul3A_165 = arith.mulf %get3A_128, %get3A_136 : vector<16xf32>
      %add3A_166 = arith.addf %broadcast_in_dim3A_122, %mul3A_165 : vector<16xf32>
      %mul3A_167 = arith.mulf %get3A_132, %get3A_140 : vector<16xf32>
      %add3A_168 = arith.addf %broadcast_in_dim3A_122, %mul3A_167 : vector<16xf32>
      %broadcast_in_dim3A_169 = arith.constant 1 : i32
      %broadcast_in_dim3A_170 = vector.broadcast %broadcast_in_dim3A_169 : i32 to vector<16xi32>
      %get3A_171 = arith.constant 1 : i32
      %get3A_172 = arith.index_cast %get3A_171 : i32 to index
      %get3A_173 = arith.index_cast %multiple_of3A : i32 to index
      %get3A_174 = tpu.vector_load %arg14[%get3A_172, %get3A_173] {strides = array<i32>} : memref<32x512xf32, #tpu.memory_space<vmem>>, vector<16xf32>,
      %get3A_175 = arith.constant 1 : i32
      %get3A_176 = arith.index_cast %get3A_175 : i32 to index
      %get3A_177 = arith.index_cast %multiple_of3A : i32 to index
      %get3A_178 = tpu.vector_load %arg15[%get3A_176, %get3A_177] {strides = array<i32>} : memref<32x512xf32, #tpu.memory_space<vmem>>, vector<16xf32>,
      %get3A_179 = arith.constant 1 : i32
      %get3A_180 = arith.index_cast %get3A_179 : i32 to index
      %get3A_181 = arith.index_cast %multiple_of3A : i32 to index
      %get3A_182 = tpu.vector_load %arg16[%get3A_180, %get3A_181] {strides = array<i32>} : memref<32x512xf32, #tpu.memory_space<vmem>>, vector<16xf32>,
      %get3A_183 = arith.constant 1 : i32
      %get3A_184 = arith.index_cast %get3A_183 : i32 to index
      %get3A_185 = arith.index_cast %multiple_of3A : i32 to index
      %get3A_186 = tpu.vector_load %arg17[%get3A_184, %get3A_185] {strides = array<i32>} : memref<32x512xf32, #tpu.memory_space<vmem>>, vector<16xf32>,
      %get3A_187 = arith.constant 1 : i32
      %get3A_188 = arith.index_cast %get3A_187 : i32 to index
      %get3A_189 = arith.index_cast %multiple_of3A : i32 to index
      %get3A_190 = tpu.vector_load %arg18[%get3A_188, %get3A_189] {strides = array<i32>} : memref<32x512xf32, #tpu.memory_space<vmem>>, vector<16xf32>,
      %gather3A_191 = tpu.vector_load_idx %arg19[%broadcast_in_dim3A_170, %get3A_121] : memref<32x1000xf32, #tpu.memory_space<vmem>>[vector<16xi32>, vector<16xi32>], vector<16xf32>,
      %mul3A_192 = arith.mulf %get3A_174, %get3A_174 : vector<16xf32>
      %add3A_193 = arith.addf %add3A_146, %mul3A_192 : vector<16xf32>
      %mul3A_194 = arith.mulf %get3A_178, %get3A_178 : vector<16xf32>
      %add3A_195 = arith.addf %add3A_148, %mul3A_194 : vector<16xf32>
      %mul3A_196 = arith.mulf %get3A_190, %get3A_190 : vector<16xf32>
      %add3A_197 = arith.addf %add3A_150, %mul3A_196 : vector<16xf32>
      %mul3A_198 = arith.mulf %gather3A_191, %gather3A_191 : vector<16xf32>
      %add3A_199 = arith.addf %add3A_152, %mul3A_198 : vector<16xf32>
      %mul3A_200 = arith.mulf %get3A_174, %get3A_178 : vector<16xf32>
      %add3A_201 = arith.addf %add3A_154, %mul3A_200 : vector<16xf32>
      %mul3A_202 = arith.mulf %get3A_174, %get3A_190 : vector<16xf32>
      %add3A_203 = arith.addf %add3A_156, %mul3A_202 : vector<16xf32>
      %mul3A_204 = arith.mulf %get3A_174, %gather3A_191 : vector<16xf32>
      %add3A_205 = arith.addf %add3A_158, %mul3A_204 : vector<16xf32>
      %mul3A_206 = arith.mulf %get3A_178, %get3A_190 : vector<16xf32>
      %add3A_207 = arith.addf %add3A_160, %mul3A_206 : vector<16xf32>
      %mul3A_208 = arith.mulf %get3A_178, %gather3A_191 : vector<16xf32>
      %add3A_209 = arith.addf %add3A_162, %mul3A_208 : vector<16xf32>
      %mul3A_210 = arith.mulf %get3A_190, %gather3A_191 : vector<16xf32>
      %add3A_211 = arith.addf %add3A_164, %mul3A_210 : vector<16xf32>
      %mul3A_212 = arith.mulf %get3A_174, %get3A_182 : vector<16xf32>
      %add3A_213 = arith.addf %add3A_166, %mul3A_212 : vector<16xf32>
      %mul3A_214 = arith.mulf %get3A_178, %get3A_186 : vector<16xf32>
      %add3A_215 = arith.addf %add3A_168, %mul3A_214 : vector<16xf32>
      %broadcast_in_dim3A_216 = arith.constant 2 : i32
      %broadcast_in_dim3A_217 = vector.broadcast %broadcast_in_dim3A_216 : i32 to vector<16xi32>
      %get3A_218 = arith.constant 2 : i32
      %get3A_219 = arith.index_cast %get3A_218 : i32 to index
      %get3A_220 = arith.index_cast %multiple_of3A : i32 to index
      %get3A_221 = tpu.vector_load %arg14[%get3A_219, %get3A_220] {strides = array<i32>} : memref<32x512xf32, #tpu.memory_space<vmem>>, vector<16xf32>,
      %get3A_222 = arith.constant 2 : i32
      %get3A_223 = arith.index_cast %get3A_222 : i32 to index
      %get3A_224 = arith.index_cast %multiple_of3A : i32 to index
      %get3A_225 = tpu.vector_load %arg15[%get3A_223, %get3A_224] {strides = array<i32>} : memref<32x512xf32, #tpu.memory_space<vmem>>, vector<16xf32>,
      %get3A_226 = arith.constant 2 : i32
      %get3A_227 = arith.index_cast %get3A_226 : i32 to index
      %get3A_228 = arith.index_cast %multiple_of3A : i32 to index
      %get3A_229 = tpu.vector_load %arg16[%get3A_227, %get3A_228] {strides = array<i32>} : memref<32x512xf32, #tpu.memory_space<vmem>>, vector<16xf32>,
      %get3A_230 = arith.constant 2 : i32
      %get3A_231 = arith.index_cast %get3A_230 : i32 to index
      %get3A_232 = arith.index_cast %multiple_of3A : i32 to index
      %get3A_233 = tpu.vector_load %arg17[%get3A_231, %get3A_232] {strides = array<i32>} : memref<32x512xf32, #tpu.memory_space<vmem>>, vector<16xf32>,
      %get3A_234 = arith.constant 2 : i32
      %get3A_235 = arith.index_cast %get3A_234 : i32 to index
      %get3A_236 = arith.index_cast %multiple_of3A : i32 to index
      %get3A_237 = tpu.vector_load %arg18[%get3A_235, %get3A_236] {strides = array<i32>} : memref<32x512xf32, #tpu.memory_space<vmem>>, vector<16xf32>,
      %gather3A_238 = tpu.vector_load_idx %arg19[%broadcast_in_dim3A_217, %get3A_121] : memref<32x1000xf32, #tpu.memory_space<vmem>>[vector<16xi32>, vector<16xi32>], vector<16xf32>,
      %mul3A_239 = arith.mulf %get3A_221, %get3A_221 : vector<16xf32>
      %add3A_240 = arith.addf %add3A_193, %mul3A_239 : vector<16xf32>
      %mul3A_241 = arith.mulf %get3A_225, %get3A_225 : vector<16xf32>
      %add3A_242 = arith.addf %add3A_195, %mul3A_241 : vector<16xf32>
      %mul3A_243 = arith.mulf %get3A_237, %get3A_237 : vector<16xf32>
      %add3A_244 = arith.addf %add3A_197, %mul3A_243 : vector<16xf32>
      %mul3A_245 = arith.mulf %gather3A_238, %gather3A_238 : vector<16xf32>
      %add3A_246 = arith.addf %add3A_199, %mul3A_245 : vector<16xf32>
      %mul3A_247 = arith.mulf %get3A_221, %get3A_225 : vector<16xf32>
      %add3A_248 = arith.addf %add3A_201, %mul3A_247 : vector<16xf32>
      %mul3A_249 = arith.mulf %get3A_221, %get3A_237 : vector<16xf32>
      %add3A_250 = arith.addf %add3A_203, %mul3A_249 : vector<16xf32>
      %mul3A_251 = arith.mulf %get3A_221, %gather3A_238 : vector<16xf32>
      %add3A_252 = arith.addf %add3A_205, %mul3A_251 : vector<16xf32>
      %mul3A_253 = arith.mulf %get3A_225, %get3A_237 : vector<16xf32>
      %add3A_254 = arith.addf %add3A_207, %mul3A_253 : vector<16xf32>
      %mul3A_255 = arith.mulf %get3A_225, %gather3A_238 : vector<16xf32>
      %add3A_256 = arith.addf %add3A_209, %mul3A_255 : vector<16xf32>
      %mul3A_257 = arith.mulf %get3A_237, %gather3A_238 : vector<16xf32>
      %add3A_258 = arith.addf %add3A_211, %mul3A_257 : vector<16xf32>
      %mul3A_259 = arith.mulf %get3A_221, %get3A_229 : vector<16xf32>
      %add3A_260 = arith.addf %add3A_213, %mul3A_259 : vector<16xf32>
      %mul3A_261 = arith.mulf %get3A_225, %get3A_233 : vector<16xf32>
      %add3A_262 = arith.addf %add3A_215, %mul3A_261 : vector<16xf32>
      %broadcast_in_dim3A_263 = arith.constant 3 : i32
      %broadcast_in_dim3A_264 = vector.broadcast %broadcast_in_dim3A_263 : i32 to vector<16xi32>
      %get3A_265 = arith.constant 3 : i32
      %get3A_266 = arith.index_cast %get3A_265 : i32 to index
      %get3A_267 = arith.index_cast %multiple_of3A : i32 to index
      %get3A_268 = tpu.vector_load %arg14[%get3A_266, %get3A_267] {strides = array<i32>} : memref<32x512xf32, #tpu.memory_space<vmem>>, vector<16xf32>,
      %get3A_269 = arith.constant 3 : i32
      %get3A_270 = arith.index_cast %get3A_269 : i32 to index
      %get3A_271 = arith.index_cast %multiple_of3A : i32 to index
      %get3A_272 = tpu.vector_load %arg15[%get3A_270, %get3A_271] {strides = array<i32>} : memref<32x512xf32, #tpu.memory_space<vmem>>, vector<16xf32>,
      %get3A_273 = arith.constant 3 : i32
      %get3A_274 = arith.index_cast %get3A_273 : i32 to index
      %get3A_275 = arith.index_cast %multiple_of3A : i32 to index
      %get3A_276 = tpu.vector_load %arg16[%get3A_274, %get3A_275] {strides = array<i32>} : memref<32x512xf32, #tpu.memory_space<vmem>>, vector<16xf32>,
      %get3A_277 = arith.constant 3 : i32
      %get3A_278 = arith.index_cast %get3A_277 : i32 to index
      %get3A_279 = arith.index_cast %multiple_of3A : i32 to index
      %get3A_280 = tpu.vector_load %arg17[%get3A_278, %get3A_279] {strides = array<i32>} : memref<32x512xf32, #tpu.memory_space<vmem>>, vector<16xf32>,
      %get3A_281 = arith.constant 3 : i32
      %get3A_282 = arith.index_cast %get3A_281 : i32 to index
      %get3A_283 = arith.index_cast %multiple_of3A : i32 to index
      %get3A_284 = tpu.vector_load %arg18[%get3A_282, %get3A_283] {strides = array<i32>} : memref<32x512xf32, #tpu.memory_space<vmem>>, vector<16xf32>,
      %gather3A_285 = tpu.vector_load_idx %arg19[%broadcast_in_dim3A_264, %get3A_121] : memref<32x1000xf32, #tpu.memory_space<vmem>>[vector<16xi32>, vector<16xi32>], vector<16xf32>,
      %mul3A_286 = arith.mulf %get3A_268, %get3A_268 : vector<16xf32>
      %add3A_287 = arith.addf %add3A_240, %mul3A_286 : vector<16xf32>
      %mul3A_288 = arith.mulf %get3A_272, %get3A_272 : vector<16xf32>
      %add3A_289 = arith.addf %add3A_242, %mul3A_288 : vector<16xf32>
      %mul3A_290 = arith.mulf %get3A_284, %get3A_284 : vector<16xf32>
      %add3A_291 = arith.addf %add3A_244, %mul3A_290 : vector<16xf32>
      %mul3A_292 = arith.mulf %gather3A_285, %gather3A_285 : vector<16xf32>
      %add3A_293 = arith.addf %add3A_246, %mul3A_292 : vector<16xf32>
      %mul3A_294 = arith.mulf %get3A_268, %get3A_272 : vector<16xf32>
      %add3A_295 = arith.addf %add3A_248, %mul3A_294 : vector<16xf32>
      %mul3A_296 = arith.mulf %get3A_268, %get3A_284 : vector<16xf32>
      %add3A_297 = arith.addf %add3A_250, %mul3A_296 : vector<16xf32>
      %mul3A_298 = arith.mulf %get3A_268, %gather3A_285 : vector<16xf32>
      %add3A_299 = arith.addf %add3A_252, %mul3A_298 : vector<16xf32>
      %mul3A_300 = arith.mulf %get3A_272, %get3A_284 : vector<16xf32>
      %add3A_301 = arith.addf %add3A_254, %mul3A_300 : vector<16xf32>
      %mul3A_302 = arith.mulf %get3A_272, %gather3A_285 : vector<16xf32>
      %add3A_303 = arith.addf %add3A_256, %mul3A_302 : vector<16xf32>
      %mul3A_304 = arith.mulf %get3A_284, %gather3A_285 : vector<16xf32>
      %add3A_305 = arith.addf %add3A_258, %mul3A_304 : vector<16xf32>
      %mul3A_306 = arith.mulf %get3A_268, %get3A_276 : vector<16xf32>
      %add3A_307 = arith.addf %add3A_260, %mul3A_306 : vector<16xf32>
      %mul3A_308 = arith.mulf %get3A_272, %get3A_280 : vector<16xf32>
      %add3A_309 = arith.addf %add3A_262, %mul3A_308 : vector<16xf32>
      %broadcast_in_dim3A_310 = arith.constant 4 : i32
      %broadcast_in_dim3A_311 = vector.broadcast %broadcast_in_dim3A_310 : i32 to vector<16xi32>
      %get3A_312 = arith.constant 4 : i32
      %get3A_313 = arith.index_cast %get3A_312 : i32 to index
      %get3A_314 = arith.index_cast %multiple_of3A : i32 to index
      %get3A_315 = tpu.vector_load %arg14[%get3A_313, %get3A_314] {strides = array<i32>} : memref<32x512xf32, #tpu.memory_space<vmem>>, vector<16xf32>,
      %get3A_316 = arith.constant 4 : i32
      %get3A_317 = arith.index_cast %get3A_316 : i32 to index
      %get3A_318 = arith.index_cast %multiple_of3A : i32 to index
      %get3A_319 = tpu.vector_load %arg15[%get3A_317, %get3A_318] {strides = array<i32>} : memref<32x512xf32, #tpu.memory_space<vmem>>, vector<16xf32>,
      %get3A_320 = arith.constant 4 : i32
      %get3A_321 = arith.index_cast %get3A_320 : i32 to index
      %get3A_322 = arith.index_cast %multiple_of3A : i32 to index
      %get3A_323 = tpu.vector_load %arg16[%get3A_321, %get3A_322] {strides = array<i32>} : memref<32x512xf32, #tpu.memory_space<vmem>>, vector<16xf32>,
      %get3A_324 = arith.constant 4 : i32
      %get3A_325 = arith.index_cast %get3A_324 : i32 to index
      %get3A_326 = arith.index_cast %multiple_of3A : i32 to index
      %get3A_327 = tpu.vector_load %arg17[%get3A_325, %get3A_326] {strides = array<i32>} : memref<32x512xf32, #tpu.memory_space<vmem>>, vector<16xf32>,
      %get3A_328 = arith.constant 4 : i32
      %get3A_329 = arith.index_cast %get3A_328 : i32 to index
      %get3A_330 = arith.index_cast %multiple_of3A : i32 to index
      %get3A_331 = tpu.vector_load %arg18[%get3A_329, %get3A_330] {strides = array<i32>} : memref<32x512xf32, #tpu.memory_space<vmem>>, vector<16xf32>,
      %gather3A_332 = tpu.vector_load_idx %arg19[%broadcast_in_dim3A_311, %get3A_121] : memref<32x1000xf32, #tpu.memory_space<vmem>>[vector<16xi32>, vector<16xi32>], vector<16xf32>,
      %mul3A_333 = arith.mulf %get3A_315, %get3A_315 : vector<16xf32>
      %add3A_334 = arith.addf %add3A_287, %mul3A_333 : vector<16xf32>
      %mul3A_335 = arith.mulf %get3A_319, %get3A_319 : vector<16xf32>
      %add3A_336 = arith.addf %add3A_289, %mul3A_335 : vector<16xf32>
      %mul3A_337 = arith.mulf %get3A_331, %get3A_331 : vector<16xf32>
      %add3A_338 = arith.addf %add3A_291, %mul3A_337 : vector<16xf32>
      %mul3A_339 = arith.mulf %gather3A_332, %gather3A_332 : vector<16xf32>
      %add3A_340 = arith.addf %add3A_293, %mul3A_339 : vector<16xf32>
      %mul3A_341 = arith.mulf %get3A_315, %get3A_319 : vector<16xf32>
      %add3A_342 = arith.addf %add3A_295, %mul3A_341 : vector<16xf32>
      %mul3A_343 = arith.mulf %get3A_315, %get3A_331 : vector<16xf32>
      %add3A_344 = arith.addf %add3A_297, %mul3A_343 : vector<16xf32>
      %mul3A_345 = arith.mulf %get3A_315, %gather3A_332 : vector<16xf32>
      %add3A_346 = arith.addf %add3A_299, %mul3A_345 : vector<16xf32>
      %mul3A_347 = arith.mulf %get3A_319, %get3A_331 : vector<16xf32>
      %add3A_348 = arith.addf %add3A_301, %mul3A_347 : vector<16xf32>
      %mul3A_349 = arith.mulf %get3A_319, %gather3A_332 : vector<16xf32>
      %add3A_350 = arith.addf %add3A_303, %mul3A_349 : vector<16xf32>
      %mul3A_351 = arith.mulf %get3A_331, %gather3A_332 : vector<16xf32>
      %add3A_352 = arith.addf %add3A_305, %mul3A_351 : vector<16xf32>
      %mul3A_353 = arith.mulf %get3A_315, %get3A_323 : vector<16xf32>
      %add3A_354 = arith.addf %add3A_307, %mul3A_353 : vector<16xf32>
      %mul3A_355 = arith.mulf %get3A_319, %get3A_327 : vector<16xf32>
      %add3A_356 = arith.addf %add3A_309, %mul3A_355 : vector<16xf32>
      %broadcast_in_dim3A_357 = arith.constant 5 : i32
      %broadcast_in_dim3A_358 = vector.broadcast %broadcast_in_dim3A_357 : i32 to vector<16xi32>
      %get3A_359 = arith.constant 5 : i32
      %get3A_360 = arith.index_cast %get3A_359 : i32 to index
      %get3A_361 = arith.index_cast %multiple_of3A : i32 to index
      %get3A_362 = tpu.vector_load %arg14[%get3A_360, %get3A_361] {strides = array<i32>} : memref<32x512xf32, #tpu.memory_space<vmem>>, vector<16xf32>,
      %get3A_363 = arith.constant 5 : i32
      %get3A_364 = arith.index_cast %get3A_363 : i32 to index
      %get3A_365 = arith.index_cast %multiple_of3A : i32 to index
      %get3A_366 = tpu.vector_load %arg15[%get3A_364, %get3A_365] {strides = array<i32>} : memref<32x512xf32, #tpu.memory_space<vmem>>, vector<16xf32>,
      %get3A_367 = arith.constant 5 : i32
      %get3A_368 = arith.index_cast %get3A_367 : i32 to index
      %get3A_369 = arith.index_cast %multiple_of3A : i32 to index
      %get3A_370 = tpu.vector_load %arg16[%get3A_368, %get3A_369] {strides = array<i32>} : memref<32x512xf32, #tpu.memory_space<vmem>>, vector<16xf32>,
      %get3A_371 = arith.constant 5 : i32
      %get3A_372 = arith.index_cast %get3A_371 : i32 to index
      %get3A_373 = arith.index_cast %multiple_of3A : i32 to index
      %get3A_374 = tpu.vector_load %arg17[%get3A_372, %get3A_373] {strides = array<i32>} : memref<32x512xf32, #tpu.memory_space<vmem>>, vector<16xf32>,
      %get3A_375 = arith.constant 5 : i32
      %get3A_376 = arith.index_cast %get3A_375 : i32 to index
      %get3A_377 = arith.index_cast %multiple_of3A : i32 to index
      %get3A_378 = tpu.vector_load %arg18[%get3A_376, %get3A_377] {strides = array<i32>} : memref<32x512xf32, #tpu.memory_space<vmem>>, vector<16xf32>,
      %gather3A_379 = tpu.vector_load_idx %arg19[%broadcast_in_dim3A_358, %get3A_121] : memref<32x1000xf32, #tpu.memory_space<vmem>>[vector<16xi32>, vector<16xi32>], vector<16xf32>,
      %mul3A_380 = arith.mulf %get3A_362, %get3A_362 : vector<16xf32>
      %add3A_381 = arith.addf %add3A_334, %mul3A_380 : vector<16xf32>
      %mul3A_382 = arith.mulf %get3A_366, %get3A_366 : vector<16xf32>
      %add3A_383 = arith.addf %add3A_336, %mul3A_382 : vector<16xf32>
      %mul3A_384 = arith.mulf %get3A_378, %get3A_378 : vector<16xf32>
      %add3A_385 = arith.addf %add3A_338, %mul3A_384 : vector<16xf32>
      %mul3A_386 = arith.mulf %gather3A_379, %gather3A_379 : vector<16xf32>
      %add3A_387 = arith.addf %add3A_340, %mul3A_386 : vector<16xf32>
      %mul3A_388 = arith.mulf %get3A_362, %get3A_366 : vector<16xf32>
      %add3A_389 = arith.addf %add3A_342, %mul3A_388 : vector<16xf32>
      %mul3A_390 = arith.mulf %get3A_362, %get3A_378 : vector<16xf32>
      %add3A_391 = arith.addf %add3A_344, %mul3A_390 : vector<16xf32>
      %mul3A_392 = arith.mulf %get3A_362, %gather3A_379 : vector<16xf32>
      %add3A_393 = arith.addf %add3A_346, %mul3A_392 : vector<16xf32>
      %mul3A_394 = arith.mulf %get3A_366, %get3A_378 : vector<16xf32>
      %add3A_395 = arith.addf %add3A_348, %mul3A_394 : vector<16xf32>
      %mul3A_396 = arith.mulf %get3A_366, %gather3A_379 : vector<16xf32>
      %add3A_397 = arith.addf %add3A_350, %mul3A_396 : vector<16xf32>
      %mul3A_398 = arith.mulf %get3A_378, %gather3A_379 : vector<16xf32>
      %add3A_399 = arith.addf %add3A_352, %mul3A_398 : vector<16xf32>
      %mul3A_400 = arith.mulf %get3A_362, %get3A_370 : vector<16xf32>
      %add3A_401 = arith.addf %add3A_354, %mul3A_400 : vector<16xf32>
      %mul3A_402 = arith.mulf %get3A_366, %get3A_374 : vector<16xf32>
      %add3A_403 = arith.addf %add3A_356, %mul3A_402 : vector<16xf32>
      %broadcast_in_dim3A_404 = arith.constant 6 : i32
      %broadcast_in_dim3A_405 = vector.broadcast %broadcast_in_dim3A_404 : i32 to vector<16xi32>
      %get3A_406 = arith.constant 6 : i32
      %get3A_407 = arith.index_cast %get3A_406 : i32 to index
      %get3A_408 = arith.index_cast %multiple_of3A : i32 to index
      %get3A_409 = tpu.vector_load %arg14[%get3A_407, %get3A_408] {strides = array<i32>} : memref<32x512xf32, #tpu.memory_space<vmem>>, vector<16xf32>,
      %get3A_410 = arith.constant 6 : i32
      %get3A_411 = arith.index_cast %get3A_410 : i32 to index
      %get3A_412 = arith.index_cast %multiple_of3A : i32 to index
      %get3A_413 = tpu.vector_load %arg15[%get3A_411, %get3A_412] {strides = array<i32>} : memref<32x512xf32, #tpu.memory_space<vmem>>, vector<16xf32>,
      %get3A_414 = arith.constant 6 : i32
      %get3A_415 = arith.index_cast %get3A_414 : i32 to index
      %get3A_416 = arith.index_cast %multiple_of3A : i32 to index
      %get3A_417 = tpu.vector_load %arg16[%get3A_415, %get3A_416] {strides = array<i32>} : memref<32x512xf32, #tpu.memory_space<vmem>>, vector<16xf32>,
      %get3A_418 = arith.constant 6 : i32
      %get3A_419 = arith.index_cast %get3A_418 : i32 to index
      %get3A_420 = arith.index_cast %multiple_of3A : i32 to index
      %get3A_421 = tpu.vector_load %arg17[%get3A_419, %get3A_420] {strides = array<i32>} : memref<32x512xf32, #tpu.memory_space<vmem>>, vector<16xf32>,
      %get3A_422 = arith.constant 6 : i32
      %get3A_423 = arith.index_cast %get3A_422 : i32 to index
      %get3A_424 = arith.index_cast %multiple_of3A : i32 to index
      %get3A_425 = tpu.vector_load %arg18[%get3A_423, %get3A_424] {strides = array<i32>} : memref<32x512xf32, #tpu.memory_space<vmem>>, vector<16xf32>,
      %gather3A_426 = tpu.vector_load_idx %arg19[%broadcast_in_dim3A_405, %get3A_121] : memref<32x1000xf32, #tpu.memory_space<vmem>>[vector<16xi32>, vector<16xi32>], vector<16xf32>,
      %mul3A_427 = arith.mulf %get3A_409, %get3A_409 : vector<16xf32>
      %add3A_428 = arith.addf %add3A_381, %mul3A_427 : vector<16xf32>
      %mul3A_429 = arith.mulf %get3A_413, %get3A_413 : vector<16xf32>
      %add3A_430 = arith.addf %add3A_383, %mul3A_429 : vector<16xf32>
      %mul3A_431 = arith.mulf %get3A_425, %get3A_425 : vector<16xf32>
      %add3A_432 = arith.addf %add3A_385, %mul3A_431 : vector<16xf32>
      %mul3A_433 = arith.mulf %gather3A_426, %gather3A_426 : vector<16xf32>
      %add3A_434 = arith.addf %add3A_387, %mul3A_433 : vector<16xf32>
      %mul3A_435 = arith.mulf %get3A_409, %get3A_413 : vector<16xf32>
      %add3A_436 = arith.addf %add3A_389, %mul3A_435 : vector<16xf32>
      %mul3A_437 = arith.mulf %get3A_409, %get3A_425 : vector<16xf32>
      %add3A_438 = arith.addf %add3A_391, %mul3A_437 : vector<16xf32>
      %mul3A_439 = arith.mulf %get3A_409, %gather3A_426 : vector<16xf32>
      %add3A_440 = arith.addf %add3A_393, %mul3A_439 : vector<16xf32>
      %mul3A_441 = arith.mulf %get3A_413, %get3A_425 : vector<16xf32>
      %add3A_442 = arith.addf %add3A_395, %mul3A_441 : vector<16xf32>
      %mul3A_443 = arith.mulf %get3A_413, %gather3A_426 : vector<16xf32>
      %add3A_444 = arith.addf %add3A_397, %mul3A_443 : vector<16xf32>
      %mul3A_445 = arith.mulf %get3A_425, %gather3A_426 : vector<16xf32>
      %add3A_446 = arith.addf %add3A_399, %mul3A_445 : vector<16xf32>
      %mul3A_447 = arith.mulf %get3A_409, %get3A_417 : vector<16xf32>
      %add3A_448 = arith.addf %add3A_401, %mul3A_447 : vector<16xf32>
      %mul3A_449 = arith.mulf %get3A_413, %get3A_421 : vector<16xf32>
      %add3A_450 = arith.addf %add3A_403, %mul3A_449 : vector<16xf32>
      %broadcast_in_dim3A_451 = arith.constant 7 : i32
      %broadcast_in_dim3A_452 = vector.broadcast %broadcast_in_dim3A_451 : i32 to vector<16xi32>
      %get3A_453 = arith.constant 7 : i32
      %get3A_454 = arith.index_cast %get3A_453 : i32 to index
      %get3A_455 = arith.index_cast %multiple_of3A : i32 to index
      %get3A_456 = tpu.vector_load %arg14[%get3A_454, %get3A_455] {strides = array<i32>} : memref<32x512xf32, #tpu.memory_space<vmem>>, vector<16xf32>,
      %get3A_457 = arith.constant 7 : i32
      %get3A_458 = arith.index_cast %get3A_457 : i32 to index
      %get3A_459 = arith.index_cast %multiple_of3A : i32 to index
      %get3A_460 = tpu.vector_load %arg15[%get3A_458, %get3A_459] {strides = array<i32>} : memref<32x512xf32, #tpu.memory_space<vmem>>, vector<16xf32>,
      %get3A_461 = arith.constant 7 : i32
      %get3A_462 = arith.index_cast %get3A_461 : i32 to index
      %get3A_463 = arith.index_cast %multiple_of3A : i32 to index
      %get3A_464 = tpu.vector_load %arg16[%get3A_462, %get3A_463] {strides = array<i32>} : memref<32x512xf32, #tpu.memory_space<vmem>>, vector<16xf32>,
      %get3A_465 = arith.constant 7 : i32
      %get3A_466 = arith.index_cast %get3A_465 : i32 to index
      %get3A_467 = arith.index_cast %multiple_of3A : i32 to index
      %get3A_468 = tpu.vector_load %arg17[%get3A_466, %get3A_467] {strides = array<i32>} : memref<32x512xf32, #tpu.memory_space<vmem>>, vector<16xf32>,
      %get3A_469 = arith.constant 7 : i32
      %get3A_470 = arith.index_cast %get3A_469 : i32 to index
      %get3A_471 = arith.index_cast %multiple_of3A : i32 to index
      %get3A_472 = tpu.vector_load %arg18[%get3A_470, %get3A_471] {strides = array<i32>} : memref<32x512xf32, #tpu.memory_space<vmem>>, vector<16xf32>,
      %gather3A_473 = tpu.vector_load_idx %arg19[%broadcast_in_dim3A_452, %get3A_121] : memref<32x1000xf32, #tpu.memory_space<vmem>>[vector<16xi32>, vector<16xi32>], vector<16xf32>,
      %mul3A_474 = arith.mulf %get3A_456, %get3A_456 : vector<16xf32>
      %add3A_475 = arith.addf %add3A_428, %mul3A_474 : vector<16xf32>
      %mul3A_476 = arith.mulf %get3A_460, %get3A_460 : vector<16xf32>
      %add3A_477 = arith.addf %add3A_430, %mul3A_476 : vector<16xf32>
      %mul3A_478 = arith.mulf %get3A_472, %get3A_472 : vector<16xf32>
      %add3A_479 = arith.addf %add3A_432, %mul3A_478 : vector<16xf32>
      %mul3A_480 = arith.mulf %gather3A_473, %gather3A_473 : vector<16xf32>
      %add3A_481 = arith.addf %add3A_434, %mul3A_480 : vector<16xf32>
      %mul3A_482 = arith.mulf %get3A_456, %get3A_460 : vector<16xf32>
      %add3A_483 = arith.addf %add3A_436, %mul3A_482 : vector<16xf32>
      %mul3A_484 = arith.mulf %get3A_456, %get3A_472 : vector<16xf32>
      %add3A_485 = arith.addf %add3A_438, %mul3A_484 : vector<16xf32>
      %mul3A_486 = arith.mulf %get3A_456, %gather3A_473 : vector<16xf32>
      %add3A_487 = arith.addf %add3A_440, %mul3A_486 : vector<16xf32>
      %mul3A_488 = arith.mulf %get3A_460, %get3A_472 : vector<16xf32>
      %add3A_489 = arith.addf %add3A_442, %mul3A_488 : vector<16xf32>
      %mul3A_490 = arith.mulf %get3A_460, %gather3A_473 : vector<16xf32>
      %add3A_491 = arith.addf %add3A_444, %mul3A_490 : vector<16xf32>
      %mul3A_492 = arith.mulf %get3A_472, %gather3A_473 : vector<16xf32>
      %add3A_493 = arith.addf %add3A_446, %mul3A_492 : vector<16xf32>
      %mul3A_494 = arith.mulf %get3A_456, %get3A_464 : vector<16xf32>
      %add3A_495 = arith.addf %add3A_448, %mul3A_494 : vector<16xf32>
      %mul3A_496 = arith.mulf %get3A_460, %get3A_468 : vector<16xf32>
      %add3A_497 = arith.addf %add3A_450, %mul3A_496 : vector<16xf32>
      %broadcast_in_dim3A_498 = arith.constant 8 : i32
      %broadcast_in_dim3A_499 = vector.broadcast %broadcast_in_dim3A_498 : i32 to vector<16xi32>
      %get3A_500 = arith.constant 8 : i32
      %get3A_501 = arith.index_cast %get3A_500 : i32 to index
      %get3A_502 = arith.index_cast %multiple_of3A : i32 to index
      %get3A_503 = tpu.vector_load %arg14[%get3A_501, %get3A_502] {strides = array<i32>} : memref<32x512xf32, #tpu.memory_space<vmem>>, vector<16xf32>,
      %get3A_504 = arith.constant 8 : i32
      %get3A_505 = arith.index_cast %get3A_504 : i32 to index
      %get3A_506 = arith.index_cast %multiple_of3A : i32 to index
      %get3A_507 = tpu.vector_load %arg15[%get3A_505, %get3A_506] {strides = array<i32>} : memref<32x512xf32, #tpu.memory_space<vmem>>, vector<16xf32>,
      %get3A_508 = arith.constant 8 : i32
      %get3A_509 = arith.index_cast %get3A_508 : i32 to index
      %get3A_510 = arith.index_cast %multiple_of3A : i32 to index
      %get3A_511 = tpu.vector_load %arg16[%get3A_509, %get3A_510] {strides = array<i32>} : memref<32x512xf32, #tpu.memory_space<vmem>>, vector<16xf32>,
      %get3A_512 = arith.constant 8 : i32
      %get3A_513 = arith.index_cast %get3A_512 : i32 to index
      %get3A_514 = arith.index_cast %multiple_of3A : i32 to index
      %get3A_515 = tpu.vector_load %arg17[%get3A_513, %get3A_514] {strides = array<i32>} : memref<32x512xf32, #tpu.memory_space<vmem>>, vector<16xf32>,
      %get3A_516 = arith.constant 8 : i32
      %get3A_517 = arith.index_cast %get3A_516 : i32 to index
      %get3A_518 = arith.index_cast %multiple_of3A : i32 to index
      %get3A_519 = tpu.vector_load %arg18[%get3A_517, %get3A_518] {strides = array<i32>} : memref<32x512xf32, #tpu.memory_space<vmem>>, vector<16xf32>,
      %gather3A_520 = tpu.vector_load_idx %arg19[%broadcast_in_dim3A_499, %get3A_121] : memref<32x1000xf32, #tpu.memory_space<vmem>>[vector<16xi32>, vector<16xi32>], vector<16xf32>,
      %mul3A_521 = arith.mulf %get3A_503, %get3A_503 : vector<16xf32>
      %add3A_522 = arith.addf %add3A_475, %mul3A_521 : vector<16xf32>
      %mul3A_523 = arith.mulf %get3A_507, %get3A_507 : vector<16xf32>
      %add3A_524 = arith.addf %add3A_477, %mul3A_523 : vector<16xf32>
      %mul3A_525 = arith.mulf %get3A_519, %get3A_519 : vector<16xf32>
      %add3A_526 = arith.addf %add3A_479, %mul3A_525 : vector<16xf32>
      %mul3A_527 = arith.mulf %gather3A_520, %gather3A_520 : vector<16xf32>
      %add3A_528 = arith.addf %add3A_481, %mul3A_527 : vector<16xf32>
      %mul3A_529 = arith.mulf %get3A_503, %get3A_507 : vector<16xf32>
      %add3A_530 = arith.addf %add3A_483, %mul3A_529 : vector<16xf32>
      %mul3A_531 = arith.mulf %get3A_503, %get3A_519 : vector<16xf32>
      %add3A_532 = arith.addf %add3A_485, %mul3A_531 : vector<16xf32>
      %mul3A_533 = arith.mulf %get3A_503, %gather3A_520 : vector<16xf32>
      %add3A_534 = arith.addf %add3A_487, %mul3A_533 : vector<16xf32>
      %mul3A_535 = arith.mulf %get3A_507, %get3A_519 : vector<16xf32>
      %add3A_536 = arith.addf %add3A_489, %mul3A_535 : vector<16xf32>
      %mul3A_537 = arith.mulf %get3A_507, %gather3A_520 : vector<16xf32>
      %add3A_538 = arith.addf %add3A_491, %mul3A_537 : vector<16xf32>
      %mul3A_539 = arith.mulf %get3A_519, %gather3A_520 : vector<16xf32>
      %add3A_540 = arith.addf %add3A_493, %mul3A_539 : vector<16xf32>
      %mul3A_541 = arith.mulf %get3A_503, %get3A_511 : vector<16xf32>
      %add3A_542 = arith.addf %add3A_495, %mul3A_541 : vector<16xf32>
      %mul3A_543 = arith.mulf %get3A_507, %get3A_515 : vector<16xf32>
      %add3A_544 = arith.addf %add3A_497, %mul3A_543 : vector<16xf32>
      %broadcast_in_dim3A_545 = arith.constant 9 : i32
      %broadcast_in_dim3A_546 = vector.broadcast %broadcast_in_dim3A_545 : i32 to vector<16xi32>
      %get3A_547 = arith.constant 9 : i32
      %get3A_548 = arith.index_cast %get3A_547 : i32 to index
      %get3A_549 = arith.index_cast %multiple_of3A : i32 to index
      %get3A_550 = tpu.vector_load %arg14[%get3A_548, %get3A_549] {strides = array<i32>} : memref<32x512xf32, #tpu.memory_space<vmem>>, vector<16xf32>,
      %get3A_551 = arith.constant 9 : i32
      %get3A_552 = arith.index_cast %get3A_551 : i32 to index
      %get3A_553 = arith.index_cast %multiple_of3A : i32 to index
      %get3A_554 = tpu.vector_load %arg15[%get3A_552, %get3A_553] {strides = array<i32>} : memref<32x512xf32, #tpu.memory_space<vmem>>, vector<16xf32>,
      %get3A_555 = arith.constant 9 : i32
      %get3A_556 = arith.index_cast %get3A_555 : i32 to index
      %get3A_557 = arith.index_cast %multiple_of3A : i32 to index
      %get3A_558 = tpu.vector_load %arg16[%get3A_556, %get3A_557] {strides = array<i32>} : memref<32x512xf32, #tpu.memory_space<vmem>>, vector<16xf32>,
      %get3A_559 = arith.constant 9 : i32
      %get3A_560 = arith.index_cast %get3A_559 : i32 to index
      %get3A_561 = arith.index_cast %multiple_of3A : i32 to index
      %get3A_562 = tpu.vector_load %arg17[%get3A_560, %get3A_561] {strides = array<i32>} : memref<32x512xf32, #tpu.memory_space<vmem>>, vector<16xf32>,
      %get3A_563 = arith.constant 9 : i32
      %get3A_564 = arith.index_cast %get3A_563 : i32 to index
      %get3A_565 = arith.index_cast %multiple_of3A : i32 to index
      %get3A_566 = tpu.vector_load %arg18[%get3A_564, %get3A_565] {strides = array<i32>} : memref<32x512xf32, #tpu.memory_space<vmem>>, vector<16xf32>,
      %gather3A_567 = tpu.vector_load_idx %arg19[%broadcast_in_dim3A_546, %get3A_121] : memref<32x1000xf32, #tpu.memory_space<vmem>>[vector<16xi32>, vector<16xi32>], vector<16xf32>,
      %mul3A_568 = arith.mulf %get3A_550, %get3A_550 : vector<16xf32>
      %add3A_569 = arith.addf %add3A_522, %mul3A_568 : vector<16xf32>
      %mul3A_570 = arith.mulf %get3A_554, %get3A_554 : vector<16xf32>
      %add3A_571 = arith.addf %add3A_524, %mul3A_570 : vector<16xf32>
      %mul3A_572 = arith.mulf %get3A_566, %get3A_566 : vector<16xf32>
      %add3A_573 = arith.addf %add3A_526, %mul3A_572 : vector<16xf32>
      %mul3A_574 = arith.mulf %gather3A_567, %gather3A_567 : vector<16xf32>
      %add3A_575 = arith.addf %add3A_528, %mul3A_574 : vector<16xf32>
      %mul3A_576 = arith.mulf %get3A_550, %get3A_554 : vector<16xf32>
      %add3A_577 = arith.addf %add3A_530, %mul3A_576 : vector<16xf32>
      %mul3A_578 = arith.mulf %get3A_550, %get3A_566 : vector<16xf32>
      %add3A_579 = arith.addf %add3A_532, %mul3A_578 : vector<16xf32>
      %mul3A_580 = arith.mulf %get3A_550, %gather3A_567 : vector<16xf32>
      %add3A_581 = arith.addf %add3A_534, %mul3A_580 : vector<16xf32>
      %mul3A_582 = arith.mulf %get3A_554, %get3A_566 : vector<16xf32>
      %add3A_583 = arith.addf %add3A_536, %mul3A_582 : vector<16xf32>
      %mul3A_584 = arith.mulf %get3A_554, %gather3A_567 : vector<16xf32>
      %add3A_585 = arith.addf %add3A_538, %mul3A_584 : vector<16xf32>
      %mul3A_586 = arith.mulf %get3A_566, %gather3A_567 : vector<16xf32>
      %add3A_587 = arith.addf %add3A_540, %mul3A_586 : vector<16xf32>
      %mul3A_588 = arith.mulf %get3A_550, %get3A_558 : vector<16xf32>
      %add3A_589 = arith.addf %add3A_542, %mul3A_588 : vector<16xf32>
      %mul3A_590 = arith.mulf %get3A_554, %get3A_562 : vector<16xf32>
      %add3A_591 = arith.addf %add3A_544, %mul3A_590 : vector<16xf32>
      %broadcast_in_dim3A_592 = arith.constant 10 : i32
      %broadcast_in_dim3A_593 = vector.broadcast %broadcast_in_dim3A_592 : i32 to vector<16xi32>
      %get3A_594 = arith.constant 10 : i32
      %get3A_595 = arith.index_cast %get3A_594 : i32 to index
      %get3A_596 = arith.index_cast %multiple_of3A : i32 to index
      %get3A_597 = tpu.vector_load %arg14[%get3A_595, %get3A_596] {strides = array<i32>} : memref<32x512xf32, #tpu.memory_space<vmem>>, vector<16xf32>,
      %get3A_598 = arith.constant 10 : i32
      %get3A_599 = arith.index_cast %get3A_598 : i32 to index
      %get3A_600 = arith.index_cast %multiple_of3A : i32 to index
      %get3A_601 = tpu.vector_load %arg15[%get3A_599, %get3A_600] {strides = array<i32>} : memref<32x512xf32, #tpu.memory_space<vmem>>, vector<16xf32>,
      %get3A_602 = arith.constant 10 : i32
      %get3A_603 = arith.index_cast %get3A_602 : i32 to index
      %get3A_604 = arith.index_cast %multiple_of3A : i32 to index
      %get3A_605 = tpu.vector_load %arg16[%get3A_603, %get3A_604] {strides = array<i32>} : memref<32x512xf32, #tpu.memory_space<vmem>>, vector<16xf32>,
      %get3A_606 = arith.constant 10 : i32
      %get3A_607 = arith.index_cast %get3A_606 : i32 to index
      %get3A_608 = arith.index_cast %multiple_of3A : i32 to index
      %get3A_609 = tpu.vector_load %arg17[%get3A_607, %get3A_608] {strides = array<i32>} : memref<32x512xf32, #tpu.memory_space<vmem>>, vector<16xf32>,
      %get3A_610 = arith.constant 10 : i32
      %get3A_611 = arith.index_cast %get3A_610 : i32 to index
      %get3A_612 = arith.index_cast %multiple_of3A : i32 to index
      %get3A_613 = tpu.vector_load %arg18[%get3A_611, %get3A_612] {strides = array<i32>} : memref<32x512xf32, #tpu.memory_space<vmem>>, vector<16xf32>,
      %gather3A_614 = tpu.vector_load_idx %arg19[%broadcast_in_dim3A_593, %get3A_121] : memref<32x1000xf32, #tpu.memory_space<vmem>>[vector<16xi32>, vector<16xi32>], vector<16xf32>,
      %mul3A_615 = arith.mulf %get3A_597, %get3A_597 : vector<16xf32>
      %add3A_616 = arith.addf %add3A_569, %mul3A_615 : vector<16xf32>
      %mul3A_617 = arith.mulf %get3A_601, %get3A_601 : vector<16xf32>
      %add3A_618 = arith.addf %add3A_571, %mul3A_617 : vector<16xf32>
      %mul3A_619 = arith.mulf %get3A_613, %get3A_613 : vector<16xf32>
      %add3A_620 = arith.addf %add3A_573, %mul3A_619 : vector<16xf32>
      %mul3A_621 = arith.mulf %gather3A_614, %gather3A_614 : vector<16xf32>
      %add3A_622 = arith.addf %add3A_575, %mul3A_621 : vector<16xf32>
      %mul3A_623 = arith.mulf %get3A_597, %get3A_601 : vector<16xf32>
      %add3A_624 = arith.addf %add3A_577, %mul3A_623 : vector<16xf32>
      %mul3A_625 = arith.mulf %get3A_597, %get3A_613 : vector<16xf32>
      %add3A_626 = arith.addf %add3A_579, %mul3A_625 : vector<16xf32>
      %mul3A_627 = arith.mulf %get3A_597, %gather3A_614 : vector<16xf32>
      %add3A_628 = arith.addf %add3A_581, %mul3A_627 : vector<16xf32>
      %mul3A_629 = arith.mulf %get3A_601, %get3A_613 : vector<16xf32>
      %add3A_630 = arith.addf %add3A_583, %mul3A_629 : vector<16xf32>
      %mul3A_631 = arith.mulf %get3A_601, %gather3A_614 : vector<16xf32>
      %add3A_632 = arith.addf %add3A_585, %mul3A_631 : vector<16xf32>
      %mul3A_633 = arith.mulf %get3A_613, %gather3A_614 : vector<16xf32>
      %add3A_634 = arith.addf %add3A_587, %mul3A_633 : vector<16xf32>
      %mul3A_635 = arith.mulf %get3A_597, %get3A_605 : vector<16xf32>
      %add3A_636 = arith.addf %add3A_589, %mul3A_635 : vector<16xf32>
      %mul3A_637 = arith.mulf %get3A_601, %get3A_609 : vector<16xf32>
      %add3A_638 = arith.addf %add3A_591, %mul3A_637 : vector<16xf32>
      %broadcast_in_dim3A_639 = arith.constant 11 : i32
      %broadcast_in_dim3A_640 = vector.broadcast %broadcast_in_dim3A_639 : i32 to vector<16xi32>
      %get3A_641 = arith.constant 11 : i32
      %get3A_642 = arith.index_cast %get3A_641 : i32 to index
      %get3A_643 = arith.index_cast %multiple_of3A : i32 to index
      %get3A_644 = tpu.vector_load %arg14[%get3A_642, %get3A_643] {strides = array<i32>} : memref<32x512xf32, #tpu.memory_space<vmem>>, vector<16xf32>,
      %get3A_645 = arith.constant 11 : i32
      %get3A_646 = arith.index_cast %get3A_645 : i32 to index
      %get3A_647 = arith.index_cast %multiple_of3A : i32 to index
      %get3A_648 = tpu.vector_load %arg15[%get3A_646, %get3A_647] {strides = array<i32>} : memref<32x512xf32, #tpu.memory_space<vmem>>, vector<16xf32>,
      %get3A_649 = arith.constant 11 : i32
      %get3A_650 = arith.index_cast %get3A_649 : i32 to index
      %get3A_651 = arith.index_cast %multiple_of3A : i32 to index
      %get3A_652 = tpu.vector_load %arg16[%get3A_650, %get3A_651] {strides = array<i32>} : memref<32x512xf32, #tpu.memory_space<vmem>>, vector<16xf32>,
      %get3A_653 = arith.constant 11 : i32
      %get3A_654 = arith.index_cast %get3A_653 : i32 to index
      %get3A_655 = arith.index_cast %multiple_of3A : i32 to index
      %get3A_656 = tpu.vector_load %arg17[%get3A_654, %get3A_655] {strides = array<i32>} : memref<32x512xf32, #tpu.memory_space<vmem>>, vector<16xf32>,
      %get3A_657 = arith.constant 11 : i32
      %get3A_658 = arith.index_cast %get3A_657 : i32 to index
      %get3A_659 = arith.index_cast %multiple_of3A : i32 to index
      %get3A_660 = tpu.vector_load %arg18[%get3A_658, %get3A_659] {strides = array<i32>} : memref<32x512xf32, #tpu.memory_space<vmem>>, vector<16xf32>,
      %gather3A_661 = tpu.vector_load_idx %arg19[%broadcast_in_dim3A_640, %get3A_121] : memref<32x1000xf32, #tpu.memory_space<vmem>>[vector<16xi32>, vector<16xi32>], vector<16xf32>,
      %mul3A_662 = arith.mulf %get3A_644, %get3A_644 : vector<16xf32>
      %add3A_663 = arith.addf %add3A_616, %mul3A_662 : vector<16xf32>
      %mul3A_664 = arith.mulf %get3A_648, %get3A_648 : vector<16xf32>
      %add3A_665 = arith.addf %add3A_618, %mul3A_664 : vector<16xf32>
      %mul3A_666 = arith.mulf %get3A_660, %get3A_660 : vector<16xf32>
      %add3A_667 = arith.addf %add3A_620, %mul3A_666 : vector<16xf32>
      %mul3A_668 = arith.mulf %gather3A_661, %gather3A_661 : vector<16xf32>
      %add3A_669 = arith.addf %add3A_622, %mul3A_668 : vector<16xf32>
      %mul3A_670 = arith.mulf %get3A_644, %get3A_648 : vector<16xf32>
      %add3A_671 = arith.addf %add3A_624, %mul3A_670 : vector<16xf32>
      %mul3A_672 = arith.mulf %get3A_644, %get3A_660 : vector<16xf32>
      %add3A_673 = arith.addf %add3A_626, %mul3A_672 : vector<16xf32>
      %mul3A_674 = arith.mulf %get3A_644, %gather3A_661 : vector<16xf32>
      %add3A_675 = arith.addf %add3A_628, %mul3A_674 : vector<16xf32>
      %mul3A_676 = arith.mulf %get3A_648, %get3A_660 : vector<16xf32>
      %add3A_677 = arith.addf %add3A_630, %mul3A_676 : vector<16xf32>
      %mul3A_678 = arith.mulf %get3A_648, %gather3A_661 : vector<16xf32>
      %add3A_679 = arith.addf %add3A_632, %mul3A_678 : vector<16xf32>
      %mul3A_680 = arith.mulf %get3A_660, %gather3A_661 : vector<16xf32>
      %add3A_681 = arith.addf %add3A_634, %mul3A_680 : vector<16xf32>
      %mul3A_682 = arith.mulf %get3A_644, %get3A_652 : vector<16xf32>
      %add3A_683 = arith.addf %add3A_636, %mul3A_682 : vector<16xf32>
      %mul3A_684 = arith.mulf %get3A_648, %get3A_656 : vector<16xf32>
      %add3A_685 = arith.addf %add3A_638, %mul3A_684 : vector<16xf32>
      %broadcast_in_dim3A_686 = arith.constant 12 : i32
      %broadcast_in_dim3A_687 = vector.broadcast %broadcast_in_dim3A_686 : i32 to vector<16xi32>
      %get3A_688 = arith.constant 12 : i32
      %get3A_689 = arith.index_cast %get3A_688 : i32 to index
      %get3A_690 = arith.index_cast %multiple_of3A : i32 to index
      %get3A_691 = tpu.vector_load %arg14[%get3A_689, %get3A_690] {strides = array<i32>} : memref<32x512xf32, #tpu.memory_space<vmem>>, vector<16xf32>,
      %get3A_692 = arith.constant 12 : i32
      %get3A_693 = arith.index_cast %get3A_692 : i32 to index
      %get3A_694 = arith.index_cast %multiple_of3A : i32 to index
      %get3A_695 = tpu.vector_load %arg15[%get3A_693, %get3A_694] {strides = array<i32>} : memref<32x512xf32, #tpu.memory_space<vmem>>, vector<16xf32>,
      %get3A_696 = arith.constant 12 : i32
      %get3A_697 = arith.index_cast %get3A_696 : i32 to index
      %get3A_698 = arith.index_cast %multiple_of3A : i32 to index
      %get3A_699 = tpu.vector_load %arg16[%get3A_697, %get3A_698] {strides = array<i32>} : memref<32x512xf32, #tpu.memory_space<vmem>>, vector<16xf32>,
      %get3A_700 = arith.constant 12 : i32
      %get3A_701 = arith.index_cast %get3A_700 : i32 to index
      %get3A_702 = arith.index_cast %multiple_of3A : i32 to index
      %get3A_703 = tpu.vector_load %arg17[%get3A_701, %get3A_702] {strides = array<i32>} : memref<32x512xf32, #tpu.memory_space<vmem>>, vector<16xf32>,
      %get3A_704 = arith.constant 12 : i32
      %get3A_705 = arith.index_cast %get3A_704 : i32 to index
      %get3A_706 = arith.index_cast %multiple_of3A : i32 to index
      %get3A_707 = tpu.vector_load %arg18[%get3A_705, %get3A_706] {strides = array<i32>} : memref<32x512xf32, #tpu.memory_space<vmem>>, vector<16xf32>,
      %gather3A_708 = tpu.vector_load_idx %arg19[%broadcast_in_dim3A_687, %get3A_121] : memref<32x1000xf32, #tpu.memory_space<vmem>>[vector<16xi32>, vector<16xi32>], vector<16xf32>,
      %mul3A_709 = arith.mulf %get3A_691, %get3A_691 : vector<16xf32>
      %add3A_710 = arith.addf %add3A_663, %mul3A_709 : vector<16xf32>
      %mul3A_711 = arith.mulf %get3A_695, %get3A_695 : vector<16xf32>
      %add3A_712 = arith.addf %add3A_665, %mul3A_711 : vector<16xf32>
      %mul3A_713 = arith.mulf %get3A_707, %get3A_707 : vector<16xf32>
      %add3A_714 = arith.addf %add3A_667, %mul3A_713 : vector<16xf32>
      %mul3A_715 = arith.mulf %gather3A_708, %gather3A_708 : vector<16xf32>
      %add3A_716 = arith.addf %add3A_669, %mul3A_715 : vector<16xf32>
      %mul3A_717 = arith.mulf %get3A_691, %get3A_695 : vector<16xf32>
      %add3A_718 = arith.addf %add3A_671, %mul3A_717 : vector<16xf32>
      %mul3A_719 = arith.mulf %get3A_691, %get3A_707 : vector<16xf32>
      %add3A_720 = arith.addf %add3A_673, %mul3A_719 : vector<16xf32>
      %mul3A_721 = arith.mulf %get3A_691, %gather3A_708 : vector<16xf32>
      %add3A_722 = arith.addf %add3A_675, %mul3A_721 : vector<16xf32>
      %mul3A_723 = arith.mulf %get3A_695, %get3A_707 : vector<16xf32>
      %add3A_724 = arith.addf %add3A_677, %mul3A_723 : vector<16xf32>
      %mul3A_725 = arith.mulf %get3A_695, %gather3A_708 : vector<16xf32>
      %add3A_726 = arith.addf %add3A_679, %mul3A_725 : vector<16xf32>
      %mul3A_727 = arith.mulf %get3A_707, %gather3A_708 : vector<16xf32>
      %add3A_728 = arith.addf %add3A_681, %mul3A_727 : vector<16xf32>
      %mul3A_729 = arith.mulf %get3A_691, %get3A_699 : vector<16xf32>
      %add3A_730 = arith.addf %add3A_683, %mul3A_729 : vector<16xf32>
      %mul3A_731 = arith.mulf %get3A_695, %get3A_703 : vector<16xf32>
      %add3A_732 = arith.addf %add3A_685, %mul3A_731 : vector<16xf32>
      %broadcast_in_dim3A_733 = arith.constant 13 : i32
      %broadcast_in_dim3A_734 = vector.broadcast %broadcast_in_dim3A_733 : i32 to vector<16xi32>
      %get3A_735 = arith.constant 13 : i32
      %get3A_736 = arith.index_cast %get3A_735 : i32 to index
      %get3A_737 = arith.index_cast %multiple_of3A : i32 to index
      %get3A_738 = tpu.vector_load %arg14[%get3A_736, %get3A_737] {strides = array<i32>} : memref<32x512xf32, #tpu.memory_space<vmem>>, vector<16xf32>,
      %get3A_739 = arith.constant 13 : i32
      %get3A_740 = arith.index_cast %get3A_739 : i32 to index
      %get3A_741 = arith.index_cast %multiple_of3A : i32 to index
      %get3A_742 = tpu.vector_load %arg15[%get3A_740, %get3A_741] {strides = array<i32>} : memref<32x512xf32, #tpu.memory_space<vmem>>, vector<16xf32>,
      %get3A_743 = arith.constant 13 : i32
      %get3A_744 = arith.index_cast %get3A_743 : i32 to index
      %get3A_745 = arith.index_cast %multiple_of3A : i32 to index
      %get3A_746 = tpu.vector_load %arg16[%get3A_744, %get3A_745] {strides = array<i32>} : memref<32x512xf32, #tpu.memory_space<vmem>>, vector<16xf32>,
      %get3A_747 = arith.constant 13 : i32
      %get3A_748 = arith.index_cast %get3A_747 : i32 to index
      %get3A_749 = arith.index_cast %multiple_of3A : i32 to index
      %get3A_750 = tpu.vector_load %arg17[%get3A_748, %get3A_749] {strides = array<i32>} : memref<32x512xf32, #tpu.memory_space<vmem>>, vector<16xf32>,
      %get3A_751 = arith.constant 13 : i32
      %get3A_752 = arith.index_cast %get3A_751 : i32 to index
      %get3A_753 = arith.index_cast %multiple_of3A : i32 to index
      %get3A_754 = tpu.vector_load %arg18[%get3A_752, %get3A_753] {strides = array<i32>} : memref<32x512xf32, #tpu.memory_space<vmem>>, vector<16xf32>,
      %gather3A_755 = tpu.vector_load_idx %arg19[%broadcast_in_dim3A_734, %get3A_121] : memref<32x1000xf32, #tpu.memory_space<vmem>>[vector<16xi32>, vector<16xi32>], vector<16xf32>,
      %mul3A_756 = arith.mulf %get3A_738, %get3A_738 : vector<16xf32>
      %add3A_757 = arith.addf %add3A_710, %mul3A_756 : vector<16xf32>
      %mul3A_758 = arith.mulf %get3A_742, %get3A_742 : vector<16xf32>
      %add3A_759 = arith.addf %add3A_712, %mul3A_758 : vector<16xf32>
      %mul3A_760 = arith.mulf %get3A_754, %get3A_754 : vector<16xf32>
      %add3A_761 = arith.addf %add3A_714, %mul3A_760 : vector<16xf32>
      %mul3A_762 = arith.mulf %gather3A_755, %gather3A_755 : vector<16xf32>
      %add3A_763 = arith.addf %add3A_716, %mul3A_762 : vector<16xf32>
      %mul3A_764 = arith.mulf %get3A_738, %get3A_742 : vector<16xf32>
      %add3A_765 = arith.addf %add3A_718, %mul3A_764 : vector<16xf32>
      %mul3A_766 = arith.mulf %get3A_738, %get3A_754 : vector<16xf32>
      %add3A_767 = arith.addf %add3A_720, %mul3A_766 : vector<16xf32>
      %mul3A_768 = arith.mulf %get3A_738, %gather3A_755 : vector<16xf32>
      %add3A_769 = arith.addf %add3A_722, %mul3A_768 : vector<16xf32>
      %mul3A_770 = arith.mulf %get3A_742, %get3A_754 : vector<16xf32>
      %add3A_771 = arith.addf %add3A_724, %mul3A_770 : vector<16xf32>
      %mul3A_772 = arith.mulf %get3A_742, %gather3A_755 : vector<16xf32>
      %add3A_773 = arith.addf %add3A_726, %mul3A_772 : vector<16xf32>
      %mul3A_774 = arith.mulf %get3A_754, %gather3A_755 : vector<16xf32>
      %add3A_775 = arith.addf %add3A_728, %mul3A_774 : vector<16xf32>
      %mul3A_776 = arith.mulf %get3A_738, %get3A_746 : vector<16xf32>
      %add3A_777 = arith.addf %add3A_730, %mul3A_776 : vector<16xf32>
      %mul3A_778 = arith.mulf %get3A_742, %get3A_750 : vector<16xf32>
      %add3A_779 = arith.addf %add3A_732, %mul3A_778 : vector<16xf32>
      %broadcast_in_dim3A_780 = arith.constant 14 : i32
      %broadcast_in_dim3A_781 = vector.broadcast %broadcast_in_dim3A_780 : i32 to vector<16xi32>
      %get3A_782 = arith.constant 14 : i32
      %get3A_783 = arith.index_cast %get3A_782 : i32 to index
      %get3A_784 = arith.index_cast %multiple_of3A : i32 to index
      %get3A_785 = tpu.vector_load %arg14[%get3A_783, %get3A_784] {strides = array<i32>} : memref<32x512xf32, #tpu.memory_space<vmem>>, vector<16xf32>,
      %get3A_786 = arith.constant 14 : i32
      %get3A_787 = arith.index_cast %get3A_786 : i32 to index
      %get3A_788 = arith.index_cast %multiple_of3A : i32 to index
      %get3A_789 = tpu.vector_load %arg15[%get3A_787, %get3A_788] {strides = array<i32>} : memref<32x512xf32, #tpu.memory_space<vmem>>, vector<16xf32>,
      %get3A_790 = arith.constant 14 : i32
      %get3A_791 = arith.index_cast %get3A_790 : i32 to index
      %get3A_792 = arith.index_cast %multiple_of3A : i32 to index
      %get3A_793 = tpu.vector_load %arg16[%get3A_791, %get3A_792] {strides = array<i32>} : memref<32x512xf32, #tpu.memory_space<vmem>>, vector<16xf32>,
      %get3A_794 = arith.constant 14 : i32
      %get3A_795 = arith.index_cast %get3A_794 : i32 to index
      %get3A_796 = arith.index_cast %multiple_of3A : i32 to index
      %get3A_797 = tpu.vector_load %arg17[%get3A_795, %get3A_796] {strides = array<i32>} : memref<32x512xf32, #tpu.memory_space<vmem>>, vector<16xf32>,
      %get3A_798 = arith.constant 14 : i32
      %get3A_799 = arith.index_cast %get3A_798 : i32 to index
      %get3A_800 = arith.index_cast %multiple_of3A : i32 to index
      %get3A_801 = tpu.vector_load %arg18[%get3A_799, %get3A_800] {strides = array<i32>} : memref<32x512xf32, #tpu.memory_space<vmem>>, vector<16xf32>,
      %gather3A_802 = tpu.vector_load_idx %arg19[%broadcast_in_dim3A_781, %get3A_121] : memref<32x1000xf32, #tpu.memory_space<vmem>>[vector<16xi32>, vector<16xi32>], vector<16xf32>,
      %mul3A_803 = arith.mulf %get3A_785, %get3A_785 : vector<16xf32>
      %add3A_804 = arith.addf %add3A_757, %mul3A_803 : vector<16xf32>
      %mul3A_805 = arith.mulf %get3A_789, %get3A_789 : vector<16xf32>
      %add3A_806 = arith.addf %add3A_759, %mul3A_805 : vector<16xf32>
      %mul3A_807 = arith.mulf %get3A_801, %get3A_801 : vector<16xf32>
      %add3A_808 = arith.addf %add3A_761, %mul3A_807 : vector<16xf32>
      %mul3A_809 = arith.mulf %gather3A_802, %gather3A_802 : vector<16xf32>
      %add3A_810 = arith.addf %add3A_763, %mul3A_809 : vector<16xf32>
      %mul3A_811 = arith.mulf %get3A_785, %get3A_789 : vector<16xf32>
      %add3A_812 = arith.addf %add3A_765, %mul3A_811 : vector<16xf32>
      %mul3A_813 = arith.mulf %get3A_785, %get3A_801 : vector<16xf32>
      %add3A_814 = arith.addf %add3A_767, %mul3A_813 : vector<16xf32>
      %mul3A_815 = arith.mulf %get3A_785, %gather3A_802 : vector<16xf32>
      %add3A_816 = arith.addf %add3A_769, %mul3A_815 : vector<16xf32>
      %mul3A_817 = arith.mulf %get3A_789, %get3A_801 : vector<16xf32>
      %add3A_818 = arith.addf %add3A_771, %mul3A_817 : vector<16xf32>
      %mul3A_819 = arith.mulf %get3A_789, %gather3A_802 : vector<16xf32>
      %add3A_820 = arith.addf %add3A_773, %mul3A_819 : vector<16xf32>
      %mul3A_821 = arith.mulf %get3A_801, %gather3A_802 : vector<16xf32>
      %add3A_822 = arith.addf %add3A_775, %mul3A_821 : vector<16xf32>
      %mul3A_823 = arith.mulf %get3A_785, %get3A_793 : vector<16xf32>
      %add3A_824 = arith.addf %add3A_777, %mul3A_823 : vector<16xf32>
      %mul3A_825 = arith.mulf %get3A_789, %get3A_797 : vector<16xf32>
      %add3A_826 = arith.addf %add3A_779, %mul3A_825 : vector<16xf32>
      %broadcast_in_dim3A_827 = arith.constant 15 : i32
      %broadcast_in_dim3A_828 = vector.broadcast %broadcast_in_dim3A_827 : i32 to vector<16xi32>
      %get3A_829 = arith.constant 15 : i32
      %get3A_830 = arith.index_cast %get3A_829 : i32 to index
      %get3A_831 = arith.index_cast %multiple_of3A : i32 to index
      %get3A_832 = tpu.vector_load %arg14[%get3A_830, %get3A_831] {strides = array<i32>} : memref<32x512xf32, #tpu.memory_space<vmem>>, vector<16xf32>,
      %get3A_833 = arith.constant 15 : i32
      %get3A_834 = arith.index_cast %get3A_833 : i32 to index
      %get3A_835 = arith.index_cast %multiple_of3A : i32 to index
      %get3A_836 = tpu.vector_load %arg15[%get3A_834, %get3A_835] {strides = array<i32>} : memref<32x512xf32, #tpu.memory_space<vmem>>, vector<16xf32>,
      %get3A_837 = arith.constant 15 : i32
      %get3A_838 = arith.index_cast %get3A_837 : i32 to index
      %get3A_839 = arith.index_cast %multiple_of3A : i32 to index
      %get3A_840 = tpu.vector_load %arg16[%get3A_838, %get3A_839] {strides = array<i32>} : memref<32x512xf32, #tpu.memory_space<vmem>>, vector<16xf32>,
      %get3A_841 = arith.constant 15 : i32
      %get3A_842 = arith.index_cast %get3A_841 : i32 to index
      %get3A_843 = arith.index_cast %multiple_of3A : i32 to index
      %get3A_844 = tpu.vector_load %arg17[%get3A_842, %get3A_843] {strides = array<i32>} : memref<32x512xf32, #tpu.memory_space<vmem>>, vector<16xf32>,
      %get3A_845 = arith.constant 15 : i32
      %get3A_846 = arith.index_cast %get3A_845 : i32 to index
      %get3A_847 = arith.index_cast %multiple_of3A : i32 to index
      %get3A_848 = tpu.vector_load %arg18[%get3A_846, %get3A_847] {strides = array<i32>} : memref<32x512xf32, #tpu.memory_space<vmem>>, vector<16xf32>,
      %gather3A_849 = tpu.vector_load_idx %arg19[%broadcast_in_dim3A_828, %get3A_121] : memref<32x1000xf32, #tpu.memory_space<vmem>>[vector<16xi32>, vector<16xi32>], vector<16xf32>,
      %mul3A_850 = arith.mulf %get3A_832, %get3A_832 : vector<16xf32>
      %add3A_851 = arith.addf %add3A_804, %mul3A_850 : vector<16xf32>
      %mul3A_852 = arith.mulf %get3A_836, %get3A_836 : vector<16xf32>
      %add3A_853 = arith.addf %add3A_806, %mul3A_852 : vector<16xf32>
      %mul3A_854 = arith.mulf %get3A_848, %get3A_848 : vector<16xf32>
      %add3A_855 = arith.addf %add3A_808, %mul3A_854 : vector<16xf32>
      %mul3A_856 = arith.mulf %gather3A_849, %gather3A_849 : vector<16xf32>
      %add3A_857 = arith.addf %add3A_810, %mul3A_856 : vector<16xf32>
      %mul3A_858 = arith.mulf %get3A_832, %get3A_836 : vector<16xf32>
      %add3A_859 = arith.addf %add3A_812, %mul3A_858 : vector<16xf32>
      %mul3A_860 = arith.mulf %get3A_832, %get3A_848 : vector<16xf32>
      %add3A_861 = arith.addf %add3A_814, %mul3A_860 : vector<16xf32>
      %mul3A_862 = arith.mulf %get3A_832, %gather3A_849 : vector<16xf32>
      %add3A_863 = arith.addf %add3A_816, %mul3A_862 : vector<16xf32>
      %mul3A_864 = arith.mulf %get3A_836, %get3A_848 : vector<16xf32>
      %add3A_865 = arith.addf %add3A_818, %mul3A_864 : vector<16xf32>
      %mul3A_866 = arith.mulf %get3A_836, %gather3A_849 : vector<16xf32>
      %add3A_867 = arith.addf %add3A_820, %mul3A_866 : vector<16xf32>
      %mul3A_868 = arith.mulf %get3A_848, %gather3A_849 : vector<16xf32>
      %add3A_869 = arith.addf %add3A_822, %mul3A_868 : vector<16xf32>
      %mul3A_870 = arith.mulf %get3A_832, %get3A_840 : vector<16xf32>
      %add3A_871 = arith.addf %add3A_824, %mul3A_870 : vector<16xf32>
      %mul3A_872 = arith.mulf %get3A_836, %get3A_844 : vector<16xf32>
      %add3A_873 = arith.addf %add3A_826, %mul3A_872 : vector<16xf32>
      %broadcast_in_dim3A_874 = arith.constant 16 : i32
      %broadcast_in_dim3A_875 = vector.broadcast %broadcast_in_dim3A_874 : i32 to vector<16xi32>
      %get3A_876 = arith.constant 16 : i32
      %get3A_877 = arith.index_cast %get3A_876 : i32 to index
      %get3A_878 = arith.index_cast %multiple_of3A : i32 to index
      %get3A_879 = tpu.vector_load %arg14[%get3A_877, %get3A_878] {strides = array<i32>} : memref<32x512xf32, #tpu.memory_space<vmem>>, vector<16xf32>,
      %get3A_880 = arith.constant 16 : i32
      %get3A_881 = arith.index_cast %get3A_880 : i32 to index
      %get3A_882 = arith.index_cast %multiple_of3A : i32 to index
      %get3A_883 = tpu.vector_load %arg15[%get3A_881, %get3A_882] {strides = array<i32>} : memref<32x512xf32, #tpu.memory_space<vmem>>, vector<16xf32>,
      %get3A_884 = arith.constant 16 : i32
      %get3A_885 = arith.index_cast %get3A_884 : i32 to index
      %get3A_886 = arith.index_cast %multiple_of3A : i32 to index
      %get3A_887 = tpu.vector_load %arg16[%get3A_885, %get3A_886] {strides = array<i32>} : memref<32x512xf32, #tpu.memory_space<vmem>>, vector<16xf32>,
      %get3A_888 = arith.constant 16 : i32
      %get3A_889 = arith.index_cast %get3A_888 : i32 to index
      %get3A_890 = arith.index_cast %multiple_of3A : i32 to index
      %get3A_891 = tpu.vector_load %arg17[%get3A_889, %get3A_890] {strides = array<i32>} : memref<32x512xf32, #tpu.memory_space<vmem>>, vector<16xf32>,
      %get3A_892 = arith.constant 16 : i32
      %get3A_893 = arith.index_cast %get3A_892 : i32 to index
      %get3A_894 = arith.index_cast %multiple_of3A : i32 to index
      %get3A_895 = tpu.vector_load %arg18[%get3A_893, %get3A_894] {strides = array<i32>} : memref<32x512xf32, #tpu.memory_space<vmem>>, vector<16xf32>,
      %gather3A_896 = tpu.vector_load_idx %arg19[%broadcast_in_dim3A_875, %get3A_121] : memref<32x1000xf32, #tpu.memory_space<vmem>>[vector<16xi32>, vector<16xi32>], vector<16xf32>,
      %mul3A_897 = arith.mulf %get3A_879, %get3A_879 : vector<16xf32>
      %add3A_898 = arith.addf %add3A_851, %mul3A_897 : vector<16xf32>
      %mul3A_899 = arith.mulf %get3A_883, %get3A_883 : vector<16xf32>
      %add3A_900 = arith.addf %add3A_853, %mul3A_899 : vector<16xf32>
      %mul3A_901 = arith.mulf %get3A_895, %get3A_895 : vector<16xf32>
      %add3A_902 = arith.addf %add3A_855, %mul3A_901 : vector<16xf32>
      %mul3A_903 = arith.mulf %gather3A_896, %gather3A_896 : vector<16xf32>
      %add3A_904 = arith.addf %add3A_857, %mul3A_903 : vector<16xf32>
      %mul3A_905 = arith.mulf %get3A_879, %get3A_883 : vector<16xf32>
      %add3A_906 = arith.addf %add3A_859, %mul3A_905 : vector<16xf32>
      %mul3A_907 = arith.mulf %get3A_879, %get3A_895 : vector<16xf32>
      %add3A_908 = arith.addf %add3A_861, %mul3A_907 : vector<16xf32>
      %mul3A_909 = arith.mulf %get3A_879, %gather3A_896 : vector<16xf32>
      %add3A_910 = arith.addf %add3A_863, %mul3A_909 : vector<16xf32>
      %mul3A_911 = arith.mulf %get3A_883, %get3A_895 : vector<16xf32>
      %add3A_912 = arith.addf %add3A_865, %mul3A_911 : vector<16xf32>
      %mul3A_913 = arith.mulf %get3A_883, %gather3A_896 : vector<16xf32>
      %add3A_914 = arith.addf %add3A_867, %mul3A_913 : vector<16xf32>
      %mul3A_915 = arith.mulf %get3A_895, %gather3A_896 : vector<16xf32>
      %add3A_916 = arith.addf %add3A_869, %mul3A_915 : vector<16xf32>
      %mul3A_917 = arith.mulf %get3A_879, %get3A_887 : vector<16xf32>
      %add3A_918 = arith.addf %add3A_871, %mul3A_917 : vector<16xf32>
      %mul3A_919 = arith.mulf %get3A_883, %get3A_891 : vector<16xf32>
      %add3A_920 = arith.addf %add3A_873, %mul3A_919 : vector<16xf32>
      %broadcast_in_dim3A_921 = arith.constant 17 : i32
      %broadcast_in_dim3A_922 = vector.broadcast %broadcast_in_dim3A_921 : i32 to vector<16xi32>
      %get3A_923 = arith.constant 17 : i32
      %get3A_924 = arith.index_cast %get3A_923 : i32 to index
      %get3A_925 = arith.index_cast %multiple_of3A : i32 to index
      %get3A_926 = tpu.vector_load %arg14[%get3A_924, %get3A_925] {strides = array<i32>} : memref<32x512xf32, #tpu.memory_space<vmem>>, vector<16xf32>,
      %get3A_927 = arith.constant 17 : i32
      %get3A_928 = arith.index_cast %get3A_927 : i32 to index
      %get3A_929 = arith.index_cast %multiple_of3A : i32 to index
      %get3A_930 = tpu.vector_load %arg15[%get3A_928, %get3A_929] {strides = array<i32>} : memref<32x512xf32, #tpu.memory_space<vmem>>, vector<16xf32>,
      %get3A_931 = arith.constant 17 : i32
      %get3A_932 = arith.index_cast %get3A_931 : i32 to index
      %get3A_933 = arith.index_cast %multiple_of3A : i32 to index
      %get3A_934 = tpu.vector_load %arg16[%get3A_932, %get3A_933] {strides = array<i32>} : memref<32x512xf32, #tpu.memory_space<vmem>>, vector<16xf32>,
      %get3A_935 = arith.constant 17 : i32
      %get3A_936 = arith.index_cast %get3A_935 : i32 to index
      %get3A_937 = arith.index_cast %multiple_of3A : i32 to index
      %get3A_938 = tpu.vector_load %arg17[%get3A_936, %get3A_937] {strides = array<i32>} : memref<32x512xf32, #tpu.memory_space<vmem>>, vector<16xf32>,
      %get3A_939 = arith.constant 17 : i32
      %get3A_940 = arith.index_cast %get3A_939 : i32 to index
      %get3A_941 = arith.index_cast %multiple_of3A : i32 to index
      %get3A_942 = tpu.vector_load %arg18[%get3A_940, %get3A_941] {strides = array<i32>} : memref<32x512xf32, #tpu.memory_space<vmem>>, vector<16xf32>,
      %gather3A_943 = tpu.vector_load_idx %arg19[%broadcast_in_dim3A_922, %get3A_121] : memref<32x1000xf32, #tpu.memory_space<vmem>>[vector<16xi32>, vector<16xi32>], vector<16xf32>,
      %mul3A_944 = arith.mulf %get3A_926, %get3A_926 : vector<16xf32>
      %add3A_945 = arith.addf %add3A_898, %mul3A_944 : vector<16xf32>
      %mul3A_946 = arith.mulf %get3A_930, %get3A_930 : vector<16xf32>
      %add3A_947 = arith.addf %add3A_900, %mul3A_946 : vector<16xf32>
      %mul3A_948 = arith.mulf %get3A_942, %get3A_942 : vector<16xf32>
      %add3A_949 = arith.addf %add3A_902, %mul3A_948 : vector<16xf32>
      %mul3A_950 = arith.mulf %gather3A_943, %gather3A_943 : vector<16xf32>
      %add3A_951 = arith.addf %add3A_904, %mul3A_950 : vector<16xf32>
      %mul3A_952 = arith.mulf %get3A_926, %get3A_930 : vector<16xf32>
      %add3A_953 = arith.addf %add3A_906, %mul3A_952 : vector<16xf32>
      %mul3A_954 = arith.mulf %get3A_926, %get3A_942 : vector<16xf32>
      %add3A_955 = arith.addf %add3A_908, %mul3A_954 : vector<16xf32>
      %mul3A_956 = arith.mulf %get3A_926, %gather3A_943 : vector<16xf32>
      %add3A_957 = arith.addf %add3A_910, %mul3A_956 : vector<16xf32>
      %mul3A_958 = arith.mulf %get3A_930, %get3A_942 : vector<16xf32>
      %add3A_959 = arith.addf %add3A_912, %mul3A_958 : vector<16xf32>
      %mul3A_960 = arith.mulf %get3A_930, %gather3A_943 : vector<16xf32>
      %add3A_961 = arith.addf %add3A_914, %mul3A_960 : vector<16xf32>
      %mul3A_962 = arith.mulf %get3A_942, %gather3A_943 : vector<16xf32>
      %add3A_963 = arith.addf %add3A_916, %mul3A_962 : vector<16xf32>
      %mul3A_964 = arith.mulf %get3A_926, %get3A_934 : vector<16xf32>
      %add3A_965 = arith.addf %add3A_918, %mul3A_964 : vector<16xf32>
      %mul3A_966 = arith.mulf %get3A_930, %get3A_938 : vector<16xf32>
      %add3A_967 = arith.addf %add3A_920, %mul3A_966 : vector<16xf32>
      %broadcast_in_dim3A_968 = arith.constant 18 : i32
      %broadcast_in_dim3A_969 = vector.broadcast %broadcast_in_dim3A_968 : i32 to vector<16xi32>
      %get3A_970 = arith.constant 18 : i32
      %get3A_971 = arith.index_cast %get3A_970 : i32 to index
      %get3A_972 = arith.index_cast %multiple_of3A : i32 to index
      %get3A_973 = tpu.vector_load %arg14[%get3A_971, %get3A_972] {strides = array<i32>} : memref<32x512xf32, #tpu.memory_space<vmem>>, vector<16xf32>,
      %get3A_974 = arith.constant 18 : i32
      %get3A_975 = arith.index_cast %get3A_974 : i32 to index
      %get3A_976 = arith.index_cast %multiple_of3A : i32 to index
      %get3A_977 = tpu.vector_load %arg15[%get3A_975, %get3A_976] {strides = array<i32>} : memref<32x512xf32, #tpu.memory_space<vmem>>, vector<16xf32>,
      %get3A_978 = arith.constant 18 : i32
      %get3A_979 = arith.index_cast %get3A_978 : i32 to index
      %get3A_980 = arith.index_cast %multiple_of3A : i32 to index
      %get3A_981 = tpu.vector_load %arg16[%get3A_979, %get3A_980] {strides = array<i32>} : memref<32x512xf32, #tpu.memory_space<vmem>>, vector<16xf32>,
      %get3A_982 = arith.constant 18 : i32
      %get3A_983 = arith.index_cast %get3A_982 : i32 to index
      %get3A_984 = arith.index_cast %multiple_of3A : i32 to index
      %get3A_985 = tpu.vector_load %arg17[%get3A_983, %get3A_984] {strides = array<i32>} : memref<32x512xf32, #tpu.memory_space<vmem>>, vector<16xf32>,
      %get3A_986 = arith.constant 18 : i32
      %get3A_987 = arith.index_cast %get3A_986 : i32 to index
      %get3A_988 = arith.index_cast %multiple_of3A : i32 to index
      %get3A_989 = tpu.vector_load %arg18[%get3A_987, %get3A_988] {strides = array<i32>} : memref<32x512xf32, #tpu.memory_space<vmem>>, vector<16xf32>,
      %gather3A_990 = tpu.vector_load_idx %arg19[%broadcast_in_dim3A_969, %get3A_121] : memref<32x1000xf32, #tpu.memory_space<vmem>>[vector<16xi32>, vector<16xi32>], vector<16xf32>,
      %mul3A_991 = arith.mulf %get3A_973, %get3A_973 : vector<16xf32>
      %add3A_992 = arith.addf %add3A_945, %mul3A_991 : vector<16xf32>
      %mul3A_993 = arith.mulf %get3A_977, %get3A_977 : vector<16xf32>
      %add3A_994 = arith.addf %add3A_947, %mul3A_993 : vector<16xf32>
      %mul3A_995 = arith.mulf %get3A_989, %get3A_989 : vector<16xf32>
      %add3A_996 = arith.addf %add3A_949, %mul3A_995 : vector<16xf32>
      %mul3A_997 = arith.mulf %gather3A_990, %gather3A_990 : vector<16xf32>
      %add3A_998 = arith.addf %add3A_951, %mul3A_997 : vector<16xf32>
      %mul3A_999 = arith.mulf %get3A_973, %get3A_977 : vector<16xf32>
      %add3A_1000 = arith.addf %add3A_953, %mul3A_999 : vector<16xf32>
      %mul3A_1001 = arith.mulf %get3A_973, %get3A_989 : vector<16xf32>
      %add3A_1002 = arith.addf %add3A_955, %mul3A_1001 : vector<16xf32>
      %mul3A_1003 = arith.mulf %get3A_973, %gather3A_990 : vector<16xf32>
      %add3A_1004 = arith.addf %add3A_957, %mul3A_1003 : vector<16xf32>
      %mul3A_1005 = arith.mulf %get3A_977, %get3A_989 : vector<16xf32>
      %add3A_1006 = arith.addf %add3A_959, %mul3A_1005 : vector<16xf32>
      %mul3A_1007 = arith.mulf %get3A_977, %gather3A_990 : vector<16xf32>
      %add3A_1008 = arith.addf %add3A_961, %mul3A_1007 : vector<16xf32>
      %mul3A_1009 = arith.mulf %get3A_989, %gather3A_990 : vector<16xf32>
      %add3A_1010 = arith.addf %add3A_963, %mul3A_1009 : vector<16xf32>
      %mul3A_1011 = arith.mulf %get3A_973, %get3A_981 : vector<16xf32>
      %add3A_1012 = arith.addf %add3A_965, %mul3A_1011 : vector<16xf32>
      %mul3A_1013 = arith.mulf %get3A_977, %get3A_985 : vector<16xf32>
      %add3A_1014 = arith.addf %add3A_967, %mul3A_1013 : vector<16xf32>
      %broadcast_in_dim3A_1015 = arith.constant 19 : i32
      %broadcast_in_dim3A_1016 = vector.broadcast %broadcast_in_dim3A_1015 : i32 to vector<16xi32>
      %get3A_1017 = arith.constant 19 : i32
      %get3A_1018 = arith.index_cast %get3A_1017 : i32 to index
      %get3A_1019 = arith.index_cast %multiple_of3A : i32 to index
      %get3A_1020 = tpu.vector_load %arg14[%get3A_1018, %get3A_1019] {strides = array<i32>} : memref<32x512xf32, #tpu.memory_space<vmem>>, vector<16xf32>,
      %get3A_1021 = arith.constant 19 : i32
      %get3A_1022 = arith.index_cast %get3A_1021 : i32 to index
      %get3A_1023 = arith.index_cast %multiple_of3A : i32 to index
      %get3A_1024 = tpu.vector_load %arg15[%get3A_1022, %get3A_1023] {strides = array<i32>} : memref<32x512xf32, #tpu.memory_space<vmem>>, vector<16xf32>,
      %get3A_1025 = arith.constant 19 : i32
      %get3A_1026 = arith.index_cast %get3A_1025 : i32 to index
      %get3A_1027 = arith.index_cast %multiple_of3A : i32 to index
      %get3A_1028 = tpu.vector_load %arg16[%get3A_1026, %get3A_1027] {strides = array<i32>} : memref<32x512xf32, #tpu.memory_space<vmem>>, vector<16xf32>,
      %get3A_1029 = arith.constant 19 : i32
      %get3A_1030 = arith.index_cast %get3A_1029 : i32 to index
      %get3A_1031 = arith.index_cast %multiple_of3A : i32 to index
      %get3A_1032 = tpu.vector_load %arg17[%get3A_1030, %get3A_1031] {strides = array<i32>} : memref<32x512xf32, #tpu.memory_space<vmem>>, vector<16xf32>,
      %get3A_1033 = arith.constant 19 : i32
      %get3A_1034 = arith.index_cast %get3A_1033 : i32 to index
      %get3A_1035 = arith.index_cast %multiple_of3A : i32 to index
      %get3A_1036 = tpu.vector_load %arg18[%get3A_1034, %get3A_1035] {strides = array<i32>} : memref<32x512xf32, #tpu.memory_space<vmem>>, vector<16xf32>,
      %gather3A_1037 = tpu.vector_load_idx %arg19[%broadcast_in_dim3A_1016, %get3A_121] : memref<32x1000xf32, #tpu.memory_space<vmem>>[vector<16xi32>, vector<16xi32>], vector<16xf32>,
      %mul3A_1038 = arith.mulf %get3A_1020, %get3A_1020 : vector<16xf32>
      %add3A_1039 = arith.addf %add3A_992, %mul3A_1038 : vector<16xf32>
      %mul3A_1040 = arith.mulf %get3A_1024, %get3A_1024 : vector<16xf32>
      %add3A_1041 = arith.addf %add3A_994, %mul3A_1040 : vector<16xf32>
      %mul3A_1042 = arith.mulf %get3A_1036, %get3A_1036 : vector<16xf32>
      %add3A_1043 = arith.addf %add3A_996, %mul3A_1042 : vector<16xf32>
      %mul3A_1044 = arith.mulf %gather3A_1037, %gather3A_1037 : vector<16xf32>
      %add3A_1045 = arith.addf %add3A_998, %mul3A_1044 : vector<16xf32>
      %mul3A_1046 = arith.mulf %get3A_1020, %get3A_1024 : vector<16xf32>
      %add3A_1047 = arith.addf %add3A_1000, %mul3A_1046 : vector<16xf32>
      %mul3A_1048 = arith.mulf %get3A_1020, %get3A_1036 : vector<16xf32>
      %add3A_1049 = arith.addf %add3A_1002, %mul3A_1048 : vector<16xf32>
      %mul3A_1050 = arith.mulf %get3A_1020, %gather3A_1037 : vector<16xf32>
      %add3A_1051 = arith.addf %add3A_1004, %mul3A_1050 : vector<16xf32>
      %mul3A_1052 = arith.mulf %get3A_1024, %get3A_1036 : vector<16xf32>
      %add3A_1053 = arith.addf %add3A_1006, %mul3A_1052 : vector<16xf32>
      %mul3A_1054 = arith.mulf %get3A_1024, %gather3A_1037 : vector<16xf32>
      %add3A_1055 = arith.addf %add3A_1008, %mul3A_1054 : vector<16xf32>
      %mul3A_1056 = arith.mulf %get3A_1036, %gather3A_1037 : vector<16xf32>
      %add3A_1057 = arith.addf %add3A_1010, %mul3A_1056 : vector<16xf32>
      %mul3A_1058 = arith.mulf %get3A_1020, %get3A_1028 : vector<16xf32>
      %add3A_1059 = arith.addf %add3A_1012, %mul3A_1058 : vector<16xf32>
      %mul3A_1060 = arith.mulf %get3A_1024, %get3A_1032 : vector<16xf32>
      %add3A_1061 = arith.addf %add3A_1014, %mul3A_1060 : vector<16xf32>
      %broadcast_in_dim3A_1062 = arith.constant 20 : i32
      %broadcast_in_dim3A_1063 = vector.broadcast %broadcast_in_dim3A_1062 : i32 to vector<16xi32>
      %get3A_1064 = arith.constant 20 : i32
      %get3A_1065 = arith.index_cast %get3A_1064 : i32 to index
      %get3A_1066 = arith.index_cast %multiple_of3A : i32 to index
      %get3A_1067 = tpu.vector_load %arg14[%get3A_1065, %get3A_1066] {strides = array<i32>} : memref<32x512xf32, #tpu.memory_space<vmem>>, vector<16xf32>,
      %get3A_1068 = arith.constant 20 : i32
      %get3A_1069 = arith.index_cast %get3A_1068 : i32 to index
      %get3A_1070 = arith.index_cast %multiple_of3A : i32 to index
      %get3A_1071 = tpu.vector_load %arg15[%get3A_1069, %get3A_1070] {strides = array<i32>} : memref<32x512xf32, #tpu.memory_space<vmem>>, vector<16xf32>,
      %get3A_1072 = arith.constant 20 : i32
      %get3A_1073 = arith.index_cast %get3A_1072 : i32 to index
      %get3A_1074 = arith.index_cast %multiple_of3A : i32 to index
      %get3A_1075 = tpu.vector_load %arg16[%get3A_1073, %get3A_1074] {strides = array<i32>} : memref<32x512xf32, #tpu.memory_space<vmem>>, vector<16xf32>,
      %get3A_1076 = arith.constant 20 : i32
      %get3A_1077 = arith.index_cast %get3A_1076 : i32 to index
      %get3A_1078 = arith.index_cast %multiple_of3A : i32 to index
      %get3A_1079 = tpu.vector_load %arg17[%get3A_1077, %get3A_1078] {strides = array<i32>} : memref<32x512xf32, #tpu.memory_space<vmem>>, vector<16xf32>,
      %get3A_1080 = arith.constant 20 : i32
      %get3A_1081 = arith.index_cast %get3A_1080 : i32 to index
      %get3A_1082 = arith.index_cast %multiple_of3A : i32 to index
      %get3A_1083 = tpu.vector_load %arg18[%get3A_1081, %get3A_1082] {strides = array<i32>} : memref<32x512xf32, #tpu.memory_space<vmem>>, vector<16xf32>,
      %gather3A_1084 = tpu.vector_load_idx %arg19[%broadcast_in_dim3A_1063, %get3A_121] : memref<32x1000xf32, #tpu.memory_space<vmem>>[vector<16xi32>, vector<16xi32>], vector<16xf32>,
      %mul3A_1085 = arith.mulf %get3A_1067, %get3A_1067 : vector<16xf32>
      %add3A_1086 = arith.addf %add3A_1039, %mul3A_1085 : vector<16xf32>
      %mul3A_1087 = arith.mulf %get3A_1071, %get3A_1071 : vector<16xf32>
      %add3A_1088 = arith.addf %add3A_1041, %mul3A_1087 : vector<16xf32>
      %mul3A_1089 = arith.mulf %get3A_1083, %get3A_1083 : vector<16xf32>
      %add3A_1090 = arith.addf %add3A_1043, %mul3A_1089 : vector<16xf32>
      %mul3A_1091 = arith.mulf %gather3A_1084, %gather3A_1084 : vector<16xf32>
      %add3A_1092 = arith.addf %add3A_1045, %mul3A_1091 : vector<16xf32>
      %mul3A_1093 = arith.mulf %get3A_1067, %get3A_1071 : vector<16xf32>
      %add3A_1094 = arith.addf %add3A_1047, %mul3A_1093 : vector<16xf32>
      %mul3A_1095 = arith.mulf %get3A_1067, %get3A_1083 : vector<16xf32>
      %add3A_1096 = arith.addf %add3A_1049, %mul3A_1095 : vector<16xf32>
      %mul3A_1097 = arith.mulf %get3A_1067, %gather3A_1084 : vector<16xf32>
      %add3A_1098 = arith.addf %add3A_1051, %mul3A_1097 : vector<16xf32>
      %mul3A_1099 = arith.mulf %get3A_1071, %get3A_1083 : vector<16xf32>
      %add3A_1100 = arith.addf %add3A_1053, %mul3A_1099 : vector<16xf32>
      %mul3A_1101 = arith.mulf %get3A_1071, %gather3A_1084 : vector<16xf32>
      %add3A_1102 = arith.addf %add3A_1055, %mul3A_1101 : vector<16xf32>
      %mul3A_1103 = arith.mulf %get3A_1083, %gather3A_1084 : vector<16xf32>
      %add3A_1104 = arith.addf %add3A_1057, %mul3A_1103 : vector<16xf32>
      %mul3A_1105 = arith.mulf %get3A_1067, %get3A_1075 : vector<16xf32>
      %add3A_1106 = arith.addf %add3A_1059, %mul3A_1105 : vector<16xf32>
      %mul3A_1107 = arith.mulf %get3A_1071, %get3A_1079 : vector<16xf32>
      %add3A_1108 = arith.addf %add3A_1061, %mul3A_1107 : vector<16xf32>
      %broadcast_in_dim3A_1109 = arith.constant 21 : i32
      %broadcast_in_dim3A_1110 = vector.broadcast %broadcast_in_dim3A_1109 : i32 to vector<16xi32>
      %get3A_1111 = arith.constant 21 : i32
      %get3A_1112 = arith.index_cast %get3A_1111 : i32 to index
      %get3A_1113 = arith.index_cast %multiple_of3A : i32 to index
      %get3A_1114 = tpu.vector_load %arg14[%get3A_1112, %get3A_1113] {strides = array<i32>} : memref<32x512xf32, #tpu.memory_space<vmem>>, vector<16xf32>,
      %get3A_1115 = arith.constant 21 : i32
      %get3A_1116 = arith.index_cast %get3A_1115 : i32 to index
      %get3A_1117 = arith.index_cast %multiple_of3A : i32 to index
      %get3A_1118 = tpu.vector_load %arg15[%get3A_1116, %get3A_1117] {strides = array<i32>} : memref<32x512xf32, #tpu.memory_space<vmem>>, vector<16xf32>,
      %get3A_1119 = arith.constant 21 : i32
      %get3A_1120 = arith.index_cast %get3A_1119 : i32 to index
      %get3A_1121 = arith.index_cast %multiple_of3A : i32 to index
      %get3A_1122 = tpu.vector_load %arg16[%get3A_1120, %get3A_1121] {strides = array<i32>} : memref<32x512xf32, #tpu.memory_space<vmem>>, vector<16xf32>,
      %get3A_1123 = arith.constant 21 : i32
      %get3A_1124 = arith.index_cast %get3A_1123 : i32 to index
      %get3A_1125 = arith.index_cast %multiple_of3A : i32 to index
      %get3A_1126 = tpu.vector_load %arg17[%get3A_1124, %get3A_1125] {strides = array<i32>} : memref<32x512xf32, #tpu.memory_space<vmem>>, vector<16xf32>,
      %get3A_1127 = arith.constant 21 : i32
      %get3A_1128 = arith.index_cast %get3A_1127 : i32 to index
      %get3A_1129 = arith.index_cast %multiple_of3A : i32 to index
      %get3A_1130 = tpu.vector_load %arg18[%get3A_1128, %get3A_1129] {strides = array<i32>} : memref<32x512xf32, #tpu.memory_space<vmem>>, vector<16xf32>,
      %gather3A_1131 = tpu.vector_load_idx %arg19[%broadcast_in_dim3A_1110, %get3A_121] : memref<32x1000xf32, #tpu.memory_space<vmem>>[vector<16xi32>, vector<16xi32>], vector<16xf32>,
      %mul3A_1132 = arith.mulf %get3A_1114, %get3A_1114 : vector<16xf32>
      %add3A_1133 = arith.addf %add3A_1086, %mul3A_1132 : vector<16xf32>
      %mul3A_1134 = arith.mulf %get3A_1118, %get3A_1118 : vector<16xf32>
      %add3A_1135 = arith.addf %add3A_1088, %mul3A_1134 : vector<16xf32>
      %mul3A_1136 = arith.mulf %get3A_1130, %get3A_1130 : vector<16xf32>
      %add3A_1137 = arith.addf %add3A_1090, %mul3A_1136 : vector<16xf32>
      %mul3A_1138 = arith.mulf %gather3A_1131, %gather3A_1131 : vector<16xf32>
      %add3A_1139 = arith.addf %add3A_1092, %mul3A_1138 : vector<16xf32>
      %mul3A_1140 = arith.mulf %get3A_1114, %get3A_1118 : vector<16xf32>
      %add3A_1141 = arith.addf %add3A_1094, %mul3A_1140 : vector<16xf32>
      %mul3A_1142 = arith.mulf %get3A_1114, %get3A_1130 : vector<16xf32>
      %add3A_1143 = arith.addf %add3A_1096, %mul3A_1142 : vector<16xf32>
      %mul3A_1144 = arith.mulf %get3A_1114, %gather3A_1131 : vector<16xf32>
      %add3A_1145 = arith.addf %add3A_1098, %mul3A_1144 : vector<16xf32>
      %mul3A_1146 = arith.mulf %get3A_1118, %get3A_1130 : vector<16xf32>
      %add3A_1147 = arith.addf %add3A_1100, %mul3A_1146 : vector<16xf32>
      %mul3A_1148 = arith.mulf %get3A_1118, %gather3A_1131 : vector<16xf32>
      %add3A_1149 = arith.addf %add3A_1102, %mul3A_1148 : vector<16xf32>
      %mul3A_1150 = arith.mulf %get3A_1130, %gather3A_1131 : vector<16xf32>
      %add3A_1151 = arith.addf %add3A_1104, %mul3A_1150 : vector<16xf32>
      %mul3A_1152 = arith.mulf %get3A_1114, %get3A_1122 : vector<16xf32>
      %add3A_1153 = arith.addf %add3A_1106, %mul3A_1152 : vector<16xf32>
      %mul3A_1154 = arith.mulf %get3A_1118, %get3A_1126 : vector<16xf32>
      %add3A_1155 = arith.addf %add3A_1108, %mul3A_1154 : vector<16xf32>
      %broadcast_in_dim3A_1156 = arith.constant 22 : i32
      %broadcast_in_dim3A_1157 = vector.broadcast %broadcast_in_dim3A_1156 : i32 to vector<16xi32>
      %get3A_1158 = arith.constant 22 : i32
      %get3A_1159 = arith.index_cast %get3A_1158 : i32 to index
      %get3A_1160 = arith.index_cast %multiple_of3A : i32 to index
      %get3A_1161 = tpu.vector_load %arg14[%get3A_1159, %get3A_1160] {strides = array<i32>} : memref<32x512xf32, #tpu.memory_space<vmem>>, vector<16xf32>,
      %get3A_1162 = arith.constant 22 : i32
      %get3A_1163 = arith.index_cast %get3A_1162 : i32 to index
      %get3A_1164 = arith.index_cast %multiple_of3A : i32 to index
      %get3A_1165 = tpu.vector_load %arg15[%get3A_1163, %get3A_1164] {strides = array<i32>} : memref<32x512xf32, #tpu.memory_space<vmem>>, vector<16xf32>,
      %get3A_1166 = arith.constant 22 : i32
      %get3A_1167 = arith.index_cast %get3A_1166 : i32 to index
      %get3A_1168 = arith.index_cast %multiple_of3A : i32 to index
      %get3A_1169 = tpu.vector_load %arg16[%get3A_1167, %get3A_1168] {strides = array<i32>} : memref<32x512xf32, #tpu.memory_space<vmem>>, vector<16xf32>,
      %get3A_1170 = arith.constant 22 : i32
      %get3A_1171 = arith.index_cast %get3A_1170 : i32 to index
      %get3A_1172 = arith.index_cast %multiple_of3A : i32 to index
      %get3A_1173 = tpu.vector_load %arg17[%get3A_1171, %get3A_1172] {strides = array<i32>} : memref<32x512xf32, #tpu.memory_space<vmem>>, vector<16xf32>,
      %get3A_1174 = arith.constant 22 : i32
      %get3A_1175 = arith.index_cast %get3A_1174 : i32 to index
      %get3A_1176 = arith.index_cast %multiple_of3A : i32 to index
      %get3A_1177 = tpu.vector_load %arg18[%get3A_1175, %get3A_1176] {strides = array<i32>} : memref<32x512xf32, #tpu.memory_space<vmem>>, vector<16xf32>,
      %gather3A_1178 = tpu.vector_load_idx %arg19[%broadcast_in_dim3A_1157, %get3A_121] : memref<32x1000xf32, #tpu.memory_space<vmem>>[vector<16xi32>, vector<16xi32>], vector<16xf32>,
      %mul3A_1179 = arith.mulf %get3A_1161, %get3A_1161 : vector<16xf32>
      %add3A_1180 = arith.addf %add3A_1133, %mul3A_1179 : vector<16xf32>
      %mul3A_1181 = arith.mulf %get3A_1165, %get3A_1165 : vector<16xf32>
      %add3A_1182 = arith.addf %add3A_1135, %mul3A_1181 : vector<16xf32>
      %mul3A_1183 = arith.mulf %get3A_1177, %get3A_1177 : vector<16xf32>
      %add3A_1184 = arith.addf %add3A_1137, %mul3A_1183 : vector<16xf32>
      %mul3A_1185 = arith.mulf %gather3A_1178, %gather3A_1178 : vector<16xf32>
      %add3A_1186 = arith.addf %add3A_1139, %mul3A_1185 : vector<16xf32>
      %mul3A_1187 = arith.mulf %get3A_1161, %get3A_1165 : vector<16xf32>
      %add3A_1188 = arith.addf %add3A_1141, %mul3A_1187 : vector<16xf32>
      %mul3A_1189 = arith.mulf %get3A_1161, %get3A_1177 : vector<16xf32>
      %add3A_1190 = arith.addf %add3A_1143, %mul3A_1189 : vector<16xf32>
      %mul3A_1191 = arith.mulf %get3A_1161, %gather3A_1178 : vector<16xf32>
      %add3A_1192 = arith.addf %add3A_1145, %mul3A_1191 : vector<16xf32>
      %mul3A_1193 = arith.mulf %get3A_1165, %get3A_1177 : vector<16xf32>
      %add3A_1194 = arith.addf %add3A_1147, %mul3A_1193 : vector<16xf32>
      %mul3A_1195 = arith.mulf %get3A_1165, %gather3A_1178 : vector<16xf32>
      %add3A_1196 = arith.addf %add3A_1149, %mul3A_1195 : vector<16xf32>
      %mul3A_1197 = arith.mulf %get3A_1177, %gather3A_1178 : vector<16xf32>
      %add3A_1198 = arith.addf %add3A_1151, %mul3A_1197 : vector<16xf32>
      %mul3A_1199 = arith.mulf %get3A_1161, %get3A_1169 : vector<16xf32>
      %add3A_1200 = arith.addf %add3A_1153, %mul3A_1199 : vector<16xf32>
      %mul3A_1201 = arith.mulf %get3A_1165, %get3A_1173 : vector<16xf32>
      %add3A_1202 = arith.addf %add3A_1155, %mul3A_1201 : vector<16xf32>
      %broadcast_in_dim3A_1203 = arith.constant 23 : i32
      %broadcast_in_dim3A_1204 = vector.broadcast %broadcast_in_dim3A_1203 : i32 to vector<16xi32>
      %get3A_1205 = arith.constant 23 : i32
      %get3A_1206 = arith.index_cast %get3A_1205 : i32 to index
      %get3A_1207 = arith.index_cast %multiple_of3A : i32 to index
      %get3A_1208 = tpu.vector_load %arg14[%get3A_1206, %get3A_1207] {strides = array<i32>} : memref<32x512xf32, #tpu.memory_space<vmem>>, vector<16xf32>,
      %get3A_1209 = arith.constant 23 : i32
      %get3A_1210 = arith.index_cast %get3A_1209 : i32 to index
      %get3A_1211 = arith.index_cast %multiple_of3A : i32 to index
      %get3A_1212 = tpu.vector_load %arg15[%get3A_1210, %get3A_1211] {strides = array<i32>} : memref<32x512xf32, #tpu.memory_space<vmem>>, vector<16xf32>,
      %get3A_1213 = arith.constant 23 : i32
      %get3A_1214 = arith.index_cast %get3A_1213 : i32 to index
      %get3A_1215 = arith.index_cast %multiple_of3A : i32 to index
      %get3A_1216 = tpu.vector_load %arg16[%get3A_1214, %get3A_1215] {strides = array<i32>} : memref<32x512xf32, #tpu.memory_space<vmem>>, vector<16xf32>,
      %get3A_1217 = arith.constant 23 : i32
      %get3A_1218 = arith.index_cast %get3A_1217 : i32 to index
      %get3A_1219 = arith.index_cast %multiple_of3A : i32 to index
      %get3A_1220 = tpu.vector_load %arg17[%get3A_1218, %get3A_1219] {strides = array<i32>} : memref<32x512xf32, #tpu.memory_space<vmem>>, vector<16xf32>,
      %get3A_1221 = arith.constant 23 : i32
      %get3A_1222 = arith.index_cast %get3A_1221 : i32 to index
      %get3A_1223 = arith.index_cast %multiple_of3A : i32 to index
      %get3A_1224 = tpu.vector_load %arg18[%get3A_1222, %get3A_1223] {strides = array<i32>} : memref<32x512xf32, #tpu.memory_space<vmem>>, vector<16xf32>,
      %gather3A_1225 = tpu.vector_load_idx %arg19[%broadcast_in_dim3A_1204, %get3A_121] : memref<32x1000xf32, #tpu.memory_space<vmem>>[vector<16xi32>, vector<16xi32>], vector<16xf32>,
      %mul3A_1226 = arith.mulf %get3A_1208, %get3A_1208 : vector<16xf32>
      %add3A_1227 = arith.addf %add3A_1180, %mul3A_1226 : vector<16xf32>
      %mul3A_1228 = arith.mulf %get3A_1212, %get3A_1212 : vector<16xf32>
      %add3A_1229 = arith.addf %add3A_1182, %mul3A_1228 : vector<16xf32>
      %mul3A_1230 = arith.mulf %get3A_1224, %get3A_1224 : vector<16xf32>
      %add3A_1231 = arith.addf %add3A_1184, %mul3A_1230 : vector<16xf32>
      %mul3A_1232 = arith.mulf %gather3A_1225, %gather3A_1225 : vector<16xf32>
      %add3A_1233 = arith.addf %add3A_1186, %mul3A_1232 : vector<16xf32>
      %mul3A_1234 = arith.mulf %get3A_1208, %get3A_1212 : vector<16xf32>
      %add3A_1235 = arith.addf %add3A_1188, %mul3A_1234 : vector<16xf32>
      %mul3A_1236 = arith.mulf %get3A_1208, %get3A_1224 : vector<16xf32>
      %add3A_1237 = arith.addf %add3A_1190, %mul3A_1236 : vector<16xf32>
      %mul3A_1238 = arith.mulf %get3A_1208, %gather3A_1225 : vector<16xf32>
      %add3A_1239 = arith.addf %add3A_1192, %mul3A_1238 : vector<16xf32>
      %mul3A_1240 = arith.mulf %get3A_1212, %get3A_1224 : vector<16xf32>
      %add3A_1241 = arith.addf %add3A_1194, %mul3A_1240 : vector<16xf32>
      %mul3A_1242 = arith.mulf %get3A_1212, %gather3A_1225 : vector<16xf32>
      %add3A_1243 = arith.addf %add3A_1196, %mul3A_1242 : vector<16xf32>
      %mul3A_1244 = arith.mulf %get3A_1224, %gather3A_1225 : vector<16xf32>
      %add3A_1245 = arith.addf %add3A_1198, %mul3A_1244 : vector<16xf32>
      %mul3A_1246 = arith.mulf %get3A_1208, %get3A_1216 : vector<16xf32>
      %add3A_1247 = arith.addf %add3A_1200, %mul3A_1246 : vector<16xf32>
      %mul3A_1248 = arith.mulf %get3A_1212, %get3A_1220 : vector<16xf32>
      %add3A_1249 = arith.addf %add3A_1202, %mul3A_1248 : vector<16xf32>
      %broadcast_in_dim3A_1250 = arith.constant 24 : i32
      %broadcast_in_dim3A_1251 = vector.broadcast %broadcast_in_dim3A_1250 : i32 to vector<16xi32>
      %get3A_1252 = arith.constant 24 : i32
      %get3A_1253 = arith.index_cast %get3A_1252 : i32 to index
      %get3A_1254 = arith.index_cast %multiple_of3A : i32 to index
      %get3A_1255 = tpu.vector_load %arg14[%get3A_1253, %get3A_1254] {strides = array<i32>} : memref<32x512xf32, #tpu.memory_space<vmem>>, vector<16xf32>,
      %get3A_1256 = arith.constant 24 : i32
      %get3A_1257 = arith.index_cast %get3A_1256 : i32 to index
      %get3A_1258 = arith.index_cast %multiple_of3A : i32 to index
      %get3A_1259 = tpu.vector_load %arg15[%get3A_1257, %get3A_1258] {strides = array<i32>} : memref<32x512xf32, #tpu.memory_space<vmem>>, vector<16xf32>,
      %get3A_1260 = arith.constant 24 : i32
      %get3A_1261 = arith.index_cast %get3A_1260 : i32 to index
      %get3A_1262 = arith.index_cast %multiple_of3A : i32 to index
      %get3A_1263 = tpu.vector_load %arg16[%get3A_1261, %get3A_1262] {strides = array<i32>} : memref<32x512xf32, #tpu.memory_space<vmem>>, vector<16xf32>,
      %get3A_1264 = arith.constant 24 : i32
      %get3A_1265 = arith.index_cast %get3A_1264 : i32 to index
      %get3A_1266 = arith.index_cast %multiple_of3A : i32 to index
      %get3A_1267 = tpu.vector_load %arg17[%get3A_1265, %get3A_1266] {strides = array<i32>} : memref<32x512xf32, #tpu.memory_space<vmem>>, vector<16xf32>,
      %get3A_1268 = arith.constant 24 : i32
      %get3A_1269 = arith.index_cast %get3A_1268 : i32 to index
      %get3A_1270 = arith.index_cast %multiple_of3A : i32 to index
      %get3A_1271 = tpu.vector_load %arg18[%get3A_1269, %get3A_1270] {strides = array<i32>} : memref<32x512xf32, #tpu.memory_space<vmem>>, vector<16xf32>,
      %gather3A_1272 = tpu.vector_load_idx %arg19[%broadcast_in_dim3A_1251, %get3A_121] : memref<32x1000xf32, #tpu.memory_space<vmem>>[vector<16xi32>, vector<16xi32>], vector<16xf32>,
      %mul3A_1273 = arith.mulf %get3A_1255, %get3A_1255 : vector<16xf32>
      %add3A_1274 = arith.addf %add3A_1227, %mul3A_1273 : vector<16xf32>
      %mul3A_1275 = arith.mulf %get3A_1259, %get3A_1259 : vector<16xf32>
      %add3A_1276 = arith.addf %add3A_1229, %mul3A_1275 : vector<16xf32>
      %mul3A_1277 = arith.mulf %get3A_1271, %get3A_1271 : vector<16xf32>
      %add3A_1278 = arith.addf %add3A_1231, %mul3A_1277 : vector<16xf32>
      %mul3A_1279 = arith.mulf %gather3A_1272, %gather3A_1272 : vector<16xf32>
      %add3A_1280 = arith.addf %add3A_1233, %mul3A_1279 : vector<16xf32>
      %mul3A_1281 = arith.mulf %get3A_1255, %get3A_1259 : vector<16xf32>
      %add3A_1282 = arith.addf %add3A_1235, %mul3A_1281 : vector<16xf32>
      %mul3A_1283 = arith.mulf %get3A_1255, %get3A_1271 : vector<16xf32>
      %add3A_1284 = arith.addf %add3A_1237, %mul3A_1283 : vector<16xf32>
      %mul3A_1285 = arith.mulf %get3A_1255, %gather3A_1272 : vector<16xf32>
      %add3A_1286 = arith.addf %add3A_1239, %mul3A_1285 : vector<16xf32>
      %mul3A_1287 = arith.mulf %get3A_1259, %get3A_1271 : vector<16xf32>
      %add3A_1288 = arith.addf %add3A_1241, %mul3A_1287 : vector<16xf32>
      %mul3A_1289 = arith.mulf %get3A_1259, %gather3A_1272 : vector<16xf32>
      %add3A_1290 = arith.addf %add3A_1243, %mul3A_1289 : vector<16xf32>
      %mul3A_1291 = arith.mulf %get3A_1271, %gather3A_1272 : vector<16xf32>
      %add3A_1292 = arith.addf %add3A_1245, %mul3A_1291 : vector<16xf32>
      %mul3A_1293 = arith.mulf %get3A_1255, %get3A_1263 : vector<16xf32>
      %add3A_1294 = arith.addf %add3A_1247, %mul3A_1293 : vector<16xf32>
      %mul3A_1295 = arith.mulf %get3A_1259, %get3A_1267 : vector<16xf32>
      %add3A_1296 = arith.addf %add3A_1249, %mul3A_1295 : vector<16xf32>
      %broadcast_in_dim3A_1297 = arith.constant 25 : i32
      %broadcast_in_dim3A_1298 = vector.broadcast %broadcast_in_dim3A_1297 : i32 to vector<16xi32>
      %get3A_1299 = arith.constant 25 : i32
      %get3A_1300 = arith.index_cast %get3A_1299 : i32 to index
      %get3A_1301 = arith.index_cast %multiple_of3A : i32 to index
      %get3A_1302 = tpu.vector_load %arg14[%get3A_1300, %get3A_1301] {strides = array<i32>} : memref<32x512xf32, #tpu.memory_space<vmem>>, vector<16xf32>,
      %get3A_1303 = arith.constant 25 : i32
      %get3A_1304 = arith.index_cast %get3A_1303 : i32 to index
      %get3A_1305 = arith.index_cast %multiple_of3A : i32 to index
      %get3A_1306 = tpu.vector_load %arg15[%get3A_1304, %get3A_1305] {strides = array<i32>} : memref<32x512xf32, #tpu.memory_space<vmem>>, vector<16xf32>,
      %get3A_1307 = arith.constant 25 : i32
      %get3A_1308 = arith.index_cast %get3A_1307 : i32 to index
      %get3A_1309 = arith.index_cast %multiple_of3A : i32 to index
      %get3A_1310 = tpu.vector_load %arg16[%get3A_1308, %get3A_1309] {strides = array<i32>} : memref<32x512xf32, #tpu.memory_space<vmem>>, vector<16xf32>,
      %get3A_1311 = arith.constant 25 : i32
      %get3A_1312 = arith.index_cast %get3A_1311 : i32 to index
      %get3A_1313 = arith.index_cast %multiple_of3A : i32 to index
      %get3A_1314 = tpu.vector_load %arg17[%get3A_1312, %get3A_1313] {strides = array<i32>} : memref<32x512xf32, #tpu.memory_space<vmem>>, vector<16xf32>,
      %get3A_1315 = arith.constant 25 : i32
      %get3A_1316 = arith.index_cast %get3A_1315 : i32 to index
      %get3A_1317 = arith.index_cast %multiple_of3A : i32 to index
      %get3A_1318 = tpu.vector_load %arg18[%get3A_1316, %get3A_1317] {strides = array<i32>} : memref<32x512xf32, #tpu.memory_space<vmem>>, vector<16xf32>,
      %gather3A_1319 = tpu.vector_load_idx %arg19[%broadcast_in_dim3A_1298, %get3A_121] : memref<32x1000xf32, #tpu.memory_space<vmem>>[vector<16xi32>, vector<16xi32>], vector<16xf32>,
      %mul3A_1320 = arith.mulf %get3A_1302, %get3A_1302 : vector<16xf32>
      %add3A_1321 = arith.addf %add3A_1274, %mul3A_1320 : vector<16xf32>
      %mul3A_1322 = arith.mulf %get3A_1306, %get3A_1306 : vector<16xf32>
      %add3A_1323 = arith.addf %add3A_1276, %mul3A_1322 : vector<16xf32>
      %mul3A_1324 = arith.mulf %get3A_1318, %get3A_1318 : vector<16xf32>
      %add3A_1325 = arith.addf %add3A_1278, %mul3A_1324 : vector<16xf32>
      %mul3A_1326 = arith.mulf %gather3A_1319, %gather3A_1319 : vector<16xf32>
      %add3A_1327 = arith.addf %add3A_1280, %mul3A_1326 : vector<16xf32>
      %mul3A_1328 = arith.mulf %get3A_1302, %get3A_1306 : vector<16xf32>
      %add3A_1329 = arith.addf %add3A_1282, %mul3A_1328 : vector<16xf32>
      %mul3A_1330 = arith.mulf %get3A_1302, %get3A_1318 : vector<16xf32>
      %add3A_1331 = arith.addf %add3A_1284, %mul3A_1330 : vector<16xf32>
      %mul3A_1332 = arith.mulf %get3A_1302, %gather3A_1319 : vector<16xf32>
      %add3A_1333 = arith.addf %add3A_1286, %mul3A_1332 : vector<16xf32>
      %mul3A_1334 = arith.mulf %get3A_1306, %get3A_1318 : vector<16xf32>
      %add3A_1335 = arith.addf %add3A_1288, %mul3A_1334 : vector<16xf32>
      %mul3A_1336 = arith.mulf %get3A_1306, %gather3A_1319 : vector<16xf32>
      %add3A_1337 = arith.addf %add3A_1290, %mul3A_1336 : vector<16xf32>
      %mul3A_1338 = arith.mulf %get3A_1318, %gather3A_1319 : vector<16xf32>
      %add3A_1339 = arith.addf %add3A_1292, %mul3A_1338 : vector<16xf32>
      %mul3A_1340 = arith.mulf %get3A_1302, %get3A_1310 : vector<16xf32>
      %add3A_1341 = arith.addf %add3A_1294, %mul3A_1340 : vector<16xf32>
      %mul3A_1342 = arith.mulf %get3A_1306, %get3A_1314 : vector<16xf32>
      %add3A_1343 = arith.addf %add3A_1296, %mul3A_1342 : vector<16xf32>
      %broadcast_in_dim3A_1344 = arith.constant 26 : i32
      %broadcast_in_dim3A_1345 = vector.broadcast %broadcast_in_dim3A_1344 : i32 to vector<16xi32>
      %get3A_1346 = arith.constant 26 : i32
      %get3A_1347 = arith.index_cast %get3A_1346 : i32 to index
      %get3A_1348 = arith.index_cast %multiple_of3A : i32 to index
      %get3A_1349 = tpu.vector_load %arg14[%get3A_1347, %get3A_1348] {strides = array<i32>} : memref<32x512xf32, #tpu.memory_space<vmem>>, vector<16xf32>,
      %get3A_1350 = arith.constant 26 : i32
      %get3A_1351 = arith.index_cast %get3A_1350 : i32 to index
      %get3A_1352 = arith.index_cast %multiple_of3A : i32 to index
      %get3A_1353 = tpu.vector_load %arg15[%get3A_1351, %get3A_1352] {strides = array<i32>} : memref<32x512xf32, #tpu.memory_space<vmem>>, vector<16xf32>,
      %get3A_1354 = arith.constant 26 : i32
      %get3A_1355 = arith.index_cast %get3A_1354 : i32 to index
      %get3A_1356 = arith.index_cast %multiple_of3A : i32 to index
      %get3A_1357 = tpu.vector_load %arg16[%get3A_1355, %get3A_1356] {strides = array<i32>} : memref<32x512xf32, #tpu.memory_space<vmem>>, vector<16xf32>,
      %get3A_1358 = arith.constant 26 : i32
      %get3A_1359 = arith.index_cast %get3A_1358 : i32 to index
      %get3A_1360 = arith.index_cast %multiple_of3A : i32 to index
      %get3A_1361 = tpu.vector_load %arg17[%get3A_1359, %get3A_1360] {strides = array<i32>} : memref<32x512xf32, #tpu.memory_space<vmem>>, vector<16xf32>,
      %get3A_1362 = arith.constant 26 : i32
      %get3A_1363 = arith.index_cast %get3A_1362 : i32 to index
      %get3A_1364 = arith.index_cast %multiple_of3A : i32 to index
      %get3A_1365 = tpu.vector_load %arg18[%get3A_1363, %get3A_1364] {strides = array<i32>} : memref<32x512xf32, #tpu.memory_space<vmem>>, vector<16xf32>,
      %gather3A_1366 = tpu.vector_load_idx %arg19[%broadcast_in_dim3A_1345, %get3A_121] : memref<32x1000xf32, #tpu.memory_space<vmem>>[vector<16xi32>, vector<16xi32>], vector<16xf32>,
      %mul3A_1367 = arith.mulf %get3A_1349, %get3A_1349 : vector<16xf32>
      %add3A_1368 = arith.addf %add3A_1321, %mul3A_1367 : vector<16xf32>
      %mul3A_1369 = arith.mulf %get3A_1353, %get3A_1353 : vector<16xf32>
      %add3A_1370 = arith.addf %add3A_1323, %mul3A_1369 : vector<16xf32>
      %mul3A_1371 = arith.mulf %get3A_1365, %get3A_1365 : vector<16xf32>
      %add3A_1372 = arith.addf %add3A_1325, %mul3A_1371 : vector<16xf32>
      %mul3A_1373 = arith.mulf %gather3A_1366, %gather3A_1366 : vector<16xf32>
      %add3A_1374 = arith.addf %add3A_1327, %mul3A_1373 : vector<16xf32>
      %mul3A_1375 = arith.mulf %get3A_1349, %get3A_1353 : vector<16xf32>
      %add3A_1376 = arith.addf %add3A_1329, %mul3A_1375 : vector<16xf32>
      %mul3A_1377 = arith.mulf %get3A_1349, %get3A_1365 : vector<16xf32>
      %add3A_1378 = arith.addf %add3A_1331, %mul3A_1377 : vector<16xf32>
      %mul3A_1379 = arith.mulf %get3A_1349, %gather3A_1366 : vector<16xf32>
      %add3A_1380 = arith.addf %add3A_1333, %mul3A_1379 : vector<16xf32>
      %mul3A_1381 = arith.mulf %get3A_1353, %get3A_1365 : vector<16xf32>
      %add3A_1382 = arith.addf %add3A_1335, %mul3A_1381 : vector<16xf32>
      %mul3A_1383 = arith.mulf %get3A_1353, %gather3A_1366 : vector<16xf32>
      %add3A_1384 = arith.addf %add3A_1337, %mul3A_1383 : vector<16xf32>
      %mul3A_1385 = arith.mulf %get3A_1365, %gather3A_1366 : vector<16xf32>
      %add3A_1386 = arith.addf %add3A_1339, %mul3A_1385 : vector<16xf32>
      %mul3A_1387 = arith.mulf %get3A_1349, %get3A_1357 : vector<16xf32>
      %add3A_1388 = arith.addf %add3A_1341, %mul3A_1387 : vector<16xf32>
      %mul3A_1389 = arith.mulf %get3A_1353, %get3A_1361 : vector<16xf32>
      %add3A_1390 = arith.addf %add3A_1343, %mul3A_1389 : vector<16xf32>
      %broadcast_in_dim3A_1391 = arith.constant 27 : i32
      %broadcast_in_dim3A_1392 = vector.broadcast %broadcast_in_dim3A_1391 : i32 to vector<16xi32>
      %get3A_1393 = arith.constant 27 : i32
      %get3A_1394 = arith.index_cast %get3A_1393 : i32 to index
      %get3A_1395 = arith.index_cast %multiple_of3A : i32 to index
      %get3A_1396 = tpu.vector_load %arg14[%get3A_1394, %get3A_1395] {strides = array<i32>} : memref<32x512xf32, #tpu.memory_space<vmem>>, vector<16xf32>,
      %get3A_1397 = arith.constant 27 : i32
      %get3A_1398 = arith.index_cast %get3A_1397 : i32 to index
      %get3A_1399 = arith.index_cast %multiple_of3A : i32 to index
      %get3A_1400 = tpu.vector_load %arg15[%get3A_1398, %get3A_1399] {strides = array<i32>} : memref<32x512xf32, #tpu.memory_space<vmem>>, vector<16xf32>,
      %get3A_1401 = arith.constant 27 : i32
      %get3A_1402 = arith.index_cast %get3A_1401 : i32 to index
      %get3A_1403 = arith.index_cast %multiple_of3A : i32 to index
      %get3A_1404 = tpu.vector_load %arg16[%get3A_1402, %get3A_1403] {strides = array<i32>} : memref<32x512xf32, #tpu.memory_space<vmem>>, vector<16xf32>,
      %get3A_1405 = arith.constant 27 : i32
      %get3A_1406 = arith.index_cast %get3A_1405 : i32 to index
      %get3A_1407 = arith.index_cast %multiple_of3A : i32 to index
      %get3A_1408 = tpu.vector_load %arg17[%get3A_1406, %get3A_1407] {strides = array<i32>} : memref<32x512xf32, #tpu.memory_space<vmem>>, vector<16xf32>,
      %get3A_1409 = arith.constant 27 : i32
      %get3A_1410 = arith.index_cast %get3A_1409 : i32 to index
      %get3A_1411 = arith.index_cast %multiple_of3A : i32 to index
      %get3A_1412 = tpu.vector_load %arg18[%get3A_1410, %get3A_1411] {strides = array<i32>} : memref<32x512xf32, #tpu.memory_space<vmem>>, vector<16xf32>,
      %gather3A_1413 = tpu.vector_load_idx %arg19[%broadcast_in_dim3A_1392, %get3A_121] : memref<32x1000xf32, #tpu.memory_space<vmem>>[vector<16xi32>, vector<16xi32>], vector<16xf32>,
      %mul3A_1414 = arith.mulf %get3A_1396, %get3A_1396 : vector<16xf32>
      %add3A_1415 = arith.addf %add3A_1368, %mul3A_1414 : vector<16xf32>
      %mul3A_1416 = arith.mulf %get3A_1400, %get3A_1400 : vector<16xf32>
      %add3A_1417 = arith.addf %add3A_1370, %mul3A_1416 : vector<16xf32>
      %mul3A_1418 = arith.mulf %get3A_1412, %get3A_1412 : vector<16xf32>
      %add3A_1419 = arith.addf %add3A_1372, %mul3A_1418 : vector<16xf32>
      %mul3A_1420 = arith.mulf %gather3A_1413, %gather3A_1413 : vector<16xf32>
      %add3A_1421 = arith.addf %add3A_1374, %mul3A_1420 : vector<16xf32>
      %mul3A_1422 = arith.mulf %get3A_1396, %get3A_1400 : vector<16xf32>
      %add3A_1423 = arith.addf %add3A_1376, %mul3A_1422 : vector<16xf32>
      %mul3A_1424 = arith.mulf %get3A_1396, %get3A_1412 : vector<16xf32>
      %add3A_1425 = arith.addf %add3A_1378, %mul3A_1424 : vector<16xf32>
      %mul3A_1426 = arith.mulf %get3A_1396, %gather3A_1413 : vector<16xf32>
      %add3A_1427 = arith.addf %add3A_1380, %mul3A_1426 : vector<16xf32>
      %mul3A_1428 = arith.mulf %get3A_1400, %get3A_1412 : vector<16xf32>
      %add3A_1429 = arith.addf %add3A_1382, %mul3A_1428 : vector<16xf32>
      %mul3A_1430 = arith.mulf %get3A_1400, %gather3A_1413 : vector<16xf32>
      %add3A_1431 = arith.addf %add3A_1384, %mul3A_1430 : vector<16xf32>
      %mul3A_1432 = arith.mulf %get3A_1412, %gather3A_1413 : vector<16xf32>
      %add3A_1433 = arith.addf %add3A_1386, %mul3A_1432 : vector<16xf32>
      %mul3A_1434 = arith.mulf %get3A_1396, %get3A_1404 : vector<16xf32>
      %add3A_1435 = arith.addf %add3A_1388, %mul3A_1434 : vector<16xf32>
      %mul3A_1436 = arith.mulf %get3A_1400, %get3A_1408 : vector<16xf32>
      %add3A_1437 = arith.addf %add3A_1390, %mul3A_1436 : vector<16xf32>
      %broadcast_in_dim3A_1438 = arith.constant 28 : i32
      %broadcast_in_dim3A_1439 = vector.broadcast %broadcast_in_dim3A_1438 : i32 to vector<16xi32>
      %get3A_1440 = arith.constant 28 : i32
      %get3A_1441 = arith.index_cast %get3A_1440 : i32 to index
      %get3A_1442 = arith.index_cast %multiple_of3A : i32 to index
      %get3A_1443 = tpu.vector_load %arg14[%get3A_1441, %get3A_1442] {strides = array<i32>} : memref<32x512xf32, #tpu.memory_space<vmem>>, vector<16xf32>,
      %get3A_1444 = arith.constant 28 : i32
      %get3A_1445 = arith.index_cast %get3A_1444 : i32 to index
      %get3A_1446 = arith.index_cast %multiple_of3A : i32 to index
      %get3A_1447 = tpu.vector_load %arg15[%get3A_1445, %get3A_1446] {strides = array<i32>} : memref<32x512xf32, #tpu.memory_space<vmem>>, vector<16xf32>,
      %get3A_1448 = arith.constant 28 : i32
      %get3A_1449 = arith.index_cast %get3A_1448 : i32 to index
      %get3A_1450 = arith.index_cast %multiple_of3A : i32 to index
      %get3A_1451 = tpu.vector_load %arg16[%get3A_1449, %get3A_1450] {strides = array<i32>} : memref<32x512xf32, #tpu.memory_space<vmem>>, vector<16xf32>,
      %get3A_1452 = arith.constant 28 : i32
      %get3A_1453 = arith.index_cast %get3A_1452 : i32 to index
      %get3A_1454 = arith.index_cast %multiple_of3A : i32 to index
      %get3A_1455 = tpu.vector_load %arg17[%get3A_1453, %get3A_1454] {strides = array<i32>} : memref<32x512xf32, #tpu.memory_space<vmem>>, vector<16xf32>,
      %get3A_1456 = arith.constant 28 : i32
      %get3A_1457 = arith.index_cast %get3A_1456 : i32 to index
      %get3A_1458 = arith.index_cast %multiple_of3A : i32 to index
      %get3A_1459 = tpu.vector_load %arg18[%get3A_1457, %get3A_1458] {strides = array<i32>} : memref<32x512xf32, #tpu.memory_space<vmem>>, vector<16xf32>,
      %gather3A_1460 = tpu.vector_load_idx %arg19[%broadcast_in_dim3A_1439, %get3A_121] : memref<32x1000xf32, #tpu.memory_space<vmem>>[vector<16xi32>, vector<16xi32>], vector<16xf32>,
      %mul3A_1461 = arith.mulf %get3A_1443, %get3A_1443 : vector<16xf32>
      %add3A_1462 = arith.addf %add3A_1415, %mul3A_1461 : vector<16xf32>
      %mul3A_1463 = arith.mulf %get3A_1447, %get3A_1447 : vector<16xf32>
      %add3A_1464 = arith.addf %add3A_1417, %mul3A_1463 : vector<16xf32>
      %mul3A_1465 = arith.mulf %get3A_1459, %get3A_1459 : vector<16xf32>
      %add3A_1466 = arith.addf %add3A_1419, %mul3A_1465 : vector<16xf32>
      %mul3A_1467 = arith.mulf %gather3A_1460, %gather3A_1460 : vector<16xf32>
      %add3A_1468 = arith.addf %add3A_1421, %mul3A_1467 : vector<16xf32>
      %mul3A_1469 = arith.mulf %get3A_1443, %get3A_1447 : vector<16xf32>
      %add3A_1470 = arith.addf %add3A_1423, %mul3A_1469 : vector<16xf32>
      %mul3A_1471 = arith.mulf %get3A_1443, %get3A_1459 : vector<16xf32>
      %add3A_1472 = arith.addf %add3A_1425, %mul3A_1471 : vector<16xf32>
      %mul3A_1473 = arith.mulf %get3A_1443, %gather3A_1460 : vector<16xf32>
      %add3A_1474 = arith.addf %add3A_1427, %mul3A_1473 : vector<16xf32>
      %mul3A_1475 = arith.mulf %get3A_1447, %get3A_1459 : vector<16xf32>
      %add3A_1476 = arith.addf %add3A_1429, %mul3A_1475 : vector<16xf32>
      %mul3A_1477 = arith.mulf %get3A_1447, %gather3A_1460 : vector<16xf32>
      %add3A_1478 = arith.addf %add3A_1431, %mul3A_1477 : vector<16xf32>
      %mul3A_1479 = arith.mulf %get3A_1459, %gather3A_1460 : vector<16xf32>
      %add3A_1480 = arith.addf %add3A_1433, %mul3A_1479 : vector<16xf32>
      %mul3A_1481 = arith.mulf %get3A_1443, %get3A_1451 : vector<16xf32>
      %add3A_1482 = arith.addf %add3A_1435, %mul3A_1481 : vector<16xf32>
      %mul3A_1483 = arith.mulf %get3A_1447, %get3A_1455 : vector<16xf32>
      %add3A_1484 = arith.addf %add3A_1437, %mul3A_1483 : vector<16xf32>
      %broadcast_in_dim3A_1485 = arith.constant 29 : i32
      %broadcast_in_dim3A_1486 = vector.broadcast %broadcast_in_dim3A_1485 : i32 to vector<16xi32>
      %get3A_1487 = arith.constant 29 : i32
      %get3A_1488 = arith.index_cast %get3A_1487 : i32 to index
      %get3A_1489 = arith.index_cast %multiple_of3A : i32 to index
      %get3A_1490 = tpu.vector_load %arg14[%get3A_1488, %get3A_1489] {strides = array<i32>} : memref<32x512xf32, #tpu.memory_space<vmem>>, vector<16xf32>,
      %get3A_1491 = arith.constant 29 : i32
      %get3A_1492 = arith.index_cast %get3A_1491 : i32 to index
      %get3A_1493 = arith.index_cast %multiple_of3A : i32 to index
      %get3A_1494 = tpu.vector_load %arg15[%get3A_1492, %get3A_1493] {strides = array<i32>} : memref<32x512xf32, #tpu.memory_space<vmem>>, vector<16xf32>,
      %get3A_1495 = arith.constant 29 : i32
      %get3A_1496 = arith.index_cast %get3A_1495 : i32 to index
      %get3A_1497 = arith.index_cast %multiple_of3A : i32 to index
      %get3A_1498 = tpu.vector_load %arg16[%get3A_1496, %get3A_1497] {strides = array<i32>} : memref<32x512xf32, #tpu.memory_space<vmem>>, vector<16xf32>,
      %get3A_1499 = arith.constant 29 : i32
      %get3A_1500 = arith.index_cast %get3A_1499 : i32 to index
      %get3A_1501 = arith.index_cast %multiple_of3A : i32 to index
      %get3A_1502 = tpu.vector_load %arg17[%get3A_1500, %get3A_1501] {strides = array<i32>} : memref<32x512xf32, #tpu.memory_space<vmem>>, vector<16xf32>,
      %get3A_1503 = arith.constant 29 : i32
      %get3A_1504 = arith.index_cast %get3A_1503 : i32 to index
      %get3A_1505 = arith.index_cast %multiple_of3A : i32 to index
      %get3A_1506 = tpu.vector_load %arg18[%get3A_1504, %get3A_1505] {strides = array<i32>} : memref<32x512xf32, #tpu.memory_space<vmem>>, vector<16xf32>,
      %gather3A_1507 = tpu.vector_load_idx %arg19[%broadcast_in_dim3A_1486, %get3A_121] : memref<32x1000xf32, #tpu.memory_space<vmem>>[vector<16xi32>, vector<16xi32>], vector<16xf32>,
      %mul3A_1508 = arith.mulf %get3A_1490, %get3A_1490 : vector<16xf32>
      %add3A_1509 = arith.addf %add3A_1462, %mul3A_1508 : vector<16xf32>
      %mul3A_1510 = arith.mulf %get3A_1494, %get3A_1494 : vector<16xf32>
      %add3A_1511 = arith.addf %add3A_1464, %mul3A_1510 : vector<16xf32>
      %mul3A_1512 = arith.mulf %get3A_1506, %get3A_1506 : vector<16xf32>
      %add3A_1513 = arith.addf %add3A_1466, %mul3A_1512 : vector<16xf32>
      %mul3A_1514 = arith.mulf %gather3A_1507, %gather3A_1507 : vector<16xf32>
      %add3A_1515 = arith.addf %add3A_1468, %mul3A_1514 : vector<16xf32>
      %mul3A_1516 = arith.mulf %get3A_1490, %get3A_1494 : vector<16xf32>
      %add3A_1517 = arith.addf %add3A_1470, %mul3A_1516 : vector<16xf32>
      %mul3A_1518 = arith.mulf %get3A_1490, %get3A_1506 : vector<16xf32>
      %add3A_1519 = arith.addf %add3A_1472, %mul3A_1518 : vector<16xf32>
      %mul3A_1520 = arith.mulf %get3A_1490, %gather3A_1507 : vector<16xf32>
      %add3A_1521 = arith.addf %add3A_1474, %mul3A_1520 : vector<16xf32>
      %mul3A_1522 = arith.mulf %get3A_1494, %get3A_1506 : vector<16xf32>
      %add3A_1523 = arith.addf %add3A_1476, %mul3A_1522 : vector<16xf32>
      %mul3A_1524 = arith.mulf %get3A_1494, %gather3A_1507 : vector<16xf32>
      %add3A_1525 = arith.addf %add3A_1478, %mul3A_1524 : vector<16xf32>
      %mul3A_1526 = arith.mulf %get3A_1506, %gather3A_1507 : vector<16xf32>
      %add3A_1527 = arith.addf %add3A_1480, %mul3A_1526 : vector<16xf32>
      %mul3A_1528 = arith.mulf %get3A_1490, %get3A_1498 : vector<16xf32>
      %add3A_1529 = arith.addf %add3A_1482, %mul3A_1528 : vector<16xf32>
      %mul3A_1530 = arith.mulf %get3A_1494, %get3A_1502 : vector<16xf32>
      %add3A_1531 = arith.addf %add3A_1484, %mul3A_1530 : vector<16xf32>
      %broadcast_in_dim3A_1532 = arith.constant 30 : i32
      %broadcast_in_dim3A_1533 = vector.broadcast %broadcast_in_dim3A_1532 : i32 to vector<16xi32>
      %get3A_1534 = arith.constant 30 : i32
      %get3A_1535 = arith.index_cast %get3A_1534 : i32 to index
      %get3A_1536 = arith.index_cast %multiple_of3A : i32 to index
      %get3A_1537 = tpu.vector_load %arg14[%get3A_1535, %get3A_1536] {strides = array<i32>} : memref<32x512xf32, #tpu.memory_space<vmem>>, vector<16xf32>,
      %get3A_1538 = arith.constant 30 : i32
      %get3A_1539 = arith.index_cast %get3A_1538 : i32 to index
      %get3A_1540 = arith.index_cast %multiple_of3A : i32 to index
      %get3A_1541 = tpu.vector_load %arg15[%get3A_1539, %get3A_1540] {strides = array<i32>} : memref<32x512xf32, #tpu.memory_space<vmem>>, vector<16xf32>,
      %get3A_1542 = arith.constant 30 : i32
      %get3A_1543 = arith.index_cast %get3A_1542 : i32 to index
      %get3A_1544 = arith.index_cast %multiple_of3A : i32 to index
      %get3A_1545 = tpu.vector_load %arg16[%get3A_1543, %get3A_1544] {strides = array<i32>} : memref<32x512xf32, #tpu.memory_space<vmem>>, vector<16xf32>,
      %get3A_1546 = arith.constant 30 : i32
      %get3A_1547 = arith.index_cast %get3A_1546 : i32 to index
      %get3A_1548 = arith.index_cast %multiple_of3A : i32 to index
      %get3A_1549 = tpu.vector_load %arg17[%get3A_1547, %get3A_1548] {strides = array<i32>} : memref<32x512xf32, #tpu.memory_space<vmem>>, vector<16xf32>,
      %get3A_1550 = arith.constant 30 : i32
      %get3A_1551 = arith.index_cast %get3A_1550 : i32 to index
      %get3A_1552 = arith.index_cast %multiple_of3A : i32 to index
      %get3A_1553 = tpu.vector_load %arg18[%get3A_1551, %get3A_1552] {strides = array<i32>} : memref<32x512xf32, #tpu.memory_space<vmem>>, vector<16xf32>,
      %gather3A_1554 = tpu.vector_load_idx %arg19[%broadcast_in_dim3A_1533, %get3A_121] : memref<32x1000xf32, #tpu.memory_space<vmem>>[vector<16xi32>, vector<16xi32>], vector<16xf32>,
      %mul3A_1555 = arith.mulf %get3A_1537, %get3A_1537 : vector<16xf32>
      %add3A_1556 = arith.addf %add3A_1509, %mul3A_1555 : vector<16xf32>
      %mul3A_1557 = arith.mulf %get3A_1541, %get3A_1541 : vector<16xf32>
      %add3A_1558 = arith.addf %add3A_1511, %mul3A_1557 : vector<16xf32>
      %mul3A_1559 = arith.mulf %get3A_1553, %get3A_1553 : vector<16xf32>
      %add3A_1560 = arith.addf %add3A_1513, %mul3A_1559 : vector<16xf32>
      %mul3A_1561 = arith.mulf %gather3A_1554, %gather3A_1554 : vector<16xf32>
      %add3A_1562 = arith.addf %add3A_1515, %mul3A_1561 : vector<16xf32>
      %mul3A_1563 = arith.mulf %get3A_1537, %get3A_1541 : vector<16xf32>
      %add3A_1564 = arith.addf %add3A_1517, %mul3A_1563 : vector<16xf32>
      %mul3A_1565 = arith.mulf %get3A_1537, %get3A_1553 : vector<16xf32>
      %add3A_1566 = arith.addf %add3A_1519, %mul3A_1565 : vector<16xf32>
      %mul3A_1567 = arith.mulf %get3A_1537, %gather3A_1554 : vector<16xf32>
      %add3A_1568 = arith.addf %add3A_1521, %mul3A_1567 : vector<16xf32>
      %mul3A_1569 = arith.mulf %get3A_1541, %get3A_1553 : vector<16xf32>
      %add3A_1570 = arith.addf %add3A_1523, %mul3A_1569 : vector<16xf32>
      %mul3A_1571 = arith.mulf %get3A_1541, %gather3A_1554 : vector<16xf32>
      %add3A_1572 = arith.addf %add3A_1525, %mul3A_1571 : vector<16xf32>
      %mul3A_1573 = arith.mulf %get3A_1553, %gather3A_1554 : vector<16xf32>
      %add3A_1574 = arith.addf %add3A_1527, %mul3A_1573 : vector<16xf32>
      %mul3A_1575 = arith.mulf %get3A_1537, %get3A_1545 : vector<16xf32>
      %add3A_1576 = arith.addf %add3A_1529, %mul3A_1575 : vector<16xf32>
      %mul3A_1577 = arith.mulf %get3A_1541, %get3A_1549 : vector<16xf32>
      %add3A_1578 = arith.addf %add3A_1531, %mul3A_1577 : vector<16xf32>
      %broadcast_in_dim3A_1579 = arith.constant 31 : i32
      %broadcast_in_dim3A_1580 = vector.broadcast %broadcast_in_dim3A_1579 : i32 to vector<16xi32>
      %get3A_1581 = arith.constant 31 : i32
      %get3A_1582 = arith.index_cast %get3A_1581 : i32 to index
      %get3A_1583 = arith.index_cast %multiple_of3A : i32 to index
      %get3A_1584 = tpu.vector_load %arg14[%get3A_1582, %get3A_1583] {strides = array<i32>} : memref<32x512xf32, #tpu.memory_space<vmem>>, vector<16xf32>,
      %get3A_1585 = arith.constant 31 : i32
      %get3A_1586 = arith.index_cast %get3A_1585 : i32 to index
      %get3A_1587 = arith.index_cast %multiple_of3A : i32 to index
      %get3A_1588 = tpu.vector_load %arg15[%get3A_1586, %get3A_1587] {strides = array<i32>} : memref<32x512xf32, #tpu.memory_space<vmem>>, vector<16xf32>,
      %get3A_1589 = arith.constant 31 : i32
      %get3A_1590 = arith.index_cast %get3A_1589 : i32 to index
      %get3A_1591 = arith.index_cast %multiple_of3A : i32 to index
      %get3A_1592 = tpu.vector_load %arg16[%get3A_1590, %get3A_1591] {strides = array<i32>} : memref<32x512xf32, #tpu.memory_space<vmem>>, vector<16xf32>,
      %get3A_1593 = arith.constant 31 : i32
      %get3A_1594 = arith.index_cast %get3A_1593 : i32 to index
      %get3A_1595 = arith.index_cast %multiple_of3A : i32 to index
      %get3A_1596 = tpu.vector_load %arg17[%get3A_1594, %get3A_1595] {strides = array<i32>} : memref<32x512xf32, #tpu.memory_space<vmem>>, vector<16xf32>,
      %get3A_1597 = arith.constant 31 : i32
      %get3A_1598 = arith.index_cast %get3A_1597 : i32 to index
      %get3A_1599 = arith.index_cast %multiple_of3A : i32 to index
      %get3A_1600 = tpu.vector_load %arg18[%get3A_1598, %get3A_1599] {strides = array<i32>} : memref<32x512xf32, #tpu.memory_space<vmem>>, vector<16xf32>,
      %gather3A_1601 = tpu.vector_load_idx %arg19[%broadcast_in_dim3A_1580, %get3A_121] : memref<32x1000xf32, #tpu.memory_space<vmem>>[vector<16xi32>, vector<16xi32>], vector<16xf32>,
      %mul3A_1602 = arith.mulf %get3A_1584, %get3A_1584 : vector<16xf32>
      %add3A_1603 = arith.addf %add3A_1556, %mul3A_1602 : vector<16xf32>
      %mul3A_1604 = arith.mulf %get3A_1588, %get3A_1588 : vector<16xf32>
      %add3A_1605 = arith.addf %add3A_1558, %mul3A_1604 : vector<16xf32>
      %mul3A_1606 = arith.mulf %get3A_1600, %get3A_1600 : vector<16xf32>
      %add3A_1607 = arith.addf %add3A_1560, %mul3A_1606 : vector<16xf32>
      %mul3A_1608 = arith.mulf %gather3A_1601, %gather3A_1601 : vector<16xf32>
      %add3A_1609 = arith.addf %add3A_1562, %mul3A_1608 : vector<16xf32>
      %mul3A_1610 = arith.mulf %get3A_1584, %get3A_1588 : vector<16xf32>
      %add3A_1611 = arith.addf %add3A_1564, %mul3A_1610 : vector<16xf32>
      %mul3A_1612 = arith.mulf %get3A_1584, %get3A_1600 : vector<16xf32>
      %add3A_1613 = arith.addf %add3A_1566, %mul3A_1612 : vector<16xf32>
      %mul3A_1614 = arith.mulf %get3A_1584, %gather3A_1601 : vector<16xf32>
      %add3A_1615 = arith.addf %add3A_1568, %mul3A_1614 : vector<16xf32>
      %mul3A_1616 = arith.mulf %get3A_1588, %get3A_1600 : vector<16xf32>
      %add3A_1617 = arith.addf %add3A_1570, %mul3A_1616 : vector<16xf32>
      %mul3A_1618 = arith.mulf %get3A_1588, %gather3A_1601 : vector<16xf32>
      %add3A_1619 = arith.addf %add3A_1572, %mul3A_1618 : vector<16xf32>
      %mul3A_1620 = arith.mulf %get3A_1600, %gather3A_1601 : vector<16xf32>
      %add3A_1621 = arith.addf %add3A_1574, %mul3A_1620 : vector<16xf32>
      %mul3A_1622 = arith.mulf %get3A_1584, %get3A_1592 : vector<16xf32>
      %add3A_1623 = arith.addf %add3A_1576, %mul3A_1622 : vector<16xf32>
      %mul3A_1624 = arith.mulf %get3A_1588, %get3A_1596 : vector<16xf32>
      %add3A_1625 = arith.addf %add3A_1578, %mul3A_1624 : vector<16xf32>
      %max3A = arith.constant 1.000000e-24 : f32
      %max3A_1626 = vector.broadcast %max3A : f32 to vector<16xf32>
      %max3A_1627 = arith.maximumf %add3A_1603, %max3A_1626 : vector<16xf32>
      %bitcast3A = vector.bitcast %max3A_1627 : vector<16xf32> to vector<16xi32>
      %shift_right_arithmetic3A = arith.constant 1 : i32
      %shift_right_arithmetic3A_1628 = vector.broadcast %shift_right_arithmetic3A : i32 to vector<16xi32>
      %shift_right_arithmetic3A_1629 = arith.shrsi %bitcast3A, %shift_right_arithmetic3A_1628 : vector<16xi32>
      %sub3A = arith.constant 1597463007 : i32
      %sub3A_1630 = vector.broadcast %sub3A : i32 to vector<16xi32>
      %sub3A_1631 = arith.subi %sub3A_1630, %shift_right_arithmetic3A_1629 : vector<16xi32>
      %bitcast3A_1632 = vector.bitcast %sub3A_1631 : vector<16xi32> to vector<16xf32>
      %mul3A_1633 = arith.constant 5.000000e-01 : f32
      %mul3A_1634 = vector.broadcast %mul3A_1633 : f32 to vector<16xf32>
      %mul3A_1635 = arith.mulf %mul3A_1634, %max3A_1627 : vector<16xf32>
      %mul3A_1636 = arith.mulf %mul3A_1635, %bitcast3A_1632 : vector<16xf32>
      %mul3A_1637 = arith.mulf %mul3A_1636, %bitcast3A_1632 : vector<16xf32>
      %sub3A_1638 = arith.constant 1.500000e+00 : f32
      %sub3A_1639 = vector.broadcast %sub3A_1638 : f32 to vector<16xf32>
      %sub3A_1640 = arith.subf %sub3A_1639, %mul3A_1637 : vector<16xf32>
      %mul3A_1641 = arith.mulf %bitcast3A_1632, %sub3A_1640 : vector<16xf32>
      %mul3A_1642 = arith.constant 5.000000e-01 : f32
      %mul3A_1643 = vector.broadcast %mul3A_1642 : f32 to vector<16xf32>
      %mul3A_1644 = arith.mulf %mul3A_1643, %max3A_1627 : vector<16xf32>
      %mul3A_1645 = arith.mulf %mul3A_1644, %mul3A_1641 : vector<16xf32>
      %mul3A_1646 = arith.mulf %mul3A_1645, %mul3A_1641 : vector<16xf32>
      %sub3A_1647 = arith.constant 1.500000e+00 : f32
      %sub3A_1648 = vector.broadcast %sub3A_1647 : f32 to vector<16xf32>
      %sub3A_1649 = arith.subf %sub3A_1648, %mul3A_1646 : vector<16xf32>
      %mul3A_1650 = arith.mulf %mul3A_1641, %sub3A_1649 : vector<16xf32>
      %mul3A_1651 = arith.constant 5.000000e-01 : f32
      %mul3A_1652 = vector.broadcast %mul3A_1651 : f32 to vector<16xf32>
      %mul3A_1653 = arith.mulf %mul3A_1652, %max3A_1627 : vector<16xf32>
      %mul3A_1654 = arith.mulf %mul3A_1653, %mul3A_1650 : vector<16xf32>
      %mul3A_1655 = arith.mulf %mul3A_1654, %mul3A_1650 : vector<16xf32>
      %sub3A_1656 = arith.constant 1.500000e+00 : f32
      %sub3A_1657 = vector.broadcast %sub3A_1656 : f32 to vector<16xf32>
      %sub3A_1658 = arith.subf %sub3A_1657, %mul3A_1655 : vector<16xf32>
      %mul3A_1659 = arith.mulf %mul3A_1650, %sub3A_1658 : vector<16xf32>
      %mul3A_1660 = arith.constant 5.000000e-01 : f32
      %mul3A_1661 = vector.broadcast %mul3A_1660 : f32 to vector<16xf32>
      %mul3A_1662 = arith.mulf %mul3A_1661, %max3A_1627 : vector<16xf32>
      %mul3A_1663 = arith.mulf %mul3A_1662, %mul3A_1659 : vector<16xf32>
      %mul3A_1664 = arith.mulf %mul3A_1663, %mul3A_1659 : vector<16xf32>
      %sub3A_1665 = arith.constant 1.500000e+00 : f32
      %sub3A_1666 = vector.broadcast %sub3A_1665 : f32 to vector<16xf32>
      %sub3A_1667 = arith.subf %sub3A_1666, %mul3A_1664 : vector<16xf32>
      %mul3A_1668 = arith.mulf %mul3A_1659, %sub3A_1667 : vector<16xf32>
      %max3A_1669 = arith.constant 1.000000e-24 : f32
      %max3A_1670 = vector.broadcast %max3A_1669 : f32 to vector<16xf32>
      %max3A_1671 = arith.maximumf %add3A_1605, %max3A_1670 : vector<16xf32>
      %bitcast3A_1672 = vector.bitcast %max3A_1671 : vector<16xf32> to vector<16xi32>
      %shift_right_arithmetic3A_1673 = arith.constant 1 : i32
      %shift_right_arithmetic3A_1674 = vector.broadcast %shift_right_arithmetic3A_1673 : i32 to vector<16xi32>
      %shift_right_arithmetic3A_1675 = arith.shrsi %bitcast3A_1672, %shift_right_arithmetic3A_1674 : vector<16xi32>
      %sub3A_1676 = arith.constant 1597463007 : i32
      %sub3A_1677 = vector.broadcast %sub3A_1676 : i32 to vector<16xi32>
      %sub3A_1678 = arith.subi %sub3A_1677, %shift_right_arithmetic3A_1675 : vector<16xi32>
      %bitcast3A_1679 = vector.bitcast %sub3A_1678 : vector<16xi32> to vector<16xf32>
      %mul3A_1680 = arith.constant 5.000000e-01 : f32
      %mul3A_1681 = vector.broadcast %mul3A_1680 : f32 to vector<16xf32>
      %mul3A_1682 = arith.mulf %mul3A_1681, %max3A_1671 : vector<16xf32>
      %mul3A_1683 = arith.mulf %mul3A_1682, %bitcast3A_1679 : vector<16xf32>
      %mul3A_1684 = arith.mulf %mul3A_1683, %bitcast3A_1679 : vector<16xf32>
      %sub3A_1685 = arith.constant 1.500000e+00 : f32
      %sub3A_1686 = vector.broadcast %sub3A_1685 : f32 to vector<16xf32>
      %sub3A_1687 = arith.subf %sub3A_1686, %mul3A_1684 : vector<16xf32>
      %mul3A_1688 = arith.mulf %bitcast3A_1679, %sub3A_1687 : vector<16xf32>
      %mul3A_1689 = arith.constant 5.000000e-01 : f32
      %mul3A_1690 = vector.broadcast %mul3A_1689 : f32 to vector<16xf32>
      %mul3A_1691 = arith.mulf %mul3A_1690, %max3A_1671 : vector<16xf32>
      %mul3A_1692 = arith.mulf %mul3A_1691, %mul3A_1688 : vector<16xf32>
      %mul3A_1693 = arith.mulf %mul3A_1692, %mul3A_1688 : vector<16xf32>
      %sub3A_1694 = arith.constant 1.500000e+00 : f32
      %sub3A_1695 = vector.broadcast %sub3A_1694 : f32 to vector<16xf32>
      %sub3A_1696 = arith.subf %sub3A_1695, %mul3A_1693 : vector<16xf32>
      %mul3A_1697 = arith.mulf %mul3A_1688, %sub3A_1696 : vector<16xf32>
      %mul3A_1698 = arith.constant 5.000000e-01 : f32
      %mul3A_1699 = vector.broadcast %mul3A_1698 : f32 to vector<16xf32>
      %mul3A_1700 = arith.mulf %mul3A_1699, %max3A_1671 : vector<16xf32>
      %mul3A_1701 = arith.mulf %mul3A_1700, %mul3A_1697 : vector<16xf32>
      %mul3A_1702 = arith.mulf %mul3A_1701, %mul3A_1697 : vector<16xf32>
      %sub3A_1703 = arith.constant 1.500000e+00 : f32
      %sub3A_1704 = vector.broadcast %sub3A_1703 : f32 to vector<16xf32>
      %sub3A_1705 = arith.subf %sub3A_1704, %mul3A_1702 : vector<16xf32>
      %mul3A_1706 = arith.mulf %mul3A_1697, %sub3A_1705 : vector<16xf32>
      %mul3A_1707 = arith.constant 5.000000e-01 : f32
      %mul3A_1708 = vector.broadcast %mul3A_1707 : f32 to vector<16xf32>
      %mul3A_1709 = arith.mulf %mul3A_1708, %max3A_1671 : vector<16xf32>
      %mul3A_1710 = arith.mulf %mul3A_1709, %mul3A_1706 : vector<16xf32>
      %mul3A_1711 = arith.mulf %mul3A_1710, %mul3A_1706 : vector<16xf32>
      %sub3A_1712 = arith.constant 1.500000e+00 : f32
      %sub3A_1713 = vector.broadcast %sub3A_1712 : f32 to vector<16xf32>
      %sub3A_1714 = arith.subf %sub3A_1713, %mul3A_1711 : vector<16xf32>
      %mul3A_1715 = arith.mulf %mul3A_1706, %sub3A_1714 : vector<16xf32>
      %max3A_1716 = arith.constant 1.000000e-24 : f32
      %max3A_1717 = vector.broadcast %max3A_1716 : f32 to vector<16xf32>
      %max3A_1718 = arith.maximumf %add3A_1607, %max3A_1717 : vector<16xf32>
      %bitcast3A_1719 = vector.bitcast %max3A_1718 : vector<16xf32> to vector<16xi32>
      %shift_right_arithmetic3A_1720 = arith.constant 1 : i32
      %shift_right_arithmetic3A_1721 = vector.broadcast %shift_right_arithmetic3A_1720 : i32 to vector<16xi32>
      %shift_right_arithmetic3A_1722 = arith.shrsi %bitcast3A_1719, %shift_right_arithmetic3A_1721 : vector<16xi32>
      %sub3A_1723 = arith.constant 1597463007 : i32
      %sub3A_1724 = vector.broadcast %sub3A_1723 : i32 to vector<16xi32>
      %sub3A_1725 = arith.subi %sub3A_1724, %shift_right_arithmetic3A_1722 : vector<16xi32>
      %bitcast3A_1726 = vector.bitcast %sub3A_1725 : vector<16xi32> to vector<16xf32>
      %mul3A_1727 = arith.constant 5.000000e-01 : f32
      %mul3A_1728 = vector.broadcast %mul3A_1727 : f32 to vector<16xf32>
      %mul3A_1729 = arith.mulf %mul3A_1728, %max3A_1718 : vector<16xf32>
      %mul3A_1730 = arith.mulf %mul3A_1729, %bitcast3A_1726 : vector<16xf32>
      %mul3A_1731 = arith.mulf %mul3A_1730, %bitcast3A_1726 : vector<16xf32>
      %sub3A_1732 = arith.constant 1.500000e+00 : f32
      %sub3A_1733 = vector.broadcast %sub3A_1732 : f32 to vector<16xf32>
      %sub3A_1734 = arith.subf %sub3A_1733, %mul3A_1731 : vector<16xf32>
      %mul3A_1735 = arith.mulf %bitcast3A_1726, %sub3A_1734 : vector<16xf32>
      %mul3A_1736 = arith.constant 5.000000e-01 : f32
      %mul3A_1737 = vector.broadcast %mul3A_1736 : f32 to vector<16xf32>
      %mul3A_1738 = arith.mulf %mul3A_1737, %max3A_1718 : vector<16xf32>
      %mul3A_1739 = arith.mulf %mul3A_1738, %mul3A_1735 : vector<16xf32>
      %mul3A_1740 = arith.mulf %mul3A_1739, %mul3A_1735 : vector<16xf32>
      %sub3A_1741 = arith.constant 1.500000e+00 : f32
      %sub3A_1742 = vector.broadcast %sub3A_1741 : f32 to vector<16xf32>
      %sub3A_1743 = arith.subf %sub3A_1742, %mul3A_1740 : vector<16xf32>
      %mul3A_1744 = arith.mulf %mul3A_1735, %sub3A_1743 : vector<16xf32>
      %mul3A_1745 = arith.constant 5.000000e-01 : f32
      %mul3A_1746 = vector.broadcast %mul3A_1745 : f32 to vector<16xf32>
      %mul3A_1747 = arith.mulf %mul3A_1746, %max3A_1718 : vector<16xf32>
      %mul3A_1748 = arith.mulf %mul3A_1747, %mul3A_1744 : vector<16xf32>
      %mul3A_1749 = arith.mulf %mul3A_1748, %mul3A_1744 : vector<16xf32>
      %sub3A_1750 = arith.constant 1.500000e+00 : f32
      %sub3A_1751 = vector.broadcast %sub3A_1750 : f32 to vector<16xf32>
      %sub3A_1752 = arith.subf %sub3A_1751, %mul3A_1749 : vector<16xf32>
      %mul3A_1753 = arith.mulf %mul3A_1744, %sub3A_1752 : vector<16xf32>
      %mul3A_1754 = arith.constant 5.000000e-01 : f32
      %mul3A_1755 = vector.broadcast %mul3A_1754 : f32 to vector<16xf32>
      %mul3A_1756 = arith.mulf %mul3A_1755, %max3A_1718 : vector<16xf32>
      %mul3A_1757 = arith.mulf %mul3A_1756, %mul3A_1753 : vector<16xf32>
      %mul3A_1758 = arith.mulf %mul3A_1757, %mul3A_1753 : vector<16xf32>
      %sub3A_1759 = arith.constant 1.500000e+00 : f32
      %sub3A_1760 = vector.broadcast %sub3A_1759 : f32 to vector<16xf32>
      %sub3A_1761 = arith.subf %sub3A_1760, %mul3A_1758 : vector<16xf32>
      %mul3A_1762 = arith.mulf %mul3A_1753, %sub3A_1761 : vector<16xf32>
      %mul3A_1763 = arith.mulf %mul3A_1668, %add3A_1623 : vector<16xf32>
      %mul3A_1764 = arith.mulf %mul3A_1715, %add3A_1625 : vector<16xf32>
      %mul3A_1765 = arith.mulf %mul3A_1668, %mul3A_1668 : vector<16xf32>
      %mul3A_1766 = arith.mulf %mul3A_1765, %add3A_1603 : vector<16xf32>
      %mul3A_1767 = arith.constant 2.000000e+00 : f32
      %mul3A_1768 = vector.broadcast %mul3A_1767 : f32 to vector<16xf32>
      %mul3A_1769 = arith.mulf %mul3A_1768, %mul3A_1668 : vector<16xf32>
      %mul3A_1770 = arith.mulf %mul3A_1769, %mul3A_1763 : vector<16xf32>
      %mul3A_1771 = arith.mulf %mul3A_1770, %add3A_1615 : vector<16xf32>
      %add3A_1772 = arith.addf %mul3A_1766, %mul3A_1771 : vector<16xf32>
      %mul3A_1773 = arith.mulf %mul3A_1763, %mul3A_1763 : vector<16xf32>
      %mul3A_1774 = arith.mulf %mul3A_1773, %add3A_1609 : vector<16xf32>
      %add3A_1775 = arith.addf %add3A_1772, %mul3A_1774 : vector<16xf32>
      %mul3A_1776 = arith.mulf %mul3A_1715, %mul3A_1715 : vector<16xf32>
      %mul3A_1777 = arith.mulf %mul3A_1776, %add3A_1605 : vector<16xf32>
      %mul3A_1778 = arith.constant 2.000000e+00 : f32
      %mul3A_1779 = vector.broadcast %mul3A_1778 : f32 to vector<16xf32>
      %mul3A_1780 = arith.mulf %mul3A_1779, %mul3A_1715 : vector<16xf32>
      %mul3A_1781 = arith.mulf %mul3A_1780, %mul3A_1764 : vector<16xf32>
      %mul3A_1782 = arith.mulf %mul3A_1781, %add3A_1619 : vector<16xf32>
      %add3A_1783 = arith.addf %mul3A_1777, %mul3A_1782 : vector<16xf32>
      %mul3A_1784 = arith.mulf %mul3A_1764, %mul3A_1764 : vector<16xf32>
      %mul3A_1785 = arith.mulf %mul3A_1784, %add3A_1609 : vector<16xf32>
      %add3A_1786 = arith.addf %add3A_1783, %mul3A_1785 : vector<16xf32>
      %max3A_1787 = arith.constant 1.000000e-24 : f32
      %max3A_1788 = vector.broadcast %max3A_1787 : f32 to vector<16xf32>
      %max3A_1789 = arith.maximumf %add3A_1775, %max3A_1788 : vector<16xf32>
      %bitcast3A_1790 = vector.bitcast %max3A_1789 : vector<16xf32> to vector<16xi32>
      %shift_right_arithmetic3A_1791 = arith.constant 1 : i32
      %shift_right_arithmetic3A_1792 = vector.broadcast %shift_right_arithmetic3A_1791 : i32 to vector<16xi32>
      %shift_right_arithmetic3A_1793 = arith.shrsi %bitcast3A_1790, %shift_right_arithmetic3A_1792 : vector<16xi32>
      %sub3A_1794 = arith.constant 1597463007 : i32
      %sub3A_1795 = vector.broadcast %sub3A_1794 : i32 to vector<16xi32>
      %sub3A_1796 = arith.subi %sub3A_1795, %shift_right_arithmetic3A_1793 : vector<16xi32>
      %bitcast3A_1797 = vector.bitcast %sub3A_1796 : vector<16xi32> to vector<16xf32>
      %mul3A_1798 = arith.constant 5.000000e-01 : f32
      %mul3A_1799 = vector.broadcast %mul3A_1798 : f32 to vector<16xf32>
      %mul3A_1800 = arith.mulf %mul3A_1799, %max3A_1789 : vector<16xf32>
      %mul3A_1801 = arith.mulf %mul3A_1800, %bitcast3A_1797 : vector<16xf32>
      %mul3A_1802 = arith.mulf %mul3A_1801, %bitcast3A_1797 : vector<16xf32>
      %sub3A_1803 = arith.constant 1.500000e+00 : f32
      %sub3A_1804 = vector.broadcast %sub3A_1803 : f32 to vector<16xf32>
      %sub3A_1805 = arith.subf %sub3A_1804, %mul3A_1802 : vector<16xf32>
      %mul3A_1806 = arith.mulf %bitcast3A_1797, %sub3A_1805 : vector<16xf32>
      %mul3A_1807 = arith.constant 5.000000e-01 : f32
      %mul3A_1808 = vector.broadcast %mul3A_1807 : f32 to vector<16xf32>
      %mul3A_1809 = arith.mulf %mul3A_1808, %max3A_1789 : vector<16xf32>
      %mul3A_1810 = arith.mulf %mul3A_1809, %mul3A_1806 : vector<16xf32>
      %mul3A_1811 = arith.mulf %mul3A_1810, %mul3A_1806 : vector<16xf32>
      %sub3A_1812 = arith.constant 1.500000e+00 : f32
      %sub3A_1813 = vector.broadcast %sub3A_1812 : f32 to vector<16xf32>
      %sub3A_1814 = arith.subf %sub3A_1813, %mul3A_1811 : vector<16xf32>
      %mul3A_1815 = arith.mulf %mul3A_1806, %sub3A_1814 : vector<16xf32>
      %mul3A_1816 = arith.constant 5.000000e-01 : f32
      %mul3A_1817 = vector.broadcast %mul3A_1816 : f32 to vector<16xf32>
      %mul3A_1818 = arith.mulf %mul3A_1817, %max3A_1789 : vector<16xf32>
      %mul3A_1819 = arith.mulf %mul3A_1818, %mul3A_1815 : vector<16xf32>
      %mul3A_1820 = arith.mulf %mul3A_1819, %mul3A_1815 : vector<16xf32>
      %sub3A_1821 = arith.constant 1.500000e+00 : f32
      %sub3A_1822 = vector.broadcast %sub3A_1821 : f32 to vector<16xf32>
      %sub3A_1823 = arith.subf %sub3A_1822, %mul3A_1820 : vector<16xf32>
      %mul3A_1824 = arith.mulf %mul3A_1815, %sub3A_1823 : vector<16xf32>
      %mul3A_1825 = arith.constant 5.000000e-01 : f32
      %mul3A_1826 = vector.broadcast %mul3A_1825 : f32 to vector<16xf32>
      %mul3A_1827 = arith.mulf %mul3A_1826, %max3A_1789 : vector<16xf32>
      %mul3A_1828 = arith.mulf %mul3A_1827, %mul3A_1824 : vector<16xf32>
      %mul3A_1829 = arith.mulf %mul3A_1828, %mul3A_1824 : vector<16xf32>
      %sub3A_1830 = arith.constant 1.500000e+00 : f32
      %sub3A_1831 = vector.broadcast %sub3A_1830 : f32 to vector<16xf32>
      %sub3A_1832 = arith.subf %sub3A_1831, %mul3A_1829 : vector<16xf32>
      %mul3A_1833 = arith.mulf %mul3A_1824, %sub3A_1832 : vector<16xf32>
      %max3A_1834 = arith.constant 1.000000e-24 : f32
      %max3A_1835 = vector.broadcast %max3A_1834 : f32 to vector<16xf32>
      %max3A_1836 = arith.maximumf %add3A_1786, %max3A_1835 : vector<16xf32>
      %bitcast3A_1837 = vector.bitcast %max3A_1836 : vector<16xf32> to vector<16xi32>
      %shift_right_arithmetic3A_1838 = arith.constant 1 : i32
      %shift_right_arithmetic3A_1839 = vector.broadcast %shift_right_arithmetic3A_1838 : i32 to vector<16xi32>
      %shift_right_arithmetic3A_1840 = arith.shrsi %bitcast3A_1837, %shift_right_arithmetic3A_1839 : vector<16xi32>
      %sub3A_1841 = arith.constant 1597463007 : i32
      %sub3A_1842 = vector.broadcast %sub3A_1841 : i32 to vector<16xi32>
      %sub3A_1843 = arith.subi %sub3A_1842, %shift_right_arithmetic3A_1840 : vector<16xi32>
      %bitcast3A_1844 = vector.bitcast %sub3A_1843 : vector<16xi32> to vector<16xf32>
      %mul3A_1845 = arith.constant 5.000000e-01 : f32
      %mul3A_1846 = vector.broadcast %mul3A_1845 : f32 to vector<16xf32>
      %mul3A_1847 = arith.mulf %mul3A_1846, %max3A_1836 : vector<16xf32>
      %mul3A_1848 = arith.mulf %mul3A_1847, %bitcast3A_1844 : vector<16xf32>
      %mul3A_1849 = arith.mulf %mul3A_1848, %bitcast3A_1844 : vector<16xf32>
      %sub3A_1850 = arith.constant 1.500000e+00 : f32
      %sub3A_1851 = vector.broadcast %sub3A_1850 : f32 to vector<16xf32>
      %sub3A_1852 = arith.subf %sub3A_1851, %mul3A_1849 : vector<16xf32>
      %mul3A_1853 = arith.mulf %bitcast3A_1844, %sub3A_1852 : vector<16xf32>
      %mul3A_1854 = arith.constant 5.000000e-01 : f32
      %mul3A_1855 = vector.broadcast %mul3A_1854 : f32 to vector<16xf32>
      %mul3A_1856 = arith.mulf %mul3A_1855, %max3A_1836 : vector<16xf32>
      %mul3A_1857 = arith.mulf %mul3A_1856, %mul3A_1853 : vector<16xf32>
      %mul3A_1858 = arith.mulf %mul3A_1857, %mul3A_1853 : vector<16xf32>
      %sub3A_1859 = arith.constant 1.500000e+00 : f32
      %sub3A_1860 = vector.broadcast %sub3A_1859 : f32 to vector<16xf32>
      %sub3A_1861 = arith.subf %sub3A_1860, %mul3A_1858 : vector<16xf32>
      %mul3A_1862 = arith.mulf %mul3A_1853, %sub3A_1861 : vector<16xf32>
      %mul3A_1863 = arith.constant 5.000000e-01 : f32
      %mul3A_1864 = vector.broadcast %mul3A_1863 : f32 to vector<16xf32>
      %mul3A_1865 = arith.mulf %mul3A_1864, %max3A_1836 : vector<16xf32>
      %mul3A_1866 = arith.mulf %mul3A_1865, %mul3A_1862 : vector<16xf32>
      %mul3A_1867 = arith.mulf %mul3A_1866, %mul3A_1862 : vector<16xf32>
      %sub3A_1868 = arith.constant 1.500000e+00 : f32
      %sub3A_1869 = vector.broadcast %sub3A_1868 : f32 to vector<16xf32>
      %sub3A_1870 = arith.subf %sub3A_1869, %mul3A_1867 : vector<16xf32>
      %mul3A_1871 = arith.mulf %mul3A_1862, %sub3A_1870 : vector<16xf32>
      %mul3A_1872 = arith.constant 5.000000e-01 : f32
      %mul3A_1873 = vector.broadcast %mul3A_1872 : f32 to vector<16xf32>
      %mul3A_1874 = arith.mulf %mul3A_1873, %max3A_1836 : vector<16xf32>
      %mul3A_1875 = arith.mulf %mul3A_1874, %mul3A_1871 : vector<16xf32>
      %mul3A_1876 = arith.mulf %mul3A_1875, %mul3A_1871 : vector<16xf32>
      %sub3A_1877 = arith.constant 1.500000e+00 : f32
      %sub3A_1878 = vector.broadcast %sub3A_1877 : f32 to vector<16xf32>
      %sub3A_1879 = arith.subf %sub3A_1878, %mul3A_1876 : vector<16xf32>
      %mul3A_1880 = arith.mulf %mul3A_1871, %sub3A_1879 : vector<16xf32>
      %get3A_1881 = arith.index_cast %multiple_of3A : i32 to index
      %get3A_1882 = tpu.vector_load %arg13[%get3A_1881] {strides = array<i32>} : memref<512xf32, #tpu.memory_space<vmem>>, vector<16xf32>,
      %mul3A_1883 = arith.mulf %mul3A_1833, %mul3A_1668 : vector<16xf32>
      %mul3A_1884 = arith.mulf %mul3A_1880, %mul3A_1715 : vector<16xf32>
      %neg3A = arith.constant 0.000000e+00 : f32
      %neg3A_1885 = vector.broadcast %neg3A : f32 to vector<16xf32>
      %neg3A_1886 = arith.subf %neg3A_1885, %mul3A_1884 : vector<16xf32>
      %mul3A_1887 = arith.mulf %get3A_1882, %mul3A_1762 : vector<16xf32>
      %mul3A_1888 = arith.mulf %mul3A_1833, %mul3A_1763 : vector<16xf32>
      %mul3A_1889 = arith.mulf %mul3A_1880, %mul3A_1764 : vector<16xf32>
      %sub3A_1890 = arith.subf %mul3A_1888, %mul3A_1889 : vector<16xf32>
      %mul3A_1891 = arith.mulf %mul3A_1883, %mul3A_1883 : vector<16xf32>
      %mul3A_1892 = arith.mulf %mul3A_1891, %add3A_1603 : vector<16xf32>
      %mul3A_1893 = arith.mulf %neg3A_1886, %neg3A_1886 : vector<16xf32>
      %mul3A_1894 = arith.mulf %mul3A_1893, %add3A_1605 : vector<16xf32>
      %add3A_1895 = arith.addf %mul3A_1892, %mul3A_1894 : vector<16xf32>
      %mul3A_1896 = arith.mulf %mul3A_1887, %mul3A_1887 : vector<16xf32>
      %mul3A_1897 = arith.mulf %mul3A_1896, %add3A_1607 : vector<16xf32>
      %add3A_1898 = arith.addf %add3A_1895, %mul3A_1897 : vector<16xf32>
      %mul3A_1899 = arith.mulf %sub3A_1890, %sub3A_1890 : vector<16xf32>
      %mul3A_1900 = arith.mulf %mul3A_1899, %add3A_1609 : vector<16xf32>
      %add3A_1901 = arith.addf %add3A_1898, %mul3A_1900 : vector<16xf32>
      %mul3A_1902 = arith.mulf %mul3A_1883, %neg3A_1886 : vector<16xf32>
      %mul3A_1903 = arith.mulf %mul3A_1902, %add3A_1611 : vector<16xf32>
      %mul3A_1904 = arith.mulf %mul3A_1883, %mul3A_1887 : vector<16xf32>
      %mul3A_1905 = arith.mulf %mul3A_1904, %add3A_1613 : vector<16xf32>
      %add3A_1906 = arith.addf %mul3A_1903, %mul3A_1905 : vector<16xf32>
      %mul3A_1907 = arith.mulf %mul3A_1883, %sub3A_1890 : vector<16xf32>
      %mul3A_1908 = arith.mulf %mul3A_1907, %add3A_1615 : vector<16xf32>
      %add3A_1909 = arith.addf %add3A_1906, %mul3A_1908 : vector<16xf32>
      %mul3A_1910 = arith.mulf %neg3A_1886, %mul3A_1887 : vector<16xf32>
      %mul3A_1911 = arith.mulf %mul3A_1910, %add3A_1617 : vector<16xf32>
      %add3A_1912 = arith.addf %add3A_1909, %mul3A_1911 : vector<16xf32>
      %mul3A_1913 = arith.mulf %neg3A_1886, %sub3A_1890 : vector<16xf32>
      %mul3A_1914 = arith.mulf %mul3A_1913, %add3A_1619 : vector<16xf32>
      %add3A_1915 = arith.addf %add3A_1912, %mul3A_1914 : vector<16xf32>
      %mul3A_1916 = arith.mulf %mul3A_1887, %sub3A_1890 : vector<16xf32>
      %mul3A_1917 = arith.mulf %mul3A_1916, %add3A_1621 : vector<16xf32>
      %add3A_1918 = arith.addf %add3A_1915, %mul3A_1917 : vector<16xf32>
      %mul3A_1919 = arith.constant 2.000000e+00 : f32
      %mul3A_1920 = vector.broadcast %mul3A_1919 : f32 to vector<16xf32>
      %mul3A_1921 = arith.mulf %mul3A_1920, %add3A_1918 : vector<16xf32>
      %add3A_1922 = arith.addf %add3A_1901, %mul3A_1921 : vector<16xf32>
      %max3A_1923 = arith.constant 0.000000e+00 : f32
      %max3A_1924 = vector.broadcast %max3A_1923 : f32 to vector<16xf32>
      %max3A_1925 = arith.maximumf %add3A_1922, %max3A_1924 : vector<16xf32>
      %max3A_1926 = arith.constant 1.000000e-24 : f32
      %max3A_1927 = vector.broadcast %max3A_1926 : f32 to vector<16xf32>
      %max3A_1928 = arith.maximumf %max3A_1925, %max3A_1927 : vector<16xf32>
      %bitcast3A_1929 = vector.bitcast %max3A_1928 : vector<16xf32> to vector<16xi32>
      %shift_right_arithmetic3A_1930 = arith.constant 1 : i32
      %shift_right_arithmetic3A_1931 = vector.broadcast %shift_right_arithmetic3A_1930 : i32 to vector<16xi32>
      %shift_right_arithmetic3A_1932 = arith.shrsi %bitcast3A_1929, %shift_right_arithmetic3A_1931 : vector<16xi32>
      %sub3A_1933 = arith.constant 1597463007 : i32
      %sub3A_1934 = vector.broadcast %sub3A_1933 : i32 to vector<16xi32>
      %sub3A_1935 = arith.subi %sub3A_1934, %shift_right_arithmetic3A_1932 : vector<16xi32>
      %bitcast3A_1936 = vector.bitcast %sub3A_1935 : vector<16xi32> to vector<16xf32>
      %mul3A_1937 = arith.constant 5.000000e-01 : f32
      %mul3A_1938 = vector.broadcast %mul3A_1937 : f32 to vector<16xf32>
      %mul3A_1939 = arith.mulf %mul3A_1938, %max3A_1928 : vector<16xf32>
      %mul3A_1940 = arith.mulf %mul3A_1939, %bitcast3A_1936 : vector<16xf32>
      %mul3A_1941 = arith.mulf %mul3A_1940, %bitcast3A_1936 : vector<16xf32>
      %sub3A_1942 = arith.constant 1.500000e+00 : f32
      %sub3A_1943 = vector.broadcast %sub3A_1942 : f32 to vector<16xf32>
      %sub3A_1944 = arith.subf %sub3A_1943, %mul3A_1941 : vector<16xf32>
      %mul3A_1945 = arith.mulf %bitcast3A_1936, %sub3A_1944 : vector<16xf32>
      %mul3A_1946 = arith.constant 5.000000e-01 : f32
      %mul3A_1947 = vector.broadcast %mul3A_1946 : f32 to vector<16xf32>
      %mul3A_1948 = arith.mulf %mul3A_1947, %max3A_1928 : vector<16xf32>
      %mul3A_1949 = arith.mulf %mul3A_1948, %mul3A_1945 : vector<16xf32>
      %mul3A_1950 = arith.mulf %mul3A_1949, %mul3A_1945 : vector<16xf32>
      %sub3A_1951 = arith.constant 1.500000e+00 : f32
      %sub3A_1952 = vector.broadcast %sub3A_1951 : f32 to vector<16xf32>
      %sub3A_1953 = arith.subf %sub3A_1952, %mul3A_1950 : vector<16xf32>
      %mul3A_1954 = arith.mulf %mul3A_1945, %sub3A_1953 : vector<16xf32>
      %mul3A_1955 = arith.constant 5.000000e-01 : f32
      %mul3A_1956 = vector.broadcast %mul3A_1955 : f32 to vector<16xf32>
      %mul3A_1957 = arith.mulf %mul3A_1956, %max3A_1928 : vector<16xf32>
      %mul3A_1958 = arith.mulf %mul3A_1957, %mul3A_1954 : vector<16xf32>
      %mul3A_1959 = arith.mulf %mul3A_1958, %mul3A_1954 : vector<16xf32>
      %sub3A_1960 = arith.constant 1.500000e+00 : f32
      %sub3A_1961 = vector.broadcast %sub3A_1960 : f32 to vector<16xf32>
      %sub3A_1962 = arith.subf %sub3A_1961, %mul3A_1959 : vector<16xf32>
      %mul3A_1963 = arith.mulf %mul3A_1954, %sub3A_1962 : vector<16xf32>
      %mul3A_1964 = arith.constant 5.000000e-01 : f32
      %mul3A_1965 = vector.broadcast %mul3A_1964 : f32 to vector<16xf32>
      %mul3A_1966 = arith.mulf %mul3A_1965, %max3A_1928 : vector<16xf32>
      %mul3A_1967 = arith.mulf %mul3A_1966, %mul3A_1963 : vector<16xf32>
      %mul3A_1968 = arith.mulf %mul3A_1967, %mul3A_1963 : vector<16xf32>
      %sub3A_1969 = arith.constant 1.500000e+00 : f32
      %sub3A_1970 = vector.broadcast %sub3A_1969 : f32 to vector<16xf32>
      %sub3A_1971 = arith.subf %sub3A_1970, %mul3A_1968 : vector<16xf32>
      %mul3A_1972 = arith.mulf %mul3A_1963, %sub3A_1971 : vector<16xf32>
      %mul3A_1973 = arith.mulf %max3A_1925, %mul3A_1972 : vector<16xf32>
      %sub3A_1974 = arith.constant 1.200000e+01 : f32
      %sub3A_1975 = vector.broadcast %sub3A_1974 : f32 to vector<16xf32>
      %sub3A_1976 = arith.subf %sub3A_1975, %mul3A_1973 : vector<16xf32>
      %swap3A = arith.index_cast %multiple_of3A : i32 to index
      %swap3A_1977 = tpu.vector_load %arg20[%swap3A] {strides = array<i32>} : memref<512xf32, #tpu.memory_space<vmem>>, vector<16xf32>,
      tpu.vector_store %arg20[%swap3A], %sub3A_1976 {strides = array<i32>} : memref<512xf32, #tpu.memory_space<vmem>>, vector<16xf32>,
    }
    %scan3A_117 = arith.constant 32 : i32
    "tpu.region"() ({
      %run_scoped3A = tpu.sem_alloc : memref<!tpu.dma_semaphore, #tpu.memory_space<semaphore_mem>>
      %dma_start3A_118 = tpu.memref_slice %arg9[%mul3A_2] : memref<16384xf32, #tpu.memory_space<hbm>> -> memref<512xf32, #tpu.memory_space<hbm>>
      %dma_start3A_119 = tpu.memref_slice %arg9[%mul3A_2] : memref<16384xf32, #tpu.memory_space<hbm>> -> memref<512xf32, #tpu.memory_space<hbm>>
      tpu.enqueue_dma source(%arg20 : memref<512xf32, #tpu.memory_space<vmem>>) target(%dma_start3A_119 : memref<512xf32, #tpu.memory_space<hbm>>) target_semaphore(%run_scoped3A : memref<!tpu.dma_semaphore, #tpu.memory_space<semaphore_mem>>)
      %dma_wait3A_120 = tpu.memref_slice %arg9[%mul3A_2] : memref<16384xf32, #tpu.memory_space<hbm>> -> memref<512xf32, #tpu.memory_space<hbm>>
      %dma_wait3A_121 = tpu.memref_slice %arg9[%mul3A_2] : memref<16384xf32, #tpu.memory_space<hbm>> -> memref<512xf32, #tpu.memory_space<hbm>>
      tpu.wait_dma2 semaphore(%run_scoped3A : memref<!tpu.dma_semaphore, #tpu.memory_space<semaphore_mem>>) src(%arg20 : memref<512xf32, #tpu.memory_space<vmem>>) dst(%dma_wait3A_121 : memref<512xf32, #tpu.memory_space<hbm>>)
      tpu.yield
    }) : () -> ()
    return
  }
}

</mosaic_0001>

<sc_bundles>
// kernel: kernel.3.cloned.1.call-start
scs
__scs_entry_jumppad:
0x0: {  	(pc) =	sbr.rel $0x88, $3  }
0x1: {  	(tag) =	ssettag $0x0;
	lr =	simm.s32 $0x1  }
0x2: {  	[smem:$0x3F9A] =	sst lr;
	_ =	strace $0xD0000000  }
0x3: {  	_ = 	snop  }
0x4: {  	_ = 	snop  }
0x5: {  	_ = 	snop  }
0x6: {  	_ = 	snop  }
0x7: {  	_ = 	snop  }
__scs_overlays_trampoline_lowered:
0x8: {  	[smem:$0x3FA9] =	sst s0  }
0x9: {  	[smem:$0x3FAA] =	sst s1  }
0xa: {  	[smem:$0x3FAB] =	sst s2  }
0xb: {  	[smem:$0x3FAC] =	sst s3  }
0xc: {  	[smem:$0x3FAD] =	sst s4  }
0xd: {  	[smem:$0x3FAE] =	sst s5  }
0xe: {  	[smem:$0x3FAF] =	sst s6  }
0xf: {  	[smem:$0x3FB0] =	sst s7  }
0x10: {  	[smem:$0x3FB1] =	sst s8  }
0x11: {  	[smem:$0x3FB2] =	sst s9;
	s0 =	simm.s32 @!p0 $0x0  }
0x12: {  	s1 =	sld [smem:$0x3F98];
	s0 =	simm.s32 @p0 $0x1  }
0x13: {  	[smem:$0x3FB3] =	sst s0;
	s0 =	simm.s32 @!p1 $0x0  }
0x14: {  	s2 =	sld [smem:$0x3F97];
	s0 =	simm.s32 @p1 $0x1  }
0x15: {  	[smem:$0x3FB4] =	sst s0;
	s0 =	simm.s32 @!p2 $0x0  }
0x16: {  	s3 =	sld [smem:$0x3FDB];
	s0 =	simm.s32 @p2 $0x1  }
0x17: {  	s4 =	simm.s32 $0x1BF5;
	[smem:$0x3FB6] =	sst s0  }
0x18: {  	s0 =	sld [smem:$0x3F99];
	_ =	swait.ge [sflag:s4], $0x0  }
0x19: {  	s7 =	sld [smem:$0x3F9A]  }
0x1a: {  	s8 =	sadd.s32 $0xFFFFE003, lr  }
0x1b: {  	s9 =	sadd.s32 $0xFFFFFEF7, lr;
	s5 =	simm.s32 $0xFFFFFFFF;
	p2 =	slt.u32 s8, $0xFFFFF086  }
0x1c: {  	p1 =	slt.u32 s9, $0xF7A;
	s5 =	simm.s32 @!p2 $0x0  }
0x1d: {  	s5 =	simm.s32 @p1 $0x1;
	p0 =	seq.s32 s7, s2  }
0x1e: {  	s7 =	smul.u32 @!p0 $0xF7A, s2;
	p2 =	seq.s32 @!p0 s5, $0x0  }
0x1f: {  	s9 =	smul.u32 $0xF7A, s1;
	s8 =	simm.s32 @!p0 $0x1BF5;
	p2 =	por !p2, p0  }
0x20: {  	[sflag:s8] =	ssyncset.s32 @!p0 $0xFFFFF086;
	s6 =	sadd.s32 @!p0 s3, s7;
	s7 =	simm.s32 @!p0 $0x108  }
0x21: {  	s3 =	sadd.s32 s3, s9;
	s6 =	sadd.s32 @!p0 $0x88, s6;
	s7 =	simm.s32 @p2 $0x1082  }
0x22: {  	[simem:s7], [sflag:s8] =	dma.local @!p0 [hbm:s6], $0xF7A  }
0x23: {  	s9 =	sor.u32 $0xD0000000, s2;
	s6 =	simm.s32 $0x108;
	_ =	swait.ge @!p0 [sflag:s8], $0x0  }
0x24: {  	s3 =	sadd.s32 $0x88, s3;
	s6 =	simm.s32 @!p1 $0x1082;
	[sflag:s4] =	ssyncset.s32 $0xFFFFF086  }
0x25: {  	[simem:s6], [sflag:s4] =	dma.local [hbm:s3], $0xF7A  }
0x26: {  	[smem:$0x3F9A] =	sst s1;
	(tag) =	ssettag s2;
	_ =	strace s9  }
0x27: {  	s1 =	sld [smem:$0x3FAA]  }
0x28: {  	s2 =	sld [smem:$0x3FAB]  }
0x29: {  	s4 =	sld [smem:$0x3FAD]  }
0x2a: {  	p0 =	seq.s32 s5, $0x0;
	s5 =	sld [smem:$0x3FAE]  }
0x2b: {  	s6 =	sld [smem:$0x3FAF]  }
0x2c: {  	s7 =	sld [smem:$0x3FB0]  }
0x2d: {  	s3 =	simm.s32 $0x108;
	s8 =	sld [smem:$0x3FB1]  }
0x2e: {  	s3 =	simm.s32 @!p0 $0x1082;
	s9 =	sld [smem:$0x3FB2]  }
0x2f: {  	lr =	sadd.s32 s0, s3;
	s0 =	sld [smem:$0x3FA9]  }
0x30: {  	s3 =	sld [smem:$0x3FAC]  }
0x31: {  	[smem:$0x3FB5] =	sst s10  }
0x32: {  	s10 =	sld [smem:$0x3FB3];
	_ =	sdelay $0x3  }
0x33: {  	p0 =	seq.s32 s10, $0x1;
	s10 =	sld [smem:$0x3FB5];
	_ =	sdelay $0x3  }
0x34: {  	[smem:$0x3FB5] =	sst s10  }
0x35: {  	s10 =	sld [smem:$0x3FB4];
	_ =	sdelay $0x3  }
0x36: {  	p1 =	seq.s32 s10, $0x1;
	s10 =	sld [smem:$0x3FB5];
	_ =	sdelay $0x3  }
0x37: {  	[smem:$0x3FB5] =	sst s10  }
0x38: {  	s10 =	sld [smem:$0x3FB6]  }
0x39: {  	_ = 	snop;
	(pc) =	sbr.ind lr, $3  }
0x3a: {  	_ = 	snop  }
0x3b: {  	_ = 	snop  }
0x3c: {  	p2 =	seq.s32 s10, $0x1;
	s10 =	sld [smem:$0x3FB5]  }
0x3d: {  	_ =	shalt  }
0x3e: {  	_ =	shalt  }
0x3f: {  	_ =	shalt  }
0x40: {  	_ =	shalt  }
0x41: {  	_ =	shalt  }
0x42: {  	_ =	shalt  }
0x43: {  	_ =	shalt  }
0x44: {  	_ =	shalt  }
0x45: {  	_ =	shalt  }
0x46: {  	_ =	shalt  }
0x47: {  	_ =	shalt  }
0x48: {  	_ =	shalt  }
0x49: {  	_ =	shalt  }
0x4a: {  	_ =	shalt  }
0x4b: {  	_ =	shalt  }
0x4c: {  	_ =	shalt  }
0x4d: {  	_ =	shalt  }
0x4e: {  	_ =	shalt  }
0x4f: {  	_ =	shalt  }
0x50: {  	_ =	shalt  }
0x51: {  	_ =	shalt  }
0x52: {  	_ =	shalt  }
0x53: {  	_ =	shalt  }
0x54: {  	_ =	shalt  }
0x55: {  	_ =	shalt  }
0x56: {  	_ =	shalt  }
0x57: {  	_ =	shalt  }
0x58: {  	_ =	shalt  }
0x59: {  	_ =	shalt  }
0x5a: {  	_ =	shalt  }
0x5b: {  	_ =	shalt  }
0x5c: {  	_ =	shalt  }
0x5d: {  	_ =	shalt  }
0x5e: {  	_ =	shalt  }
0x5f: {  	_ =	shalt  }
0x60: {  	_ =	shalt  }
0x61: {  	_ =	shalt  }
0x62: {  	_ =	shalt  }
0x63: {  	_ =	shalt  }
0x64: {  	_ =	shalt  }
0x65: {  	_ =	shalt  }
0x66: {  	_ =	shalt  }
0x67: {  	_ =	shalt  }
0x68: {  	_ =	shalt  }
0x69: {  	_ =	shalt  }
0x6a: {  	_ =	shalt  }
0x6b: {  	_ =	shalt  }
0x6c: {  	_ =	shalt  }
0x6d: {  	_ =	shalt  }
0x6e: {  	_ =	shalt  }
0x6f: {  	_ =	shalt  }
0x70: {  	_ =	shalt  }
0x71: {  	_ =	shalt  }
0x72: {  	_ =	shalt  }
0x73: {  	_ =	shalt  }
0x74: {  	_ =	shalt  }
0x75: {  	_ =	shalt  }
0x76: {  	_ =	shalt  }
0x77: {  	_ =	shalt  }
0x78: {  	_ =	shalt  }
0x79: {  	_ =	shalt  }
0x7a: {  	_ =	shalt  }
0x7b: {  	_ =	shalt  }
0x7c: {  	_ =	shalt  }
0x7d: {  	_ =	shalt  }
0x7e: {  	_ =	shalt  }
0x7f: {  	_ =	shalt  }
0x80: {  	_ =	shalt  }
0x81: {  	_ =	shalt  }
0x82: {  	_ =	shalt  }
0x83: {  	_ =	shalt  }
0x84: {  	_ =	shalt  }
0x85: {  	_ =	shalt  }
0x86: {  	_ =	shalt  }
0x87: {  	_ =	shalt  }
.Lfunc_end0:
.L_simem_size_0:
called_computation_lowered:
.L_overlay_start_0:
0x88: {  	s2 =	sld [smem:$0x3FD9]  }
0x89: {  	s3 =	sld [smem:$0x3FFE];
	_ =	sdelay $0x1  }
0x8a: {  	s1 =	srdreg.scid  }
0x8b: {  	s0 =	sand.u32 $0x1, s1  }
0x8c: {  	s17 =	sshll.u32 s0, $0xA;
	s2 =	sadd.s32 s3, s2  }
0x8d: {  	s2 =	sadd.s32 s2, s17  }
0x8e: {  	[smem:$0x3FC1] =	sst s2  }
0x8f: {  	_ = 	snop  }
0x90: {  	s2 =	sld [smem:$0x3FC9]  }
0x91: {  	s18 =	sld [smem:$0x3FC8]  }
0x92: {  	s4 =	sld [smem:$0x3FC7]  }
0x93: {  	s5 =	sld [smem:$0x3FD0];
	(tm) =	ssettm $0x1  }
0x94: {  	s6 =	sld [smem:$0x3FFB];
	_ =	sdelay $0x3  }
0x95: {  	_ =	strace s6  }
0x96: {  	s6 =	sld [smem:$0x3FFC];
	_ =	sdelay $0x3  }
0x97: {  	_ =	strace s6  }
0x98: {  	s6 =	sld [smem:$0x3FFD];
	_ =	sdelay $0x3  }
0x99: {  	_ =	strace s6  }
0x9a: {  	_ =	strace $0x8FFFFFFF  }
0x9b: {  	s19 =	sld [smem:$0x3FDB];
	_ =	sdelay $0x1  }
0x9c: {  	s7 =	simm.s32 $_scs_section_size  }
0x9d: {  	s8 =	simm.s32 $_size__tile_overlayer_lowered;
	s9 =	simm.s32 $_tile_overlayer_lowered  }
0x9e: {  	s22 =	simm.s32 $0x1BFF;
	s21 =	sshll.u32 s9, $0x1;
	s6 =	sadd.s32 s7, s19  }
0x9f: {  	s10 =	simm.s32 $0x0;
	s20 =	sshll.u32 s8, $0x1;
	s8 =	sadd.s32 s21, s6  }
0xa0: {  	[timem:s10], [sflag:s22] =	dma.local [hbm:s8], s20  }
0xa1: {  	_ =	swait.ge [sflag:s22], s20  }
0xa2: {  	s7 =	ssub.s32 $0x0, s20;
	[sflag:s22] =	ssyncset.done $0x0  }
0xa3: {  	[sflag:s22] =	ssyncadd.s32 s7;
	_ =	sdelay $0x1  }
0xa4: {  	s23 =	simm.s32 $0x1B8B  }
0xa5: {  	_ =	swait.ge [sflag:s23], $0x1  }
0xa6: {  	[sflag:s23] =	ssyncset.done $0x0  }
0xa7: {  	s25 =	simm.s32 $0x1B8E;
	s24 =	sld [smem:$0x3FFE];
	[sflag:s23] =	ssyncadd.s32 $0xFFFFFFFF  }
0xa8: {  	s26 =	simm.s32 $execute0_lowered;
	[smem:$0x3FD2] =	sst s25  }
0xa9: {  	s8 =	sshll.u32 s26, $0x1;
	_ =	strace $0x80000046;
	[dreg:$0x1] =	wrdreg $0xFFFFFFFF  }
0xaa: {  	s28 =	simm.s32 $_size_execute0_lowered;
	s6 =	sadd.s32 s6, s8;
	[dreg:$0x0] =	wrdreg $0x0  }
0xab: {  	s8 =	sshll.u32 s28, $0x1;
	[dreg:$0x2] =	wrdreg s6  }
0xac: {  	[dreg:$0x3] =	wrdreg s8  }
0xad: {  	[dreg:$0x4] =	wrdreg $0xC0  }
0xae: {  	_ =	task [dreg:s10], $0x5FFFF  }
0xaf: {  	[dreg:$0x1] =	wrdreg $0xFFFFFFFF  }
0xb0: {  	[dreg:$0x0] =	wrdreg $0x60  }
0xb1: {  	[dreg:$0x2] =	wrdreg s2  }
0xb2: {  	[dreg:$0x3] =	wrdreg s18  }
0xb3: {  	[dreg:$0x4] =	wrdreg s4  }
0xb4: {  	[dreg:$0x5] =	wrdreg s24  }
0xb5: {  	[dreg:$0x6] =	wrdreg s5  }
0xb6: {  	[dreg:$0x7] =	wrdreg $0x9  }
0xb7: {  	_ =	task.clear_ibuf [dreg:s10], $0x8FFFF;
	_ =	strace $0x90000046  }
0xb8: {  	s29 =	simm.s32 $0x9;
	_ =	strace $0x80000048  }
0xb9: {  	_ =	swait.ge [sflag:s29], $0x1  }
0xba: {  	[sflag:s29] =	ssyncadd.s32 $0xFFFFFFFF  }
0xbb: {  	_ =	strace $0x90000048  }
0xbc: {  	_ =	sfence  }
0xbd: {  	s30 =	sld [smem:$0x0];
	_ =	sdelay $0x2  }
0xbe: {  	s31 =	sshll.u32 s1, $0xD;
	s1 =	sshrl.u32 s1, $0x2  }
0xbf: {  	s3 =	sand.u32 $0x4000, s31;
	s1 =	sadd.s32 s1, s30  }
0xc0: {  	s0 =	sor.u32 s3, s0;
	s1 =	sshll.u32 s1, $0x11  }
0xc1: {  	s0 =	sor.u32 s1, s0  }
0xc2: {  	s0 =	sadd.s32 $0x8F2B, s0  }
0xc3: {  	[sflag:s0] =	ssyncadd.remote.s32 $0x1  }
0xc4: {  	_ =	sfence.sel $0xFFFF  }
0xc5: {  	[dreg:$0x0] =	wrdreg $0xFFFFFFFF;
	(pc) =	sbr.abs _section_cstart, $3  }
0xc6: {  	[dreg:$0x1] =	wrdreg $0xFFFFFFFF  }
0xc7: {  	_ =	task.clear_ibuf [dreg:s10], $0x2FFFF;
	_ =	strace $0x9FFFFFFF  }
0xc8: {  	(tm) =	ssettm $0x7FFFFFFF  }
0xc9: {  	_ =	shalt  }
tec
execute0_lowered:
.L_overlay_start_1:
0x0: {  	(tag) =	ssettag $0x1  }
0x1: {  	s0 =	rddreg [dreg:$0x0]  }
0x2: {  	s1 =	rddreg [dreg:$0x1]  }
0x3: {  	s2 =	rddreg [dreg:$0x2]  }
0x4: {  	s3 =	rddreg [dreg:$0x3]  }
0x5: {  	s4 =	rddreg [dreg:$0x4];
	s9 =	simm.s32 $0x0  }
0x6: {  	s20 =	srdreg.scid;
	[smem:$0x7FF] =	sst s9;
	s5 =	sadd.s32 $0x3D0C00, s3  }
0x7: {  	s19 =	sadd.s32 $0x200, s3;
	_ =	strace $0x80000047;
	[dreg:$0x8] =	wrdreg s5  }
0x8: {  	s7 =	stileid.u32;
	s6 =	sadd.s32 $0x7A2600, s3;
	[dreg:$0x9] =	wrdreg s19  }
0x9: {  	s7 =	sshll.u32 s7, $0x7;
	s8 =	sadd.s32 $0x7A1600, s3;
	[dreg:$0xa] =	wrdreg s6  }
0xa: {  	s26 =	sadd.s32 $0x3EF448, s3;
	s29 =	sadd.s32 $0x1EA48, s3;
	[dreg:$0xb] =	wrdreg s8  }
0xb: {  	s30 =	sadd.s32 $0x7A267D, s3;
	s5 =	sand.u32 $0x1, s20;
	[dreg:$0x10] =	wrdreg s26  }
0xc: {  	[dreg:$0x12] =	wrdreg s29;
	s21 =	ssub.s32 $0x2, s5;
	s5 =	sshll.u32 s5, $0x6  }
0xd: {  	v0 =	vimm.s32 $0xECA86420;
	vm0 =	vcmask $0xB08;
	s31 =	simm.s32 $0x600;
	[dreg:$0x13] =	wrdreg s30;
	s5 =	sor.u32 s5, s7  }
0xe: {  	vm1 =	vcmask $0x1310;
	vm2 =	vcmask $0x1B18;
	vm3 =	vcmask $0x300;
	s3 =	simm.s32 $0x0;
	[dreg:$0x6] =	wrdreg s31;
	s0 =	sadd.s32 s0, s5  }
0xf: {  	vm6 =	vcmask $0x2B28;
	vm8 =	vcmask $0x3B38;
	vm4 =	vmmov $0xff;
	s8 =	simm.s32 $0x200;
	s23 =	sadd.s32 s2, s5;
	[dreg:$0xc] =	wrdreg s0  }
0x10: {  	v3 =	vimm.s32 $0x0;
	vm10 =	vcmask $0x704;
	vm12 =	vcmask $0x1714;
	s22 =	sshrl.u32 s21, $0x1;
	s24 =	sadd.s32 s1, s5;
	[dreg:$0xd] =	wrdreg s23  }
0x11: {  	vm14 =	vcmask $0x2724;
	vm7 =	vcmask $0x3330;
	v1 =	vunpack.c.l.s4.s8 v0;
	s6 =	ssub.s32 s21, s22;
	s25 =	sadd.s32 s4, s5;
	[dreg:$0xe] =	wrdreg s24  }
0x12: {  	v0 =	vlaneseq.u32;
	v3 =	vsel vm4, $0xFFFFFFFF, v3;
	vm4 =	vcmask $0x3734;
	s1 =	simm.s32 $0x3;
	[dreg:$0xf] =	wrdreg s25;
	s28 =	smax.u32 s6, $0x1  }
0x13: {  	v2 =	vmul.u32 $0x2, v0;
	[tilespmem:$0x1FFF0] =	vst v3;
	v3 =	vimm.f32 $-1.000000000e+00;
	v1 =	vunpack.c.0.s8.s32 v1;
	s2 =	simm.s32 $0x14800;
	s24 =	simm.s32 $0x400;
	[dreg:$0x11] =	wrdreg s28  }
.LBB2_1:
0x14: {  	[dreg:$0x14] =	wrdreg s3  }
0x15: {  	s0 =	rddreg [dreg:$0xc]  }
0x16: {  	[tilespmem:s9], [sflag:$0x3] =	stream.linear.gather [hbm4b:s0+s9], $0x200, $0x38;
	[tilespmem:$0x1C700] =	vst v63  }
0x17: {  	_ =	swait.ge [sflag:s1], $0x200  }
0x18: {  	[sflag:s1] =	ssyncset.done $0x0  }
0x19: {  	s19 =	rddreg [dreg:$0xd];
	[sflag:s1] =	ssyncadd.s32 $0xFFFFFE00  }
0x1a: {  	[tilespmem:s8], [sflag:$0x3] =	stream.linear.gather [hbm4b:s19+s9], $0x200, $0x38;
	[tilespmem:$0x1C700] =	vst v63  }
0x1b: {  	_ =	swait.ge [sflag:s1], $0x200  }
0x1c: {  	[sflag:s1] =	ssyncset.done $0x0  }
0x1d: {  	s20 =	rddreg [dreg:$0xe];
	[sflag:s1] =	ssyncadd.s32 $0xFFFFFE00  }
0x1e: {  	v4 =	vor.u32 s9, v0;
	[tilespmem:s24], [sflag:$0x3] =	stream.linear.gather [hbm4b:s20+s9], $0x200, $0x38;
	[tilespmem:$0x1C700] =	vst v63  }
0x1f: {  	_ =	swait.ge [sflag:s1], $0x200  }
0x20: {  	[sflag:s1] =	ssyncset.done $0x0  }
0x21: {  	s21 =	rddreg [dreg:$0xb];
	[sflag:s1] =	ssyncadd.s32 $0xFFFFFE00  }
0x22: {  	[tilespmem:s2], [sflag:$0x2] =	stream.linear.gather [hbm4b:s21+s9], $0x7D00, $0x38;
	[tilespmem:$0x1C700] =	vst v63  }
0x23: {  	v5 =	vld.idx.msk [tilespmem:v4+s24+$0x0], $0xffff;
	_ =	sdelay $0x4  }
0x24: {  	(v2sf) =	vpush v5, $0x2  }
0x25: {  	(v2sf) =	vpush v5, $0x1;
	_ =	sdelay $0x1  }
0x26: {  	(v2sf) =	vpush v5, $0x0;
	_ =	sdelay $0x1  }
0x27: {  	(v2sf) =	vpush v5, $0xE;
	_ =	sdelay $0x1  }
0x28: {  	(v2sf) =	vpush v5, $0x3  }
0x29: {  	(v2sf) =	vpush v5, $0x4  }
0x2a: {  	(v2sf) =	vpush v5, $0x7;
	_ =	sdelay $0x2  }
0x2b: {  	(v2sf) =	vpush v5, $0xC  }
0x2c: {  	(v2sf) =	vpush v5, $0x8  }
0x2d: {  	(v2sf) =	vpush v5, $0xF  }
0x2e: {  	(v2sf) =	vpush v5, $0xD;
	s22 =	spop (v2sf)  }
0x2f: {  	(v2sf) =	vpush v5, $0xB;
	s23 =	spop (v2sf);
	s3 =	smulhi.u32 $0x10624DD3, s22  }
0x30: {  	(v2sf) =	vpush v5, $0x9;
	s0 =	sshra.s32 s22, $0x1F;
	s7 =	smulhi.u32 $0x10624DD3, s23  }
0x31: {  	(v2sf) =	vpush v5, $0x5;
	s25 =	spop (v2sf);
	s0 =	smul.u32 $0x10624DD3, s0  }
0x32: {  	s1 =	sshra.s32 s23, $0x1F;
	s13 =	smulhi.u32 $0x10624DD3, s25  }
0x33: {  	s4 =	spop (v2sf);
	s1 =	smul.u32 $0x10624DD3, s1  }
0x34: {  	s25 =	sshra.s32 s25, $0x1F;
	s5 =	smulhi.u32 $0x10624DD3, s4  }
0x35: {  	(v2sf) =	vpush v5, $0xA;
	s6 =	spop (v2sf);
	s4 =	sshra.s32 s4, $0x1F;
	s25 =	smul.u32 $0x10624DD3, s25  }
0x36: {  	(v2sf) =	vpush v5, $0x6;
	s8 =	spop (v2sf);
	s4 =	smul.u32 $0x10624DD3, s4  }
0x37: {  	s29 =	smulhi.u32 $0x10624DD3, s6;
	s26 =	spop (v2sf)  }
0x38: {  	s23 =	simm.s32 $0x10;
	s18 =	sshra.s32 s8, $0x1F;
	s10 =	smulhi.u32 $0x10624DD3, s26  }
0x39: {  	s28 =	sshra.s32 s6, $0x1F;
	s1 =	sadd.s32 s1, s7;
	s18 =	smul.u32 $0x10624DD3, s18  }
0x3a: {  	s9 =	sshra.s32 s26, $0x1F;
	s11 =	spop (v2sf);
	s26 =	smulhi.u32 $0x10624DD3, s8  }
0x3b: {  	s13 =	sadd.s32 s25, s13;
	s9 =	smul.u32 $0x10624DD3, s9;
	s12 =	spop (v2sf)  }
0x3c: {  	s2 =	sadd.s32 s4, s5;
	s14 =	spop (v2sf);
	s22 =	smulhi.u32 $0x10624DD3, s12  }
0x3d: {  	s19 =	spop (v2sf);
	s15 =	smulhi.u32 $0x10624DD3, s14;
	s6 =	sshra.s32 s14, $0x1F  }
0x3e: {  	s25 =	sshra.s32 s13, $0x6;
	s17 =	spop (v2sf);
	s4 =	smul.u32 $0x10624DD3, s6  }
0x3f: {  	s20 =	smulhi.u32 $0x10624DD3, s17;
	s17 =	sshra.s32 s17, $0x1F;
	s14 =	spop (v2sf)  }
0x40: {  	s5 =	sshra.s32 s11, $0x1F;
	s17 =	smul.u32 $0x10624DD3, s17;
	s16 =	spop (v2sf)  }
0x41: {  	s30 =	sadd.s32 s9, s10;
	s7 =	smulhi.u32 $0x10624DD3, s16;
	s16 =	sshra.s32 s16, $0x1F  }
0x42: {  	s21 =	sshra.s32 s12, $0x1F;
	s9 =	smul.u32 $0x10624DD3, s16;
	s16 =	sshra.s32 s30, $0x1F  }
0x43: {  	s6 =	sadd.s32 s0, s3;
	s31 =	sadd.s32 s17, s20;
	s17 =	sshrl.u32 s13, $0x1F;
	v6 =	vmov s16  }
0x44: {  	s3 =	smulhi.u32 $0x10624DD3, s11;
	v8 =	vmov s17;
	s11 =	spop (v2sf);
	s16 =	sshra.s32 s13, $0x1F;
	v6 =	vsel vm3, s25, v6  }
0x45: {  	s26 =	sadd.s32 s18, s26;
	s18 =	smul.u32 $0x10624DD3, s28;
	s20 =	spop (v2sf);
	v7 =	vsel vm10, s16, v6;
	v6 =	vnsel vm3, $0x0, v8;
	v8 =	vld [tilespmem:$0x1FFF0]  }
0x46: {  	s12 =	sshrl.u32 s1, $0x1F;
	s0 =	sadd.s32 s4, s15;
	s10 =	smulhi.u32 $0x10624DD3, s20  }
0x47: {  	s15 =	sshra.s32 s20, $0x1F;
	s13 =	sshra.s32 s11, $0x1F;
	s11 =	smulhi.u32 $0x10624DD3, s11  }
0x48: {  	s28 =	sshra.s32 s6, $0x6;
	s8 =	sshra.s32 s14, $0x1F;
	s4 =	smul.u32 $0x10624DD3, s15  }
0x49: {  	vm11 =	vcmask $0xF0C;
	s17 =	sshra.s32 s1, $0x6;
	s20 =	sshra.s32 s2, $0x6;
	s15 =	smulhi.u32 $0x10624DD3, s14  }
0x4a: {  	vm5 =	vcmask $0x2320;
	vm9 =	vlt.s32 v5, $0x3E8;
	s14 =	sshra.s32 s1, $0x1F;
	s25 =	sshra.s32 s19, $0x1F;
	s1 =	sshrl.u32 s6, $0x1F;
	vm15 =	vnez.u8 v8  }
.LBB2_2:
0x4b: {  	s8 =	smul.u32 $0x10624DD3, s8  }
0x4c: {  	v7 =	vsel vm0, s17, v7;
	s17 =	sshra.s32 s26, $0x6;
	s5 =	smul.u32 $0x10624DD3, s5;
	s18 =	sadd.s32 s18, s29  }
0x4d: {  	v7 =	vsel vm11, s14, v7;
	s14 =	smul.u32 $0x10624DD3, s25;
	s25 =	sshra.s32 s6, $0x1F;
	s7 =	sadd.s32 s9, s7  }
0x4e: {  	v6 =	vsel vm0, s12, v6;
	s4 =	sadd.s32 s4, s10;
	s12 =	sshra.s32 s18, $0x1F;
	v7 =	vsel vm1, s28, v7;
	s6 =	sshra.s32 s18, $0x6  }
0x4f: {  	v6 =	vsel vm1, s1, v6;
	s3 =	sadd.s32 s5, s3;
	s16 =	sshrl.u32 s18, $0x1F;
	v7 =	vsel vm12, s25, v7;
	s25 =	smul.u32 $0x10624DD3, s13  }
0x50: {  	s18 =	sshrl.u32 s26, $0x1F;
	s1 =	sadd.s32 s8, s15;
	v6 =	vsel vm2, s16, v6;
	s13 =	smul.u32 $0x10624DD3, s21  }
0x51: {  	vm13 =	vcmask $0x1F1C;
	s10 =	sshrl.u32 s4, $0x1F;
	s16 =	smulhi.u32 $0x10624DD3, s19;
	v7 =	vsel vm2, s6, v7;
	v6 =	vsel vm5, s18, v6;
	s18 =	sshrl.u32 s7, $0x1F  }
0x52: {  	s21 =	sshra.s32 s26, $0x1F;
	v7 =	vsel vm13, s12, v7;
	s8 =	sadd.s32 s25, s11;
	s6 =	sadd.s32 s13, s22;
	v6 =	vsel vm6, s18, v6  }
0x53: {  	s9 =	sadd.s32 s14, s16;
	vm13 =	vcmask $0x2F2C;
	v7 =	vsel vm5, s17, v7;
	s17 =	sshrl.u32 s3, $0x1F;
	s22 =	sshrl.u32 s6, $0x1F;
	v6 =	vsel vm7, s10, v6  }
0x54: {  	s25 =	sshra.s32 s7, $0x6;
	s3 =	sshra.s32 s3, $0x6;
	s6 =	sshra.s32 s6, $0x6;
	v7 =	vsel vm14, s21, v7;
	v8 =	vmov s17;
	v9 =	vmov s22  }
0x55: {  	s15 =	sshra.s32 s1, $0x6;
	s1 =	sshrl.u32 s1, $0x1F;
	s26 =	sshrl.u32 s9, $0x1F;
	v10 =	vmov s6;
	v11 =	vmov s3;
	v7 =	vsel vm6, s25, v7  }
0x56: {  	s2 =	sshrl.u32 s2, $0x1F;
	s5 =	sshra.s32 s7, $0x1F;
	s10 =	sshra.s32 s9, $0x6;
	v9 =	vsel vm0, s1, v9;
	v8 =	vsel vm0, s26, v8;
	v10 =	vsel vm0, s15, v10  }
0x57: {  	s19 =	sshrl.u32 s8, $0x1F;
	s8 =	sshra.s32 s8, $0x6;
	v11 =	vsel vm0, s10, v11;
	v7 =	vsel vm13, s5, v7;
	v8 =	vsel vm1, s2, v8  }
0x58: {  	s12 =	sshra.s32 s4, $0x6;
	s14 =	sshrl.u32 s0, $0x1F;
	s15 =	sshrl.u32 s31, $0x1F;
	v10 =	vsel vm1, s8, v10;
	v9 =	vsel vm1, s19, v9;
	v11 =	vsel vm1, s20, v11  }
0x59: {  	s19 =	sshra.s32 s0, $0x6;
	s20 =	sshra.s32 s31, $0x6;
	v7 =	vsel vm7, s12, v7;
	v8 =	vsel vm2, s14, v8;
	v9 =	vsel vm2, s15, v9  }
0x5a: {  	s16 =	sshra.s32 s4, $0x1F;
	s17 =	sshrl.u32 s30, $0x1F;
	v63 =	vsel vm2, s19, v11;
	v10 =	vsel vm2, s20, v10;
	v8 =	vcombine.low v9, v8  }
0x5b: {  	s18 =	sshra.s32 s30, $0x6;
	v6 =	vsel vm8, s17, v6;
	v7 =	vsel vm4, s16, v7;
	v9 =	vcombine.low v10, v63  }
0x5c: {  	v6 =	vperm.xlane v6, v2;
	v7 =	vsel vm8, s18, v7;
	v8 =	vperm.xlane v8, v1  }
0x5d: {  	v9 =	vperm.xlane v9, v1;
	v7 =	vperm.xlane v7, v2;
	_ =	sdelay $0x1  }
0x5e: {  	v6 =	vsel vm15, v6, v8;
	v7 =	vsel vm15, v7, v9  }
0x5f: {  	s11 =	smov.u32 s23;
	v6 =	vadd.s32 v6, v7  }
0x60: {  	v8 =	vor.u32 s11, v0;
	v6 =	vmul.u32 $0x3E8, v6;
	_ =	sdelay $0x1  }
0x61: {  	v5 =	vsub.s32 v5, v6  }
0x62: {  	s21 =	rddreg [dreg:$0x6];
	[tilespmem:v4+s24+$0x0] =	vst.idx.msk $0xffff, v5;
	v5 =	vsel vm9, $0x3F800000, v3  }
0x63: {  	[tilespmem:v4+s21+$0x0] =	vst.idx.msk $0xffff, v5  }
0x64: {  	v5 =	vld.idx.msk [tilespmem:v8+s24+$0x0], $0xffff;
	_ =	sdelay $0x4  }
0x65: {  	(v2sf) =	vpush v5, $0x2  }
0x66: {  	(v2sf) =	vpush v5, $0x1;
	_ =	sdelay $0x1  }
0x67: {  	(v2sf) =	vpush v5, $0x0;
	_ =	sdelay $0x1  }
0x68: {  	(v2sf) =	vpush v5, $0xE;
	_ =	sdelay $0x1  }
0x69: {  	(v2sf) =	vpush v5, $0x3  }
0x6a: {  	(v2sf) =	vpush v5, $0x4  }
0x6b: {  	(v2sf) =	vpush v5, $0x7  }
0x6c: {  	(v2sf) =	vpush v5, $0xC  }
0x6d: {  	(v2sf) =	vpush v5, $0x8  }
0x6e: {  	(v2sf) =	vpush v5, $0xF  }
0x6f: {  	(v2sf) =	vpush v5, $0xD  }
0x70: {  	(v2sf) =	vpush v5, $0xB  }
0x71: {  	s22 =	spop (v2sf)  }
0x72: {  	s24 =	spop (v2sf);
	s6 =	smulhi.u32 $0x10624DD3, s22  }
0x73: {  	s0 =	sshra.s32 s22, $0x1F;
	s1 =	smulhi.u32 $0x10624DD3, s24  }
0x74: {  	s26 =	spop (v2sf);
	s0 =	smul.u32 $0x10624DD3, s0  }
0x75: {  	(v2sf) =	vpush v5, $0x9;
	s25 =	sshra.s32 s24, $0x1F;
	s28 =	smulhi.u32 $0x10624DD3, s26  }
0x76: {  	s5 =	spop (v2sf);
	s3 =	smul.u32 $0x10624DD3, s25  }
0x77: {  	s4 =	sshra.s32 s26, $0x1F;
	s8 =	smulhi.u32 $0x10624DD3, s5  }
0x78: {  	s2 =	sshra.s32 s5, $0x1F;
	s10 =	spop (v2sf);
	s4 =	smul.u32 $0x10624DD3, s4  }
0x79: {  	(v2sf) =	vpush v5, $0x5;
	s9 =	spop (v2sf);
	s2 =	smul.u32 $0x10624DD3, s2  }
0x7a: {  	s13 =	sshra.s32 s10, $0x1F;
	s29 =	smulhi.u32 $0x10624DD3, s10;
	s21 =	spop (v2sf)  }
0x7b: {  	p0 =	sne.s32 s23, $0x1F0;
	(v2sf) =	vpush v5, $0xA;
	[dreg:$0x7] =	wrdreg s13;
	s15 =	spop (v2sf)  }
0x7c: {  	s14 =	sshra.s32 s9, $0x1F;
	s13 =	smulhi.u32 $0x10624DD3, s21;
	s18 =	spop (v2sf)  }
0x7d: {  	s12 =	sshra.s32 s21, $0x1F;
	s10 =	smul.u32 $0x10624DD3, s14;
	s22 =	spop (v2sf)  }
0x7e: {  	s23 =	sadd.s32 $0x10, s23;
	(v2sf) =	vpush v5, $0x6;
	s17 =	smul.u32 $0x10624DD3, s12;
	s19 =	spop (v2sf)  }
0x7f: {  	s6 =	sadd.s32 s0, s6;
	s20 =	smulhi.u32 $0x10624DD3, s22;
	s24 =	spop (v2sf)  }
0x80: {  	s28 =	sadd.s32 s4, s28;
	s26 =	sshra.s32 s24, $0x1F;
	s21 =	smulhi.u32 $0x10624DD3, s24  }
0x81: {  	s24 =	sadd.s32 s3, s1;
	s3 =	sshra.s32 s22, $0x1F;
	s22 =	smulhi.u32 $0x10624DD3, s18  }
0x82: {  	s2 =	sadd.s32 s2, s8;
	s5 =	sshra.s32 s15, $0x1F;
	s7 =	smul.u32 $0x10624DD3, s26  }
0x83: {  	s11 =	sshra.s32 s18, $0x1F;
	s30 =	sadd.s32 s17, s13;
	s1 =	smul.u32 $0x10624DD3, s3  }
0x84: {  	s25 =	sshra.s32 s19, $0x1F;
	s16 =	spop (v2sf);
	s26 =	smulhi.u32 $0x10624DD3, s9  }
0x85: {  	s31 =	sshra.s32 s30, $0x1F;
	s8 =	sshra.s32 s16, $0x1F;
	s3 =	smulhi.u32 $0x10624DD3, s15  }
0x86: {  	v6 =	vmov s31;
	s12 =	sshrl.u32 s24, $0x1F;
	s15 =	smulhi.u32 $0x10624DD3, s16;
	s16 =	sshra.s32 s28, $0x6  }
0x87: {  	v4 =	vmov v8;
	s14 =	sshra.s32 s24, $0x1F;
	v8 =	vsel vm3, s16, v6;
	s16 =	sshra.s32 s28, $0x1F;
	s21 =	sadd.s32 s7, s21  }
0x88: {  	s0 =	sadd.s32 s1, s20;
	s26 =	sadd.s32 s10, s26;
	s18 =	spop (v2sf)  }
0x89: {  	s31 =	smov.u32 s21;
	s7 =	smulhi.u32 $0x10624DD3, s18;
	s9 =	sshra.s32 s18, $0x1F  }
0x8a: {  	s21 =	smov.u32 s11;
	s17 =	spop (v2sf);
	s9 =	smul.u32 $0x10624DD3, s9  }
.Ltmp0:
0x8b: {  	s18 =	sshrl.u32 s28, $0x1F;
	s28 =	sshra.s32 s6, $0x6;
	(pc) =	sbr.rel @p0 .LBB2_2-.Ltmp0, $4  }
0x8c: {  	s13 =	sshra.s32 s17, $0x1F;
	v7 =	vmov s18;
	s18 =	rddreg [dreg:$0x7];
	s11 =	smulhi.u32 $0x10624DD3, s17  }
0x8d: {  	s17 =	sshra.s32 s24, $0x6;
	s20 =	spop (v2sf);
	s18 =	smul.u32 $0x10624DD3, s18  }
0x8e: {  	s24 =	simm.s32 $0x400;
	s1 =	sshra.s32 s20, $0x1F;
	s10 =	smulhi.u32 $0x10624DD3, s20  }
0x8f: {  	vm9 =	vlt.s32 v5, $0x3E8;
	v6 =	vnsel vm3, $0x0, v7;
	v7 =	vsel vm10, s16, v8;
	s20 =	sshra.s32 s2, $0x6;
	s4 =	smul.u32 $0x10624DD3, s1;
	s1 =	sshrl.u32 s6, $0x1F  }
0x90: {  	s5 =	smul.u32 $0x10624DD3, s5  }
0x91: {  	s8 =	smul.u32 $0x10624DD3, s8  }
0x92: {  	s16 =	sadd.s32 s18, s29;
	s18 =	smul.u32 $0x10624DD3, s13  }
0x93: {  	v7 =	vsel vm0, s17, v7;
	s6 =	sshra.s32 s6, $0x1F;
	s7 =	sadd.s32 s9, s7;
	s29 =	smulhi.u32 $0x10624DD3, s19  }
0x94: {  	v6 =	vsel vm0, s12, v6;
	v7 =	vsel vm11, s14, v7;
	s3 =	sadd.s32 s5, s3;
	s5 =	sadd.s32 s8, s15;
	s15 =	smul.u32 $0x10624DD3, s25  }
0x95: {  	s17 =	sshra.s32 s16, $0x6;
	v6 =	vsel vm1, s1, v6;
	s23 =	sshrl.u32 s16, $0x1F;
	v7 =	vsel vm1, s28, v7;
	s25 =	smul.u32 $0x10624DD3, s21  }
0x96: {  	s1 =	sadd.s32 s4, s10;
	s13 =	sshra.s32 s16, $0x1F;
	v6 =	vsel vm2, s23, v6;
	s28 =	sshrl.u32 s26, $0x1F;
	v7 =	vsel vm12, s6, v7  }
0x97: {  	s14 =	sshrl.u32 s7, $0x1F;
	vm11 =	vcmask $0x1F1C;
	s16 =	sshrl.u32 s1, $0x1F;
	v6 =	vsel vm5, s28, v6;
	v7 =	vsel vm2, s17, v7;
	s12 =	sadd.s32 s25, s22  }
0x98: {  	s8 =	sadd.s32 s15, s29;
	v6 =	vsel vm6, s14, v6;
	s17 =	sshrl.u32 s3, $0x1F;
	s3 =	sshra.s32 s3, $0x6;
	v7 =	vsel vm11, s13, v7  }
0x99: {  	s15 =	sshra.s32 s26, $0x6;
	v6 =	vsel vm7, s16, v6;
	s19 =	sshrl.u32 s12, $0x1F;
	v8 =	vmov s17;
	s9 =	sshra.s32 s12, $0x6;
	v11 =	vmov s3  }
0x9a: {  	s4 =	sadd.s32 s18, s11;
	s25 =	sshrl.u32 s8, $0x1F;
	s28 =	sshra.s32 s8, $0x6;
	v7 =	vsel vm5, s15, v7;
	v9 =	vmov s19;
	v10 =	vmov s9  }
0x9b: {  	s18 =	sshra.s32 s26, $0x1F;
	s21 =	sshrl.u32 s5, $0x1F;
	s26 =	sshra.s32 s5, $0x6;
	vm5 =	vcmask $0x2F2C;
	v8 =	vsel vm0, s25, v8;
	v11 =	vsel vm0, s28, v11  }
0x9c: {  	s2 =	sshrl.u32 s2, $0x1F;
	s22 =	sshra.s32 s7, $0x6;
	v7 =	vsel vm14, s18, v7;
	v9 =	vsel vm0, s21, v9;
	v10 =	vsel vm0, s26, v10  }
0x9d: {  	s6 =	sshrl.u32 s0, $0x1F;
	s29 =	sshrl.u32 s4, $0x1F;
	s4 =	sshra.s32 s4, $0x6;
	v8 =	vsel vm1, s2, v8;
	v11 =	vsel vm1, s20, v11;
	v7 =	vsel vm6, s22, v7  }
0x9e: {  	s23 =	sshra.s32 s7, $0x1F;
	s7 =	sshrl.u32 s31, $0x1F;
	s8 =	sshra.s32 s0, $0x6;
	v10 =	vsel vm1, s4, v10;
	v9 =	vsel vm1, s29, v9;
	v8 =	vsel vm2, s6, v8  }
0x9f: {  	s5 =	sshra.s32 s1, $0x6;
	s9 =	sshra.s32 s31, $0x6;
	v62 =	vsel vm2, s8, v11;
	v7 =	vsel vm5, s23, v7;
	v9 =	vsel vm2, s7, v9  }
0xa0: {  	s10 =	sshrl.u32 s30, $0x1F;
	s1 =	sshra.s32 s1, $0x1F;
	v10 =	vsel vm2, s9, v10;
	v7 =	vsel vm7, s5, v7;
	v8 =	vcombine.low v9, v8  }
0xa1: {  	s11 =	sshra.s32 s30, $0x6;
	v6 =	vsel vm8, s10, v6;
	v9 =	vcombine.low v10, v62;
	v7 =	vsel vm4, s1, v7  }
0xa2: {  	v6 =	vperm.xlane v6, v2;
	v7 =	vsel vm8, s11, v7;
	v8 =	vperm.xlane v8, v1  }
0xa3: {  	v9 =	vperm.xlane v9, v1;
	v7 =	vperm.xlane v7, v2;
	_ =	sdelay $0x1  }
0xa4: {  	v6 =	vsel vm15, v6, v8;
	v7 =	vsel vm15, v7, v9  }
0xa5: {  	v6 =	vadd.s32 v6, v7  }
0xa6: {  	v6 =	vmul.u32 $0x3E8, v6;
	_ =	sdelay $0x1  }
0xa7: {  	s14 =	rddreg [dreg:$0x8];
	v5 =	vsub.s32 v5, v6  }
0xa8: {  	v63 =	vsel vm9, $0x3F800000, v3;
	s12 =	rddreg [dreg:$0x6];
	[tilespmem:v4+s24+$0x0] =	vst.idx.msk $0xffff, v5  }
0xa9: {  	s13 =	simm.s32 $0x0;
	s15 =	simm.s32 $0x800;
	s8 =	simm.s32 $0x200;
	[tilespmem:v4+s12+$0x0] =	vst.idx.msk $0xffff, v63  }
0xaa: {  	[tilespmem:s15], [sflag:$0x1] =	stream.indirect.gather [hbm4b:s14+s8], $0x1, s13, s8, $0xb8;
	[tilespmem:$0x1C700] =	vst v63  }
0xab: {  	s16 =	simm.s32 $0x4800  }
0xac: {  	[tilespmem:s16], [sflag:$0x1] =	stream.indirect.gather [hbm4b:s14+s8], $0x1, s8, s8, $0xb8;
	[tilespmem:$0x1C700] =	vst v63  }
0xad: {  	s17 =	rddreg [dreg:$0x9];
	s18 =	simm.s32 $0x8800  }
0xae: {  	[tilespmem:s18], [sflag:$0x1] =	stream.indirect.gather [hbm4b:s17+s8], $0x1, s13, s8, $0xb8;
	[tilespmem:$0x1C700] =	vst v63  }
0xaf: {  	s19 =	simm.s32 $0xC800  }
0xb0: {  	[tilespmem:s19], [sflag:$0x1] =	stream.indirect.gather [hbm4b:s17+s8], $0x1, s8, s8, $0xb8;
	[tilespmem:$0x1C700] =	vst v63  }
0xb1: {  	s20 =	rddreg [dreg:$0xa];
	s21 =	simm.s32 $0x10800  }
0xb2: {  	[tilespmem:s21], [sflag:$0x1] =	stream.indirect.gather [hbm4b:s20+s8], $0x1, s24, s8, $0xb8;
	[tilespmem:$0x1C700] =	vst v63  }
0xb3: {  	s22 =	simm.s32 $0xA00;
	s9 =	simm.s32 $0x0;
	s23 =	rddreg [dreg:$0x10]  }
0xb4: {  	[tilespmem:s22], [sflag:$0x1] =	stream.indirect.gather [hbm4b:s23+s8], $0x1, s9, s8, $0xb8;
	[tilespmem:$0x1C700] =	vst v63  }
0xb5: {  	s25 =	simm.s32 $0x4A00  }
0xb6: {  	[tilespmem:s25], [sflag:$0x1] =	stream.indirect.gather [hbm4b:s23+s8], $0x1, s8, s8, $0xb8;
	[tilespmem:$0x1C700] =	vst v63  }
0xb7: {  	s28 =	rddreg [dreg:$0x12];
	s26 =	simm.s32 $0x8A00  }
0xb8: {  	[tilespmem:s26], [sflag:$0x1] =	stream.indirect.gather [hbm4b:s28+s8], $0x1, s9, s8, $0xb8;
	[tilespmem:$0x1C700] =	vst v63  }
0xb9: {  	s29 =	simm.s32 $0xCA00  }
0xba: {  	[tilespmem:s29], [sflag:$0x1] =	stream.indirect.gather [hbm4b:s28+s8], $0x1, s8, s8, $0xb8;
	[tilespmem:$0x1C700] =	vst v63  }
0xbb: {  	s30 =	simm.s32 $0x10A00;
	s31 =	rddreg [dreg:$0x13];
	s10 =	simm.s32 $0x1  }
0xbc: {  	[tilespmem:s30], [sflag:$0x1] =	stream.indirect.gather [hbm4b:s31+s8], $0x1, s24, s8, $0xb8;
	[tilespmem:$0x1C700] =	vst v63  }
0xbd: {  	_ =	swait.ge [sflag:s10], $0x200  }
0xbe: {  	[sflag:s10] =	ssyncset.done $0x0  }
0xbf: {  	[sflag:s10] =	ssyncadd.s32 $0xFFFFFE00  }
0xc0: {  	_ =	swait.ge [sflag:s10], $0x200  }
0xc1: {  	[sflag:s10] =	ssyncset.done $0x0  }
0xc2: {  	[sflag:s10] =	ssyncadd.s32 $0xFFFFFE00  }
0xc3: {  	_ =	swait.ge [sflag:s10], $0x200  }
0xc4: {  	[sflag:s10] =	ssyncset.done $0x0  }
0xc5: {  	[sflag:s10] =	ssyncadd.s32 $0xFFFFFE00  }
0xc6: {  	_ =	swait.ge [sflag:s10], $0x200  }
0xc7: {  	[sflag:s10] =	ssyncset.done $0x0  }
0xc8: {  	s2 =	sadd.s32 $0x1E848, s28;
	[sflag:s10] =	ssyncadd.s32 $0xFFFFFE00  }
0xc9: {  	s0 =	sadd.s32 $0x7D, s31;
	s4 =	simm.s32 $0x200;
	_ =	swait.ge [sflag:s10], $0x200  }
0xca: {  	s3 =	sadd.s32 $0x1E848, s23;
	s1 =	simm.s32 $0x1000;
	[sflag:s10] =	ssyncset.done $0x0  }
.LBB2_4:
0xcb: {  	s5 =	sadd.s32 $0xA00, s4  }
0xcc: {  	[sflag:s10] =	ssyncadd.s32 $0xFFFFFE00;
	s6 =	smov.u32 s1;
	s7 =	sadd.s32 $0x800, s1  }
0xcd: {  	[tilespmem:s5], [sflag:$0x1] =	stream.indirect.gather [hbm4b:s3+s8], $0x1, s9, s8, $0xb8;
	[tilespmem:$0x1C700] =	vst v63  }
0xce: {  	p0 =	sne.s32 s1, $0xF000;
	s1 =	sadd.s32 $0x4A00, s4  }
0xcf: {  	[tilespmem:s1], [sflag:$0x1] =	stream.indirect.gather [hbm4b:s3+s8], $0x1, s8, s8, $0xb8;
	[tilespmem:$0x1C700] =	vst v63  }
0xd0: {  	s1 =	sadd.s32 $0x8A00, s4  }
0xd1: {  	[tilespmem:s1], [sflag:$0x1] =	stream.indirect.gather [hbm4b:s2+s8], $0x1, s9, s8, $0xb8;
	[tilespmem:$0x1C700] =	vst v63  }
0xd2: {  	s1 =	sadd.s32 $0xCA00, s4  }
0xd3: {  	[tilespmem:s1], [sflag:$0x1] =	stream.indirect.gather [hbm4b:s2+s8], $0x1, s8, s8, $0xb8;
	[tilespmem:$0x1C700] =	vst v63  }
0xd4: {  	s1 =	sadd.s32 $0x10A00, s4  }
0xd5: {  	[tilespmem:s1], [sflag:$0x1] =	stream.indirect.gather [hbm4b:s0+s8], $0x1, s24, s8, $0xb8;
	[tilespmem:$0x1C700] =	vst v63  }
0xd6: {  	_ =	swait.ge [sflag:s10], $0x200  }
0xd7: {  	[sflag:s10] =	ssyncset.done $0x0  }
0xd8: {  	[sflag:s10] =	ssyncadd.s32 $0xFFFFFE00  }
0xd9: {  	_ =	swait.ge [sflag:s10], $0x200  }
0xda: {  	[sflag:s10] =	ssyncset.done $0x0  }
0xdb: {  	[sflag:s10] =	ssyncadd.s32 $0xFFFFFE00  }
0xdc: {  	_ =	swait.ge [sflag:s10], $0x200  }
0xdd: {  	[sflag:s10] =	ssyncset.done $0x0  }
0xde: {  	[sflag:s10] =	ssyncadd.s32 $0xFFFFFE00  }
.Ltmp1:
0xdf: {  	_ =	swait.ge [sflag:s10], $0x200;
	(pc) =	sbr.rel @p0 .LBB2_4-.Ltmp1, $4  }
0xe0: {  	[sflag:s10] =	ssyncset.done $0x0  }
0xe1: {  	s3 =	sadd.s32 $0x1E848, s3;
	[sflag:s10] =	ssyncadd.s32 $0xFFFFFE00  }
0xe2: {  	s2 =	sadd.s32 $0x1E848, s2;
	s0 =	sadd.s32 $0x7D, s0;
	_ =	swait.ge [sflag:s10], $0x200  }
0xe3: {  	s4 =	sshra.s32 s6, $0x2;
	s1 =	smov.u32 s7;
	[sflag:s10] =	ssyncset.done $0x0  }
0xe4: {  	s1 =	sadd.s32 $0xA00, s4;
	[sflag:s10] =	ssyncadd.s32 $0xFFFFFE00  }
0xe5: {  	[tilespmem:s1], [sflag:$0x1] =	stream.indirect.gather [hbm4b:s3+s8], $0x1, s9, s8, $0xb8;
	[tilespmem:$0x1C700] =	vst v63  }
0xe6: {  	s25 =	sadd.s32 $0x4A00, s4  }
0xe7: {  	[tilespmem:s25], [sflag:$0x1] =	stream.indirect.gather [hbm4b:s3+s8], $0x1, s8, s8, $0xb8;
	[tilespmem:$0x1C700] =	vst v63  }
0xe8: {  	s26 =	sadd.s32 $0x8A00, s4  }
0xe9: {  	[tilespmem:s26], [sflag:$0x1] =	stream.indirect.gather [hbm4b:s2+s8], $0x1, s9, s8, $0xb8;
	[tilespmem:$0x1C700] =	vst v63  }
0xea: {  	s28 =	sadd.s32 $0xCA00, s4  }
0xeb: {  	[tilespmem:s28], [sflag:$0x1] =	stream.indirect.gather [hbm4b:s2+s8], $0x1, s8, s8, $0xb8;
	[tilespmem:$0x1C700] =	vst v63  }
0xec: {  	s30 =	sadd.s32 $0x10A00, s4  }
0xed: {  	[tilespmem:s30], [sflag:$0x1] =	stream.indirect.gather [hbm4b:s0+s8], $0x1, s24, s8, $0xb8;
	[tilespmem:$0x1C700] =	vst v63  }
0xee: {  	_ =	swait.ge [sflag:s10], $0x200  }
0xef: {  	[sflag:s10] =	ssyncset.done $0x0  }
0xf0: {  	[sflag:s10] =	ssyncadd.s32 $0xFFFFFE00  }
0xf1: {  	_ =	swait.ge [sflag:s10], $0x200  }
0xf2: {  	[sflag:s10] =	ssyncset.done $0x0  }
0xf3: {  	[sflag:s10] =	ssyncadd.s32 $0xFFFFFE00  }
0xf4: {  	_ =	swait.ge [sflag:s10], $0x200  }
0xf5: {  	[sflag:s10] =	ssyncset.done $0x0  }
0xf6: {  	[sflag:s10] =	ssyncadd.s32 $0xFFFFFE00  }
0xf7: {  	_ =	swait.ge [sflag:s10], $0x200  }
0xf8: {  	[sflag:s10] =	ssyncset.done $0x0  }
0xf9: {  	[sflag:s10] =	ssyncadd.s32 $0xFFFFFE00  }
0xfa: {  	_ =	swait.ge [sflag:s10], $0x200  }
0xfb: {  	[sflag:s10] =	ssyncset.done $0x0  }
0xfc: {  	[sflag:s10] =	ssyncadd.s32 $0xFFFFFE00  }
0xfd: {  	_ =	swait.ge [sflag:s10], $0x200  }
0xfe: {  	[sflag:s10] =	ssyncset.done $0x0  }
0xff: {  	[sflag:s10] =	ssyncadd.s32 $0xFFFFFE00  }
0x100: {  	_ =	swait.ge [sflag:s10], $0x200  }
0x101: {  	[sflag:s10] =	ssyncset.done $0x0  }
0x102: {  	[sflag:s10] =	ssyncadd.s32 $0xFFFFFE00  }
0x103: {  	_ =	swait.ge [sflag:s10], $0x200  }
0x104: {  	[sflag:s10] =	ssyncset.done $0x0  }
0x105: {  	[sflag:s10] =	ssyncadd.s32 $0xFFFFFE00  }
0x106: {  	_ =	swait.ge [sflag:s10], $0x200  }
0x107: {  	[sflag:s10] =	ssyncset.done $0x0  }
0x108: {  	[sflag:s10] =	ssyncadd.s32 $0xFFFFFE00  }
0x109: {  	_ =	swait.ge [sflag:s10], $0x200  }
0x10a: {  	[sflag:s10] =	ssyncset.done $0x0  }
0x10b: {  	s31 =	simm.s32 $0x2;
	[sflag:s10] =	ssyncadd.s32 $0xFFFFFE00  }
0x10c: {  	_ =	swait.ge [sflag:s31], $0x7D00  }
0x10d: {  	[sflag:s31] =	ssyncset.done $0x0  }
0x10e: {  	s29 =	simm.s32 $0x0;
	s2 =	simm.s32 $0x14800;
	[sflag:s31] =	ssyncadd.s32 $0xFFFF8300  }
.LBB2_6:
0x10f: {  	s30 =	sshra.s32 s29, $0x2  }
0x110: {  	v4 =	vld [tilespmem:s30+$0x400]  }
0x111: {  	v5 =	vld [tilespmem:s30+$0x800]  }
0x112: {  	v6 =	vld [tilespmem:s30+$0x4800]  }
0x113: {  	v7 =	vld [tilespmem:s30+$0x10800]  }
0x114: {  	v16 =	vld [tilespmem:s30+$0xA00]  }
0x115: {  	v19 =	vld [tilespmem:s30+$0x4A00]  }
0x116: {  	v22 =	vld [tilespmem:s30+$0x10A00]  }
0x117: {  	v24 =	vld [tilespmem:s30+$0xCA00];
	v12 =	vmul.f32 v5, v5  }
0x118: {  	v28 =	vld [tilespmem:s30+$0xC00];
	v13 =	vmul.f32 v6, v6;
	v14 =	vmul.f32 v7, v7  }
0x119: {  	v47 =	vld [tilespmem:s30+$0x4C00];
	v15 =	vmul.f32 v6, v5;
	v18 =	vmul.f32 v7, v5  }
0x11a: {  	v49 =	vld [tilespmem:s30+$0x10C00];
	v21 =	vmul.f32 v7, v6;
	v43 =	vmul.f32 v16, v16  }
0x11b: {  	v25 =	vmul.f32 v19, v19;
	v26 =	vmul.f32 v22, v22  }
0x11c: {  	v27 =	vmul.f32 v19, v16;
	v46 =	vmul.f32 v22, v16  }
0x11d: {  	v10 =	vadd.s32 $0x3E8, v4;
	v50 =	vmul.f32 v22, v19;
	v52 =	vmul.f32 v24, v19  }
0x11e: {  	v61 =	vld [tilespmem:s30+$0xE00];
	v44 =	vadd.s32 $0x7D0, v4;
	v54 =	vmul.f32 v28, v28;
	v55 =	vmul.f32 v47, v47  }
0x11f: {  	v63 =	vld [tilespmem:s30+$0x4E00];
	v56 =	vadd.s32 $0xBB8, v4;
	v58 =	vmul.f32 v49, v49;
	v15 =	vadd.f32 $0.0e+00, v15  }
0x120: {  	v60 =	vmul.f32 v47, v28;
	v18 =	vadd.f32 $0.0e+00, v18;
	v40 =	vadd.f32 $0.0e+00, v21  }
0x121: {  	v62 =	vmul.f32 v49, v28;
	v12 =	vadd.f32 v43, v12;
	v13 =	vadd.f32 v25, v13  }
0x122: {  	v33 =	vmul.f32 v49, v47;
	v14 =	vadd.f32 v26, v14;
	v8 =	vld.idx.msk [tilespmem:v4+s2+$0x0], $0xffff;
	v15 =	vadd.f32 v27, v15  }
0x123: {  	v9 =	vld [tilespmem:s30+$0x8800];
	v37 =	vmul.f32 v61, v61;
	v18 =	vadd.f32 v46, v18;
	v51 =	vadd.f32 v50, v40  }
0x124: {  	v11 =	vld [tilespmem:s30+$0xC800];
	v43 =	vmul.f32 v63, v61;
	v12 =	vadd.f32 v54, v12;
	v13 =	vadd.f32 v55, v13  }
0x125: {  	v42 =	vld [tilespmem:s30+$0x8A00];
	v14 =	vadd.f32 v58, v14;
	v40 =	vmul.f32 v63, v63;
	v15 =	vadd.f32 v60, v15  }
0x126: {  	v46 =	vld [tilespmem:s30+$0x5000];
	v55 =	vadd.s32 $0x1388, v4;
	v18 =	vadd.f32 v62, v18;
	v12 =	vadd.f32 v37, v12  }
0x127: {  	v38 =	vld.idx.msk [tilespmem:v10+s2+$0x0], $0xffff;
	v13 =	vadd.f32 v40, v13;
	v17 =	vmul.f32 v8, v8;
	v20 =	vmul.f32 v8, v5  }
0x128: {  	v37 =	vadd.s32 $0x1770, v4;
	v23 =	vmul.f32 v8, v6;
	v7 =	vmul.f32 v8, v7  }
0x129: {  	v21 =	vld.idx.msk [tilespmem:v56+s2+$0x0], $0xffff;
	v5 =	vmul.f32 v9, v5;
	v6 =	vmul.f32 v11, v6;
	v15 =	vadd.f32 v43, v15  }
0x12a: {  	v34 =	vld [tilespmem:s30+$0x10E00];
	v11 =	vmul.f32 v42, v16;
	v39 =	vadd.f32 $0.0e+00, v20;
	v41 =	vadd.f32 $0.0e+00, v23  }
0x12b: {  	v53 =	vld [tilespmem:s30+$0x8C00];
	v54 =	vmul.f32 v46, v46;
	v7 =	vadd.f32 $0.0e+00, v7;
	v5 =	vadd.f32 $0.0e+00, v5  }
0x12c: {  	v57 =	vld [tilespmem:s30+$0xCC00];
	v6 =	vadd.f32 $0.0e+00, v6;
	v45 =	vmul.f32 v38, v38;
	v48 =	vmul.f32 v38, v16  }
0x12d: {  	v36 =	vld [tilespmem:s30+$0x8E00];
	v29 =	vmul.f32 v38, v19;
	v8 =	vmul.f32 v38, v22;
	v16 =	vadd.f32 v33, v51  }
0x12e: {  	v60 =	vld [tilespmem:s30+$0x1200];
	v38 =	vadd.s32 $0xFA0, v4;
	v42 =	vmul.f32 v21, v21;
	v50 =	vmul.f32 v21, v63  }
0x12f: {  	v23 =	vld.idx.msk [tilespmem:v44+s2+$0x0], $0xffff;
	v51 =	vmul.f32 v21, v34;
	v13 =	vadd.f32 v54, v13;
	v17 =	vadd.f32 v45, v17  }
0x130: {  	v54 =	vadd.s32 $0x1B58, v4;
	v10 =	vadd.f32 v48, v39;
	v9 =	vadd.f32 v29, v41  }
0x131: {  	v7 =	vadd.f32 v8, v7;
	v5 =	vadd.f32 v11, v5;
	v11 =	vmul.f32 v53, v28  }
0x132: {  	v44 =	vld [tilespmem:s30+$0x1000];
	v6 =	vadd.f32 v52, v6;
	v8 =	vmul.f32 v57, v47;
	v41 =	vmul.f32 v34, v34  }
0x133: {  	v33 =	vld [tilespmem:s30+$0x11200];
	v45 =	vmul.f32 v34, v61;
	v5 =	vadd.f32 v11, v5;
	v11 =	vmul.f32 v36, v61  }
0x134: {  	v39 =	vld [tilespmem:s30+$0xCE00];
	v6 =	vadd.f32 v8, v6;
	v36 =	vmul.f32 v60, v60;
	v59 =	vmul.f32 v23, v23  }
0x135: {  	v48 =	vld [tilespmem:s30+$0x11000];
	v14 =	vadd.f32 v41, v14;
	v32 =	vmul.f32 v23, v28;
	v35 =	vmul.f32 v23, v47  }
0x136: {  	v18 =	vadd.f32 v45, v18;
	v23 =	vmul.f32 v23, v49;
	v47 =	vmul.f32 v21, v61  }
0x137: {  	v52 =	vld [tilespmem:s30+$0x9000];
	v49 =	vmul.f32 v34, v63;
	v53 =	vmul.f32 v44, v44;
	v5 =	vadd.f32 v11, v5  }
0x138: {  	v62 =	vld [tilespmem:s30+$0x5200];
	v40 =	vmul.f32 v33, v33;
	v17 =	vadd.f32 v59, v17;
	v10 =	vadd.f32 v32, v10  }
0x139: {  	v43 =	vld [tilespmem:s30+$0x1400];
	v9 =	vadd.f32 v35, v9;
	v7 =	vadd.f32 v23, v7;
	v8 =	vmul.f32 v39, v63  }
0x13a: {  	v56 =	vld [tilespmem:s30+$0xD000];
	v16 =	vadd.f32 v49, v16;
	v57 =	vmul.f32 v48, v48;
	v59 =	vmul.f32 v46, v44  }
0x13b: {  	v45 =	vld [tilespmem:s30+$0x5400];
	v12 =	vadd.f32 v53, v12;
	v61 =	vmul.f32 v48, v44;
	v32 =	vmul.f32 v48, v46  }
0x13c: {  	v22 =	vld.idx.msk [tilespmem:v38+s2+$0x0], $0xffff;
	v11 =	vmul.f32 v52, v44;
	v17 =	vadd.f32 v42, v17;
	v10 =	vadd.f32 v47, v10  }
0x13d: {  	v39 =	vmul.f32 v62, v62;
	v9 =	vadd.f32 v50, v9;
	v7 =	vadd.f32 v51, v7  }
0x13e: {  	v21 =	vld.idx.msk [tilespmem:v55+s2+$0x0], $0xffff;
	v52 =	vmul.f32 v43, v43;
	v6 =	vadd.f32 v8, v6;
	v14 =	vadd.f32 v57, v14  }
0x13f: {  	v15 =	vadd.f32 v59, v15;
	v18 =	vadd.f32 v61, v18;
	v8 =	vmul.f32 v56, v46  }
0x140: {  	v16 =	vadd.f32 v32, v16;
	v42 =	vmul.f32 v62, v60;
	v53 =	vmul.f32 v45, v45  }
0x141: {  	v5 =	vadd.f32 v11, v5;
	v58 =	vmul.f32 v22, v22;
	v63 =	vmul.f32 v22, v44  }
0x142: {  	v38 =	vld [tilespmem:s30+$0xD200];
	v12 =	vadd.f32 v36, v12;
	v34 =	vmul.f32 v22, v46;
	v22 =	vmul.f32 v22, v48  }
0x143: {  	v13 =	vadd.f32 v39, v13;
	v41 =	vmul.f32 v21, v21;
	v44 =	vmul.f32 v33, v60  }
0x144: {  	v35 =	vld [tilespmem:s30+$0x9200];
	v36 =	vadd.s32 $0x1F40, v4;
	v46 =	vmul.f32 v21, v60;
	v48 =	vmul.f32 v33, v62  }
0x145: {  	v55 =	vld [tilespmem:s30+$0xD400];
	v49 =	vmul.f32 v21, v62;
	v6 =	vadd.f32 v8, v6;
	v14 =	vadd.f32 v40, v14  }
0x146: {  	v47 =	vld [tilespmem:s30+$0x11400];
	v50 =	vmul.f32 v21, v33;
	v15 =	vadd.f32 v42, v15;
	v12 =	vadd.f32 v52, v12  }
0x147: {  	v51 =	vld [tilespmem:s30+$0x9400];
	v8 =	vmul.f32 v38, v62;
	v13 =	vadd.f32 v53, v13;
	v17 =	vadd.f32 v58, v17  }
0x148: {  	v59 =	vld [tilespmem:s30+$0x1600];
	v53 =	vadd.s32 $0x2328, v4;
	v10 =	vadd.f32 v63, v10;
	v9 =	vadd.f32 v34, v9  }
0x149: {  	v61 =	vld [tilespmem:s30+$0x5600];
	v7 =	vadd.f32 v22, v7;
	v18 =	vadd.f32 v44, v18;
	v11 =	vmul.f32 v35, v60  }
0x14a: {  	v32 =	vld [tilespmem:s30+$0x11600];
	v16 =	vadd.f32 v48, v16;
	v58 =	vmul.f32 v45, v43;
	v6 =	vadd.f32 v8, v6  }
0x14b: {  	v21 =	vld.idx.msk [tilespmem:v54+s2+$0x0], $0xffff;
	v8 =	vmul.f32 v55, v45;
	v17 =	vadd.f32 v41, v17;
	v10 =	vadd.f32 v46, v10  }
0x14c: {  	v9 =	vadd.f32 v49, v9;
	v56 =	vmul.f32 v47, v47;
	v60 =	vmul.f32 v47, v43  }
0x14d: {  	v42 =	vld [tilespmem:s30+$0x1800];
	v5 =	vadd.f32 v11, v5;
	v63 =	vmul.f32 v47, v45;
	v11 =	vmul.f32 v51, v43  }
0x14e: {  	v22 =	vld.idx.msk [tilespmem:v37+s2+$0x0], $0xffff;
	v7 =	vadd.f32 v50, v7;
	v35 =	vmul.f32 v59, v59;
	v38 =	vmul.f32 v61, v61  }
0x14f: {  	v15 =	vadd.f32 v58, v15;
	v39 =	vmul.f32 v32, v32;
	v41 =	vmul.f32 v61, v59  }
0x150: {  	v6 =	vadd.f32 v8, v6;
	v40 =	vmul.f32 v21, v21;
	v48 =	vmul.f32 v21, v61  }
0x151: {  	v34 =	vld [tilespmem:s30+$0x9600];
	v49 =	vmul.f32 v21, v32;
	v14 =	vadd.f32 v56, v14;
	v18 =	vadd.f32 v60, v18  }
0x152: {  	v37 =	vld [tilespmem:s30+$0xD600];
	v16 =	vadd.f32 v63, v16;
	v5 =	vadd.f32 v11, v5;
	v51 =	vmul.f32 v42, v42  }
0x153: {  	v44 =	vld [tilespmem:s30+$0x5800];
	v12 =	vadd.f32 v35, v12;
	v57 =	vmul.f32 v22, v22;
	v62 =	vmul.f32 v22, v43  }
0x154: {  	v13 =	vadd.f32 v38, v13;
	v33 =	vmul.f32 v22, v45;
	v22 =	vmul.f32 v22, v47  }
0x155: {  	v15 =	vadd.f32 v41, v15;
	v43 =	vmul.f32 v32, v59;
	v45 =	vmul.f32 v21, v59  }
0x156: {  	v46 =	vld [tilespmem:s30+$0x11800];
	v47 =	vmul.f32 v32, v61;
	v11 =	vmul.f32 v34, v59;
	v14 =	vadd.f32 v39, v14  }
0x157: {  	v8 =	vmul.f32 v37, v61;
	v12 =	vadd.f32 v51, v12;
	v17 =	vadd.f32 v57, v17  }
0x158: {  	v50 =	vld [tilespmem:s30+$0x9800];
	v52 =	vmul.f32 v44, v44;
	v10 =	vadd.f32 v62, v10;
	v9 =	vadd.f32 v33, v9  }
0x159: {  	v54 =	vld [tilespmem:s30+$0xD800];
	v34 =	vadd.s32 $0x2710, v4;
	v7 =	vadd.f32 v22, v7;
	v18 =	vadd.f32 v43, v18  }
0x15a: {  	v58 =	vld [tilespmem:s30+$0x1A00];
	v51 =	vadd.s32 $0x2AF8, v4;
	v16 =	vadd.f32 v47, v16;
	v5 =	vadd.f32 v11, v5  }
0x15b: {  	v60 =	vld [tilespmem:s30+$0x5A00];
	v6 =	vadd.f32 v8, v6;
	v55 =	vmul.f32 v46, v46;
	v57 =	vmul.f32 v44, v42  }
0x15c: {  	v63 =	vld [tilespmem:s30+$0x11A00];
	v13 =	vadd.f32 v52, v13;
	v59 =	vmul.f32 v46, v42;
	v62 =	vmul.f32 v46, v44  }
0x15d: {  	v35 =	vld [tilespmem:s30+$0xDA00];
	v11 =	vmul.f32 v50, v42;
	v17 =	vadd.f32 v40, v17;
	v10 =	vadd.f32 v45, v10  }
0x15e: {  	v21 =	vld.idx.msk [tilespmem:v53+s2+$0x0], $0xffff;
	v8 =	vmul.f32 v54, v44;
	v9 =	vadd.f32 v48, v9;
	v7 =	vadd.f32 v49, v7  }
0x15f: {  	v32 =	vld [tilespmem:s30+$0x9A00];
	v33 =	vmul.f32 v58, v58;
	v14 =	vadd.f32 v55, v14;
	v15 =	vadd.f32 v57, v15  }
0x160: {  	v22 =	vld.idx.msk [tilespmem:v36+s2+$0x0], $0xffff;
	v18 =	vadd.f32 v59, v18;
	v16 =	vadd.f32 v62, v16;
	v36 =	vmul.f32 v60, v60  }
0x161: {  	v5 =	vadd.f32 v11, v5;
	v37 =	vmul.f32 v63, v63;
	v39 =	vmul.f32 v60, v58  }
0x162: {  	v6 =	vadd.f32 v8, v6;
	v41 =	vmul.f32 v63, v58;
	v45 =	vmul.f32 v63, v60  }
0x163: {  	v12 =	vadd.f32 v33, v12;
	v8 =	vmul.f32 v35, v60;
	v38 =	vmul.f32 v21, v21  }
0x164: {  	v40 =	vld [tilespmem:s30+$0x1C00];
	v43 =	vmul.f32 v21, v58;
	v47 =	vmul.f32 v21, v63;
	v13 =	vadd.f32 v36, v13  }
0x165: {  	v48 =	vld [tilespmem:s30+$0x9C00];
	v11 =	vmul.f32 v32, v58;
	v14 =	vadd.f32 v37, v14;
	v15 =	vadd.f32 v39, v15  }
0x166: {  	v58 =	vld [tilespmem:s30+$0x5E00];
	v32 =	vadd.s32 $0x2EE0, v4;
	v18 =	vadd.f32 v41, v18;
	v16 =	vadd.f32 v45, v16  }
0x167: {  	v6 =	vadd.f32 v8, v6;
	v56 =	vmul.f32 v22, v22;
	v61 =	vmul.f32 v22, v42;
	v42 =	vld [tilespmem:s30+$0x5C00]  }
0x168: {  	v31 =	vmul.f32 v22, v44;
	v22 =	vmul.f32 v22, v46;
	v44 =	vld [tilespmem:s30+$0x11C00];
	v5 =	vadd.f32 v11, v5  }
0x169: {  	v52 =	vld [tilespmem:s30+$0xDC00];
	v46 =	vmul.f32 v21, v60;
	v17 =	vadd.f32 v56, v17;
	v10 =	vadd.f32 v61, v10  }
0x16a: {  	v21 =	vld.idx.msk [tilespmem:v51+s2+$0x0], $0xffff;
	v9 =	vadd.f32 v31, v9;
	v7 =	vadd.f32 v22, v7;
	v49 =	vmul.f32 v40, v40  }
0x16b: {  	v22 =	vld.idx.msk [tilespmem:v34+s2+$0x0], $0xffff;
	v11 =	vmul.f32 v48, v40;
	v17 =	vadd.f32 v38, v17;
	v10 =	vadd.f32 v43, v10  }
0x16c: {  	v34 =	vmul.f32 v58, v58;
	v9 =	vadd.f32 v46, v9;
	v7 =	vadd.f32 v47, v7  }
0x16d: {  	v56 =	vld [tilespmem:s30+$0x1E00];
	v12 =	vadd.f32 v49, v12;
	v50 =	vmul.f32 v42, v42;
	v53 =	vmul.f32 v44, v44  }
0x16e: {  	v61 =	vld [tilespmem:s30+$0x11E00];
	v5 =	vadd.f32 v11, v5;
	v55 =	vmul.f32 v42, v40;
	v57 =	vmul.f32 v44, v40  }
0x16f: {  	v49 =	vadd.s32 $0x32C8, v4;
	v60 =	vmul.f32 v44, v42;
	v8 =	vmul.f32 v52, v42  }
0x170: {  	v36 =	vmul.f32 v21, v21;
	v54 =	vmul.f32 v22, v22;
	v13 =	vadd.f32 v50, v13  }
0x171: {  	v14 =	vadd.f32 v53, v14;
	v15 =	vadd.f32 v55, v15;
	v59 =	vmul.f32 v22, v40  }
0x172: {  	v18 =	vadd.f32 v57, v18;
	v62 =	vmul.f32 v22, v42;
	v22 =	vmul.f32 v22, v44  }
0x173: {  	v63 =	vld [tilespmem:s30+$0x9E00];
	v16 =	vadd.f32 v60, v16;
	v31 =	vmul.f32 v56, v56;
	v35 =	vmul.f32 v61, v61  }
0x174: {  	v33 =	vld [tilespmem:s30+$0xDE00];
	v6 =	vadd.f32 v8, v6;
	v37 =	vmul.f32 v58, v56;
	v39 =	vmul.f32 v61, v56  }
0x175: {  	v38 =	vld [tilespmem:s30+$0x2000];
	v41 =	vmul.f32 v21, v56;
	v43 =	vmul.f32 v61, v58;
	v17 =	vadd.f32 v54, v17  }
0x176: {  	v46 =	vld [tilespmem:s30+$0xA000];
	v44 =	vmul.f32 v21, v58;
	v10 =	vadd.f32 v59, v10;
	v9 =	vadd.f32 v62, v9  }
0x177: {  	v40 =	vld [tilespmem:s30+$0x6000];
	v45 =	vmul.f32 v21, v61;
	v7 =	vadd.f32 v22, v7;
	v12 =	vadd.f32 v31, v12  }
0x178: {  	v42 =	vld [tilespmem:s30+$0x12000];
	v11 =	vmul.f32 v63, v56;
	v13 =	vadd.f32 v34, v13;
	v14 =	vadd.f32 v35, v14  }
0x179: {  	v8 =	vmul.f32 v33, v58;
	v50 =	vld [tilespmem:s30+$0xE000];
	v15 =	vadd.f32 v37, v15;
	v18 =	vadd.f32 v39, v18  }
0x17a: {  	v56 =	vld [tilespmem:s30+$0x6200];
	v63 =	vadd.s32 $0x36B0, v4;
	v16 =	vadd.f32 v43, v16;
	v5 =	vadd.f32 v11, v5  }
0x17b: {  	v22 =	vld.idx.msk [tilespmem:v32+s2+$0x0], $0xffff;
	v47 =	vmul.f32 v38, v38;
	v6 =	vadd.f32 v8, v6;
	v17 =	vadd.f32 v36, v17  }
0x17c: {  	v54 =	vld [tilespmem:s30+$0x2200];
	v11 =	vmul.f32 v46, v38;
	v10 =	vadd.f32 v41, v10;
	v9 =	vadd.f32 v44, v9  }
0x17d: {  	v59 =	vld [tilespmem:s30+$0x12200];
	v7 =	vadd.f32 v45, v7;
	v48 =	vmul.f32 v40, v40;
	v51 =	vmul.f32 v42, v42  }
0x17e: {  	v21 =	vld.idx.msk [tilespmem:v49+s2+$0x0], $0xffff;
	v12 =	vadd.f32 v47, v12;
	v53 =	vmul.f32 v40, v38;
	v55 =	vmul.f32 v42, v38  }
0x17f: {  	v5 =	vadd.f32 v11, v5;
	v58 =	vmul.f32 v42, v40;
	v8 =	vmul.f32 v50, v40  }
0x180: {  	v33 =	vmul.f32 v56, v56;
	v52 =	vmul.f32 v22, v22;
	v13 =	vadd.f32 v48, v13  }
0x181: {  	v14 =	vadd.f32 v51, v14;
	v57 =	vmul.f32 v22, v38;
	v60 =	vmul.f32 v22, v40  }
0x182: {  	v61 =	vld [tilespmem:s30+$0xA200];
	v15 =	vadd.f32 v53, v15;
	v22 =	vmul.f32 v22, v42;
	v62 =	vmul.f32 v54, v54  }
0x183: {  	v32 =	vld [tilespmem:s30+$0xE200];
	v18 =	vadd.f32 v55, v18;
	v34 =	vmul.f32 v59, v59;
	v35 =	vmul.f32 v21, v21  }
0x184: {  	v37 =	vld [tilespmem:s30+$0x2400];
	v16 =	vadd.f32 v58, v16;
	v36 =	vmul.f32 v56, v54;
	v38 =	vmul.f32 v59, v54  }
0x185: {  	v39 =	vld [tilespmem:s30+$0x6400];
	v6 =	vadd.f32 v8, v6;
	v40 =	vmul.f32 v21, v54;
	v42 =	vmul.f32 v59, v56  }
0x186: {  	v43 =	vmul.f32 v21, v56;
	v44 =	vmul.f32 v21, v59;
	v17 =	vadd.f32 v52, v17  }
0x187: {  	v41 =	vld [tilespmem:s30+$0x12400];
	v11 =	vmul.f32 v61, v54;
	v10 =	vadd.f32 v57, v10;
	v9 =	vadd.f32 v60, v9  }
0x188: {  	v8 =	vmul.f32 v32, v56;
	v7 =	vadd.f32 v22, v7;
	v12 =	vadd.f32 v62, v12  }
0x189: {  	v46 =	vmul.f32 v37, v37;
	v13 =	vadd.f32 v33, v13;
	v14 =	vadd.f32 v34, v14  }
0x18a: {  	v45 =	vld [tilespmem:s30+$0xA400];
	v47 =	vmul.f32 v39, v39;
	v15 =	vadd.f32 v36, v15;
	v18 =	vadd.f32 v38, v18  }
0x18b: {  	v49 =	vld [tilespmem:s30+$0xE400];
	v48 =	vadd.s32 $0x3A98, v4;
	v16 =	vadd.f32 v42, v16;
	v5 =	vadd.f32 v11, v5  }
0x18c: {  	v53 =	vld [tilespmem:s30+$0x2600];
	v6 =	vadd.f32 v8, v6;
	v50 =	vmul.f32 v41, v41;
	v52 =	vmul.f32 v39, v37  }
0x18d: {  	v55 =	vld [tilespmem:s30+$0x6600];
	v54 =	vmul.f32 v41, v37;
	v17 =	vadd.f32 v35, v17;
	v10 =	vadd.f32 v40, v10  }
0x18e: {  	v58 =	vld [tilespmem:s30+$0x12600];
	v57 =	vmul.f32 v41, v39;
	v9 =	vadd.f32 v43, v9;
	v7 =	vadd.f32 v44, v7  }
0x18f: {  	v11 =	vmul.f32 v45, v37;
	v12 =	vadd.f32 v46, v12;
	v13 =	vadd.f32 v47, v13  }
0x190: {  	v22 =	vld.idx.msk [tilespmem:v63+s2+$0x0], $0xffff;
	v8 =	vmul.f32 v49, v39;
	v14 =	vadd.f32 v50, v14;
	v15 =	vadd.f32 v52, v15  }
0x191: {  	v62 =	vadd.s32 $0x3E80, v4;
	v18 =	vadd.f32 v54, v18;
	v16 =	vadd.f32 v57, v16  }
0x192: {  	v5 =	vadd.f32 v11, v5;
	v61 =	vmul.f32 v53, v53;
	v31 =	vmul.f32 v55, v55  }
0x193: {  	v60 =	vld [tilespmem:s30+$0xA600];
	v6 =	vadd.f32 v8, v6;
	v32 =	vmul.f32 v58, v58;
	v34 =	vmul.f32 v55, v53  }
0x194: {  	v63 =	vld [tilespmem:s30+$0xE600];
	v46 =	vadd.s32 $0x4268, v4;
	v36 =	vmul.f32 v58, v53;
	v40 =	vmul.f32 v58, v55  }
0x195: {  	v35 =	vld [tilespmem:s30+$0x2800];
	v51 =	vmul.f32 v22, v22;
	v56 =	vmul.f32 v22, v37;
	v12 =	vadd.f32 v61, v12  }
0x196: {  	v43 =	vld [tilespmem:s30+$0xA800];
	v59 =	vmul.f32 v22, v39;
	v13 =	vadd.f32 v31, v13;
	v14 =	vadd.f32 v32, v14  }
0x197: {  	v21 =	vld.idx.msk [tilespmem:v48+s2+$0x0], $0xffff;
	v22 =	vmul.f32 v22, v41;
	v15 =	vadd.f32 v34, v15;
	v18 =	vadd.f32 v36, v18  }
0x198: {  	v37 =	vld [tilespmem:s30+$0x6800];
	v11 =	vmul.f32 v60, v53;
	v16 =	vadd.f32 v40, v16;
	v17 =	vadd.f32 v51, v17  }
0x199: {  	v39 =	vld [tilespmem:s30+$0x12800];
	v8 =	vmul.f32 v63, v55;
	v10 =	vadd.f32 v56, v10;
	v9 =	vadd.f32 v59, v9  }
0x19a: {  	v47 =	vld [tilespmem:s30+$0xE800];
	v60 =	vadd.s32 $0x4650, v4;
	v7 =	vadd.f32 v22, v7;
	v5 =	vadd.f32 v11, v5  }
0x19b: {  	v32 =	vld [tilespmem:s30+$0x2C00];
	v44 =	vmul.f32 v35, v35;
	v6 =	vadd.f32 v8, v6;
	v11 =	vmul.f32 v43, v35  }
0x19c: {  	v34 =	vld [tilespmem:s30+$0x6C00];
	v43 =	vadd.s32 $0x4A38, v4;
	v33 =	vmul.f32 v21, v21;
	v38 =	vmul.f32 v21, v53  }
0x19d: {  	v22 =	vld.idx.msk [tilespmem:v62+s2+$0x0], $0xffff;
	v41 =	vmul.f32 v21, v55;
	v42 =	vmul.f32 v21, v58;
	v12 =	vadd.f32 v44, v12  }
0x19e: {  	v36 =	vld [tilespmem:s30+$0x12C00];
	v5 =	vadd.f32 v11, v5;
	v45 =	vmul.f32 v37, v37;
	v48 =	vmul.f32 v39, v39  }
0x19f: {  	v51 =	vld [tilespmem:s30+$0x2A00];
	v17 =	vadd.f32 v33, v17;
	v50 =	vmul.f32 v37, v35;
	v52 =	vmul.f32 v39, v35  }
0x1a0: {  	v56 =	vld [tilespmem:s30+$0x12A00];
	v9 =	vadd.f32 v41, v9;
	v55 =	vmul.f32 v39, v37;
	v8 =	vmul.f32 v47, v37  }
0x1a1: {  	v53 =	vld [tilespmem:s30+$0x6A00];
	v7 =	vadd.f32 v42, v7;
	v41 =	vmul.f32 v32, v32;
	v42 =	vmul.f32 v34, v34  }
0x1a2: {  	v21 =	vld.idx.msk [tilespmem:v46+s2+$0x0], $0xffff;
	v10 =	vadd.f32 v38, v10;
	v47 =	vmul.f32 v34, v32;
	v49 =	vmul.f32 v22, v22  }
0x1a3: {  	v13 =	vadd.f32 v45, v13;
	v14 =	vadd.f32 v48, v14;
	v54 =	vmul.f32 v22, v35  }
0x1a4: {  	v15 =	vadd.f32 v50, v15;
	v57 =	vmul.f32 v22, v37;
	v22 =	vmul.f32 v22, v39  }
0x1a5: {  	v18 =	vadd.f32 v52, v18;
	v59 =	vmul.f32 v51, v51;
	v63 =	vmul.f32 v56, v56  }
0x1a6: {  	v58 =	vld [tilespmem:s30+$0xAA00];
	v16 =	vadd.f32 v55, v16;
	v33 =	vmul.f32 v56, v51;
	v45 =	vmul.f32 v36, v36  }
0x1a7: {  	v61 =	vld [tilespmem:s30+$0xEA00];
	v6 =	vadd.f32 v8, v6;
	v62 =	vmul.f32 v53, v53;
	v30 =	vmul.f32 v21, v21  }
0x1a8: {  	v31 =	vmul.f32 v53, v51;
	v35 =	vmul.f32 v21, v51;
	v17 =	vadd.f32 v49, v17  }
0x1a9: {  	v37 =	vmul.f32 v56, v53;
	v10 =	vadd.f32 v54, v10;
	v9 =	vadd.f32 v57, v9  }
0x1aa: {  	v40 =	vld [tilespmem:s30+$0xAC00];
	v38 =	vmul.f32 v21, v53;
	v7 =	vadd.f32 v22, v7;
	v12 =	vadd.f32 v59, v12  }
0x1ab: {  	v44 =	vld [tilespmem:s30+$0xEC00];
	v11 =	vmul.f32 v58, v51;
	v14 =	vadd.f32 v63, v14;
	v18 =	vadd.f32 v33, v18  }
0x1ac: {  	v48 =	vld [tilespmem:s30+$0x2E00];
	v8 =	vmul.f32 v61, v53;
	v13 =	vadd.f32 v62, v13;
	v15 =	vadd.f32 v31, v15  }
0x1ad: {  	v39 =	vmul.f32 v21, v56;
	v21 =	vld.idx.msk [tilespmem:v43+s2+$0x0], $0xffff;
	v16 =	vadd.f32 v37, v16;
	v5 =	vadd.f32 v11, v5  }
0x1ae: {  	v56 =	vmul.f32 v36, v32;
	v22 =	vld.idx.msk [tilespmem:v60+s2+$0x0], $0xffff;
	v6 =	vadd.f32 v8, v6;
	v17 =	vadd.f32 v30, v17  }
0x1af: {  	v59 =	vmul.f32 v36, v34;
	v10 =	vadd.f32 v35, v10;
	v9 =	vadd.f32 v38, v9  }
0x1b0: {  	v57 =	vld [tilespmem:s30+$0x6E00];
	v11 =	vmul.f32 v40, v32;
	v7 =	vadd.f32 v39, v7;
	v12 =	vadd.f32 v41, v12  }
0x1b1: {  	v60 =	vld [tilespmem:s30+$0x12E00];
	v8 =	vmul.f32 v44, v34;
	v14 =	vadd.f32 v45, v14;
	v18 =	vadd.f32 v56, v18  }
0x1b2: {  	v13 =	vadd.f32 v42, v13;
	v15 =	vadd.f32 v47, v15;
	v62 =	vmul.f32 v48, v48  }
0x1b3: {  	v24 =	vld [tilespmem:s30+$0x3200];
	v16 =	vadd.f32 v59, v16;
	v50 =	vmul.f32 v21, v48;
	v46 =	vmul.f32 v22, v22  }
0x1b4: {  	v51 =	vld [tilespmem:s30+$0x7000];
	v5 =	vadd.f32 v11, v5;
	v58 =	vmul.f32 v22, v32;
	v61 =	vmul.f32 v22, v34  }
0x1b5: {  	v63 =	vld [tilespmem:s30+$0xAE00];
	v6 =	vadd.f32 v8, v6;
	v22 =	vmul.f32 v22, v36;
	v32 =	vmul.f32 v57, v57  }
0x1b6: {  	v35 =	vld [tilespmem:s30+$0xEE00];
	v33 =	vmul.f32 v60, v60;
	v34 =	vadd.s32 $0x4E20, v4;
	v36 =	vmul.f32 v21, v21  }
0x1b7: {  	v38 =	vld [tilespmem:s30+$0x3000];
	v11 =	vadd.f32 v62, v12;
	v37 =	vmul.f32 v57, v48;
	v49 =	vmul.f32 v60, v48  }
0x1b8: {  	v30 =	vld [tilespmem:s30+$0x13000];
	v52 =	vmul.f32 v60, v57;
	v53 =	vmul.f32 v21, v57;
	v17 =	vadd.f32 v46, v17  }
0x1b9: {  	v56 =	vld [tilespmem:s30+$0xB000];
	v54 =	vmul.f32 v21, v60;
	v10 =	vadd.f32 v58, v10;
	v9 =	vadd.f32 v61, v9  }
0x1ba: {  	v41 =	vld [tilespmem:s30+$0xB200];
	v19 =	vmul.f32 v63, v48;
	v7 =	vadd.f32 v22, v7;
	v13 =	vadd.f32 v32, v13  }
0x1bb: {  	v60 =	vmul.f32 v51, v51;
	v63 =	vld [tilespmem:s30+$0x7200];
	v14 =	vadd.f32 v33, v14;
	v15 =	vadd.f32 v37, v15  }
0x1bc: {  	v16 =	vadd.f32 v52, v16;
	v57 =	vmul.f32 v35, v57;
	v58 =	vld [tilespmem:s30+$0xF000];
	v59 =	vmul.f32 v38, v38  }
0x1bd: {  	v5 =	vadd.f32 v19, v5;
	v61 =	vadd.s32 $0x5208, v4;
	v32 =	vld [tilespmem:s30+$0xF200];
	v12 =	vadd.f32 v36, v17  }
0x1be: {  	v62 =	vmul.f32 v30, v30;
	v46 =	vld [tilespmem:s30+$0x13200];
	v17 =	vadd.f32 v49, v18;
	v10 =	vadd.f32 v50, v10  }
0x1bf: {  	v40 =	vmul.f32 v51, v38;
	v52 =	vld [tilespmem:s30+$0xB400];
	v9 =	vadd.f32 v53, v9;
	v18 =	vadd.f32 v54, v7  }
0x1c0: {  	v45 =	vmul.f32 v30, v51;
	v6 =	vadd.f32 v57, v6;
	v42 =	vadd.f32 v62, v14;
	v14 =	vld [tilespmem:s30+$0x3400]  }
0x1c1: {  	v20 =	vmul.f32 v56, v38;
	v11 =	vadd.f32 v59, v11;
	v13 =	vadd.f32 v60, v13;
	v7 =	vld [tilespmem:s30+$0x7400]  }
0x1c2: {  	v43 =	vmul.f32 v30, v38;
	v15 =	vadd.f32 v40, v15;
	v19 =	vadd.f32 v45, v16;
	v16 =	vld [tilespmem:s30+$0x13400]  }
0x1c3: {  	v49 =	vadd.s32 $0x55F0, v4;
	v50 =	vmul.f32 v24, v24;
	v33 =	vadd.f32 v20, v5;
	v55 =	vld.idx.msk [tilespmem:v34+s2+$0x0], $0xffff  }
0x1c4: {  	v36 =	vadd.s32 $0x59D8, v4;
	v62 =	vmul.f32 v41, v24;
	v8 =	vmul.f32 v58, v51  }
0x1c5: {  	v17 =	vadd.f32 v43, v17;
	v53 =	vmul.f32 v46, v46;
	v56 =	vmul.f32 v46, v24  }
0x1c6: {  	v34 =	vld [tilespmem:s30+$0xF400];
	v35 =	vadd.f32 v50, v11;
	v58 =	vmul.f32 v46, v63;
	v22 =	vmul.f32 v32, v63  }
0x1c7: {  	v29 =	vadd.f32 v53, v42;
	v40 =	vmul.f32 v7, v7;
	v42 =	vmul.f32 v16, v16  }
0x1c8: {  	v11 =	vld [tilespmem:s30+$0x13600];
	v43 =	vadd.s32 $0x5DC0, v4;
	v27 =	vmul.f32 v52, v14;
	v39 =	vmul.f32 v55, v55  }
0x1c9: {  	v25 =	vld.idx.msk [tilespmem:v61+s2+$0x0], $0xffff;
	v0 =	vadd.f32 v56, v17;
	v44 =	vmul.f32 v55, v38;
	v47 =	vmul.f32 v55, v51  }
0x1ca: {  	v8 =	vadd.f32 v8, v6;
	v21 =	vld.idx.msk [tilespmem:v49+s2+$0x0], $0xffff;
	v48 =	vmul.f32 v55, v30;
	v51 =	vmul.f32 v63, v63  }
0x1cb: {  	v55 =	vmul.f32 v63, v24;
	v49 =	vmul.f32 v34, v7;
	[tilespmem:$0x1FFD0] =	vst v0;
	v0 =	vadd.f32 v58, v19  }
0x1cc: {  	v5 =	vld [tilespmem:s30+$0x3600];
	v38 =	vadd.s32 $0x61A8, v4;
	v19 =	vadd.f32 v62, v33;
	v8 =	vadd.f32 v22, v8  }
0x1cd: {  	v61 =	vld [tilespmem:s30+$0xB600];
	v29 =	vadd.f32 v42, v29;
	v53 =	vmul.f32 v11, v11;
	v12 =	vadd.f32 v39, v12  }
0x1ce: {  	v50 =	vld [tilespmem:s30+$0xF800];
	v10 =	vadd.f32 v44, v10;
	v9 =	vadd.f32 v47, v9;
	v54 =	vmul.f32 v25, v25  }
0x1cf: {  	v32 =	vld [tilespmem:s30+$0x13A00];
	v18 =	vadd.f32 v48, v18;
	v57 =	vmul.f32 v25, v24;
	v59 =	vmul.f32 v25, v63  }
0x1d0: {  	v6 =	vld [tilespmem:s30+$0x7600];
	v23 =	vadd.f32 v51, v13;
	v60 =	vmul.f32 v25, v46;
	v39 =	vmul.f32 v14, v14  }
0x1d1: {  	v17 =	vld.idx.msk [tilespmem:v36+s2+$0x0], $0xffff;
	v30 =	vadd.f32 v55, v15;
	v51 =	vmul.f32 v5, v5;
	v15 =	vmul.f32 v7, v14  }
0x1d2: {  	v22 =	vld [tilespmem:s30+$0x3A00];
	v26 =	vmul.f32 v61, v5;
	v19 =	vadd.f32 v27, v19;
	v8 =	vadd.f32 v49, v8  }
0x1d3: {  	v27 =	vld.idx.msk [tilespmem:v43+s2+$0x0], $0xffff;
	v28 =	vadd.f32 v53, v29;
	v43 =	vadd.s32 $0x6590, v4;
	v12 =	vadd.f32 v54, v12  }
0x1d4: {  	v63 =	vld [tilespmem:s30+$0xF600];
	v49 =	vmul.f32 v32, v32;
	v10 =	vadd.f32 v57, v10;
	v9 =	vadd.f32 v59, v9  }
0x1d5: {  	v13 =	vld [tilespmem:s30+$0x3800];
	v20 =	vadd.f32 v60, v18;
	v45 =	vmul.f32 v21, v21;
	v46 =	vmul.f32 v21, v14  }
0x1d6: {  	v48 =	vld [tilespmem:s30+$0xB800];
	v41 =	vadd.f32 v39, v35;
	v47 =	vmul.f32 v21, v7;
	v52 =	vmul.f32 v6, v6  }
0x1d7: {  	v25 =	vld [tilespmem:s30+$0x7A00];
	v44 =	vadd.f32 v40, v23;
	v37 =	vmul.f32 v17, v17;
	v54 =	vmul.f32 v17, v5  }
0x1d8: {  	v34 =	vld [tilespmem:s30+$0x3E00];
	v55 =	vmul.f32 v17, v6;
	v19 =	vadd.f32 v26, v19;
	v12 =	vadd.f32 v45, v12  }
0x1d9: {  	v18 =	vld [tilespmem:s30+$0x7800];
	v7 =	vmul.f32 v16, v7;
	v10 =	vadd.f32 v46, v10;
	v9 =	vadd.f32 v47, v9  }
0x1da: {  	v23 =	vld [tilespmem:s30+$0x13800];
	v33 =	vadd.f32 v51, v41;
	v62 =	vmul.f32 v22, v22;
	v24 =	vmul.f32 v63, v6  }
0x1db: {  	v42 =	vld [tilespmem:s30+$0xFA00];
	v35 =	vadd.f32 v52, v44;
	v39 =	vmul.f32 v13, v13;
	v36 =	vmul.f32 v48, v13  }
0x1dc: {  	v41 =	vld [tilespmem:s30+$0xBA00];
	v48 =	vmul.f32 v25, v25;
	v12 =	vadd.f32 v37, v12;
	v10 =	vadd.f32 v54, v10  }
0x1dd: {  	v9 =	vadd.f32 v55, v9;
	v37 =	vld.idx.msk [tilespmem:v38+s2+$0x0], $0xffff;
	v59 =	vmul.f32 v27, v27;
	v44 =	vmul.f32 v27, v13  }
0x1de: {  	v38 =	vld [tilespmem:s30+$0x13C00];
	v56 =	vmul.f32 v18, v18;
	v8 =	vadd.f32 v24, v8;
	v57 =	vadd.f32 v39, v33  }
0x1df: {  	v58 =	vmul.f32 v23, v23;
	v33 =	vld [tilespmem:s30+$0x3C00];
	v60 =	vmul.f32 v27, v18;
	v19 =	vadd.f32 v36, v19  }
0x1e0: {  	v61 =	vmul.f32 v50, v18;
	v12 =	vadd.f32 v59, v12;
	v26 =	vadd.f32 v56, v35;
	v35 =	vld [tilespmem:s30+$0x7C00]  }
0x1e1: {  	v42 =	vmul.f32 v42, v25;
	v39 =	vld.idx.msk [tilespmem:v43+s2+$0x0], $0xffff;
	v10 =	vadd.f32 v44, v10;
	v29 =	vadd.f32 v58, v28  }
0x1e2: {  	v36 =	vld [tilespmem:s30+$0x7E00];
	v9 =	vadd.f32 v60, v9;
	v63 =	vadd.f32 v61, v8;
	v41 =	vmul.f32 v41, v22  }
0x1e3: {  	v45 =	vadd.f32 v62, v57;
	v28 =	vld [tilespmem:s30+$0x4000];
	v50 =	vmul.f32 v37, v37;
	v46 =	vmul.f32 v37, v22  }
0x1e4: {  	v44 =	vadd.f32 v49, v29;
	v29 =	vld [tilespmem:s30+$0x8000];
	v53 =	vmul.f32 v37, v25;
	v51 =	vmul.f32 v33, v33  }
0x1e5: {  	v24 =	vld [tilespmem:s30+$0x4200];
	v8 =	vadd.f32 v48, v26;
	v48 =	vmul.f32 v34, v34;
	v52 =	vmul.f32 v35, v35  }
0x1e6: {  	v26 =	vld [tilespmem:s30+$0x8200];
	v58 =	vmul.f32 v38, v38;
	v47 =	vadd.f32 v50, v12;
	v45 =	vadd.f32 v51, v45  }
0x1e7: {  	v49 =	vmul.f32 v36, v36;
	v46 =	vadd.f32 v46, v10;
	v10 =	vld [tilespmem:s30+$0x4400];
	v8 =	vadd.f32 v52, v8  }
0x1e8: {  	v50 =	vadd.f32 v53, v9;
	v9 =	vld [tilespmem:s30+$0x8400];
	v54 =	vmul.f32 v28, v28;
	v45 =	vadd.f32 v48, v45  }
0x1e9: {  	v43 =	vadd.f32 v42, v63;
	v12 =	vld [tilespmem:s30+$0x4600];
	v56 =	vmul.f32 v29, v29;
	v55 =	vadd.f32 v49, v8  }
0x1ea: {  	v57 =	vmul.f32 v24, v24;
	v31 =	vmul.f32 v39, v39;
	v45 =	vadd.f32 v54, v45;
	v8 =	vld [tilespmem:s30+$0x8600]  }
0x1eb: {  	v62 =	vld [tilespmem:s30+$0xBC00];
	v51 =	vadd.f32 v41, v19;
	v59 =	vmul.f32 v26, v26;
	v19 =	vadd.f32 v56, v55  }
0x1ec: {  	v44 =	vadd.f32 v58, v44;
	v61 =	vmul.f32 v10, v10;
	v60 =	vadd.f32 v57, v45  }
0x1ed: {  	v47 =	vadd.f32 v31, v47;
	v63 =	vmul.f32 v9, v9;
	v19 =	vadd.f32 v59, v19  }
0x1ee: {  	v31 =	vmul.f32 v39, v35;
	v42 =	vadd.f32 v61, v60;
	v60 =	vmul.f32 v12, v12  }
0x1ef: {  	v52 =	vadd.s32 $0x6978, v4;
	v55 =	vmul.f32 v8, v8;
	v53 =	vadd.f32 v63, v19  }
0x1f0: {  	v41 =	vld [tilespmem:s30+$0x13E00];
	v48 =	vmul.f32 v62, v33;
	v61 =	vmul.f32 v39, v33;
	v19 =	vadd.f32 v60, v42  }
0x1f1: {  	v54 =	vmul.f32 v16, v14;
	v49 =	vadd.f32 v31, v50;
	v56 =	vld [tilespmem:s30+$0xFC00];
	v14 =	vadd.f32 v55, v53  }
0x1f2: {  	v50 =	vld [tilespmem:s30+$0xFE00];
	v45 =	vadd.f32 v61, v46;
	v53 =	vadd.s32 $0x6D60, v4;
	v42 =	vmax.f32 v19, $1.000000020e-24  }
0x1f3: {  	v46 =	vld [tilespmem:s30+$0xBE00];
	v62 =	vshra.s32 v42, $0x1;
	v57 =	vmul.f32 $5.000000000e-01, v42;
	v58 =	vmax.f32 v14, $1.000000020e-24  }
0x1f4: {  	v42 =	vld.idx.msk [tilespmem:v52+s2+$0x0], $0xffff;
	v52 =	vsub.s32 $0x5F3759DF, v62;
	v63 =	vshra.s32 v58, $0x1;
	v58 =	vmul.f32 $5.000000000e-01, v58  }
0x1f5: {  	v60 =	vmul.f32 v41, v41;
	v59 =	vmul.f32 v52, v57;
	v55 =	vsub.s32 $0x5F3759DF, v63  }
0x1f6: {  	v56 =	vmul.f32 v56, v35;
	v61 =	vmul.f32 v55, v58  }
0x1f7: {  	v48 =	vadd.f32 v48, v51;
	v50 =	vmul.f32 v50, v36;
	v31 =	vmul.f32 v52, v59  }
0x1f8: {  	v56 =	vadd.f32 v56, v43;
	v43 =	vld [tilespmem:s30+$0x14000];
	v59 =	vadd.f32 v60, v44;
	v60 =	vmul.f32 v55, v61  }
0x1f9: {  	v46 =	vmul.f32 v46, v34;
	v63 =	vadd.s32 $0x7148, v4;
	v44 =	vld.idx.msk [tilespmem:v53+s2+$0x0], $0xffff;
	v51 =	vsub.f32 $1.500000000e+00, v31  }
0x1fa: {  	v50 =	vadd.f32 v50, v56;
	v40 =	vmul.f32 v42, v42;
	v60 =	vsub.f32 $1.500000000e+00, v60  }
0x1fb: {  	v53 =	vld [tilespmem:s30+$0x10000];
	v48 =	vadd.f32 v46, v48;
	v62 =	vmul.f32 v42, v34;
	v51 =	vmul.f32 v52, v51  }
0x1fc: {  	v31 =	vmul.f32 v42, v36;
	v61 =	vld [tilespmem:s30+$0xC000];
	v47 =	vadd.f32 v40, v47;
	v55 =	vmul.f32 v55, v60  }
0x1fd: {  	[tilespmem:$0x1FFE0] =	vst v0;
	v52 =	vadd.f32 v62, v45;
	v60 =	vmul.f32 v43, v43;
	v40 =	vmul.f32 v51, v57  }
0x1fe: {  	v49 =	vadd.f32 v31, v49;
	v46 =	vld.idx.msk [tilespmem:v63+s2+$0x0], $0xffff;
	v0 =	vmul.f32 v44, v44;
	v31 =	vmul.f32 v55, v58  }
0x1ff: {  	v62 =	vadd.s32 $0x7530, v4;
	v56 =	vadd.f32 v60, v59;
	v59 =	vmul.f32 v40, v51  }
0x200: {  	v45 =	vld [tilespmem:s30+$0x14200];
	v53 =	vmul.f32 v53, v29;
	v0 =	vadd.f32 v0, v47;
	v31 =	vmul.f32 v31, v55  }
0x201: {  	v61 =	vmul.f32 v61, v28;
	v60 =	vmul.f32 v44, v29;
	v59 =	vsub.f32 $1.500000000e+00, v59  }
0x202: {  	v63 =	vld [tilespmem:s30+$0xC200];
	v50 =	vadd.f32 v53, v50;
	v40 =	vmul.f32 v44, v28;
	v31 =	vsub.f32 $1.500000000e+00, v31  }
0x203: {  	v47 =	vld [tilespmem:s30+$0x14400];
	v49 =	vadd.f32 v60, v49;
	v60 =	vmul.f32 v46, v46;
	v51 =	vmul.f32 v59, v51  }
0x204: {  	v53 =	vmul.f32 v46, v26;
	v52 =	vadd.f32 v40, v52;
	v59 =	vld [tilespmem:s30+$0x10200];
	v31 =	vmul.f32 v31, v55  }
0x205: {  	v40 =	vmul.f32 v45, v45;
	v0 =	vadd.f32 v60, v0;
	v60 =	vld [tilespmem:s30+$0xC400];
	v3 =	vmul.f32 v51, v57  }
0x206: {  	v55 =	vadd.f32 v61, v48;
	v61 =	vmul.f32 v46, v24;
	v48 =	vld.idx.msk [tilespmem:v62+s2+$0x0], $0xffff;
	v62 =	vmul.f32 v31, v58  }
0x207: {  	v40 =	vadd.f32 v40, v56;
	v53 =	vadd.f32 v53, v49;
	v3 =	vmul.f32 v3, v51  }
0x208: {  	v56 =	vmul.f32 v63, v24;
	v52 =	vadd.f32 v61, v52;
	v49 =	vmul.f32 v62, v31  }
0x209: {  	v61 =	vadd.s32 $0x7918, v4;
	v4 =	vmul.f32 v59, v26;
	v59 =	vld [tilespmem:s30+$0x10400];
	v3 =	vsub.f32 $1.500000000e+00, v3  }
0x20a: {  	v60 =	vmul.f32 v60, v10;
	v62 =	vmul.f32 v47, v47;
	v49 =	vsub.f32 $1.500000000e+00, v49  }
0x20b: {  	v63 =	vld [tilespmem:s30+$0xC600];
	v55 =	vadd.f32 v56, v55;
	v56 =	vmul.f32 v48, v48;
	v3 =	vmul.f32 v3, v51  }
0x20c: {  	v50 =	vadd.f32 v4, v50;
	v4 =	vld [tilespmem:s30+$0x10600];
	v51 =	vmul.f32 v48, v10;
	v31 =	vmul.f32 v49, v31  }
0x20d: {  	v62 =	vadd.f32 v62, v40;
	v40 =	vld [tilespmem:s30+$0x14600];
	v49 =	vmul.f32 v48, v9;
	v57 =	vmul.f32 v3, v57  }
0x20e: {  	v56 =	vadd.f32 v56, v0;
	v51 =	vadd.f32 v51, v52;
	v52 =	vmul.f32 v59, v9  }
0x20f: {  	v0 =	vld.idx.msk [tilespmem:v61+s2+$0x0], $0xffff;
	v58 =	vmul.f32 v31, v58;
	v57 =	vmul.f32 v57, v3;
	v49 =	vadd.f32 v49, v53  }
0x210: {  	v37 =	vmul.f32 v37, v32;
	v53 =	vadd.f32 v60, v55;
	v50 =	vadd.f32 v52, v50  }
0x211: {  	v52 =	vmul.f32 v63, v12;
	v61 =	vmul.f32 v58, v31;
	v57 =	vsub.f32 $1.500000000e+00, v57  }
0x212: {  	v4 =	vmul.f32 v4, v8;
	v59 =	vmul.f32 v40, v40  }
0x213: {  	v52 =	vadd.f32 v52, v53;
	v58 =	vsub.f32 $1.500000000e+00, v61;
	v55 =	vmul.f32 v57, v3  }
0x214: {  	v60 =	vmul.f32 v0, v0;
	v53 =	vmul.f32 v0, v12;
	v4 =	vadd.f32 v4, v50  }
0x215: {  	v57 =	vmul.f32 v58, v31;
	v3 =	vmul.f32 v55, v52;
	v61 =	vadd.f32 v55, v55  }
0x216: {  	v53 =	vadd.f32 v53, v51;
	v51 =	vmul.f32 v0, v8;
	v63 =	vmul.f32 v55, v55  }
0x217: {  	v58 =	vmul.f32 v57, v4;
	v31 =	vmul.f32 v3, v61;
	v61 =	vadd.f32 v57, v57  }
0x218: {  	v50 =	vadd.f32 v60, v56;
	v4 =	vmul.f32 v63, v19;
	v56 =	vmul.f32 v3, v3  }
0x219: {  	v52 =	vadd.f32 v51, v49;
	v31 =	vmul.f32 v31, v53;
	v63 =	vmul.f32 v58, v61  }
0x21a: {  	v16 =	vmul.f32 v21, v16;
	v51 =	vadd.f32 v59, v62;
	v60 =	vmul.f32 v57, v57  }
0x21b: {  	v56 =	vmul.f32 v56, v50;
	v4 =	vadd.f32 v31, v4;
	v61 =	vmul.f32 v63, v52;
	v63 =	vld [tilespmem:$0x1FFD0]  }
0x21c: {  	v15 =	vadd.f32 v15, v30;
	v59 =	vmul.f32 v60, v14;
	v62 =	vmul.f32 v58, v58  }
0x21d: {  	v0 =	vmul.f32 v0, v40;
	v60 =	vmax.f32 v51, $1.000000020e-24;
	v4 =	vadd.f32 v4, v56  }
0x21e: {  	v49 =	vmul.f32 v62, v50;
	v31 =	vadd.f32 v61, v59;
	v61 =	vshra.s32 v60, $0x1  }
0x21f: {  	v21 =	vsub.s32 $0x5F3759DF, v61;
	v61 =	vmul.f32 v6, v5;
	v4 =	vmax.f32 v4, $1.000000020e-24  }
0x220: {  	v31 =	vadd.f32 v31, v49;
	v30 =	vadd.f32 v54, v63;
	v62 =	vshra.s32 v4, $0x1  }
0x221: {  	v54 =	vmul.f32 $5.000000000e-01, v60;
	v4 =	vmul.f32 $5.000000000e-01, v4;
	v49 =	vsub.s32 $0x5F3759DF, v62;
	v62 =	vld [tilespmem:$0x1FFE0]  }
0x222: {  	v16 =	vadd.f32 v16, v20;
	v5 =	vmul.f32 v11, v5;
	v6 =	vmul.f32 v11, v6  }
0x223: {  	v31 =	vmax.f32 v31, $1.000000020e-24;
	v56 =	vmul.f32 v21, v54;
	v59 =	vmul.f32 v49, v4  }
0x224: {  	v11 =	vmul.f32 v17, v11;
	v60 =	vshra.s32 v31, $0x1;
	v31 =	vmul.f32 $5.000000000e-01, v31  }
0x225: {  	v60 =	vsub.s32 $0x5F3759DF, v60;
	v56 =	vmul.f32 v21, v56;
	v59 =	vmul.f32 v49, v59  }
0x226: {  	v5 =	vadd.f32 v5, v30;
	v7 =	vadd.f32 v7, v62;
	v62 =	vmul.f32 v60, v31  }
0x227: {  	v30 =	vmul.f32 v23, v18;
	v20 =	vsub.f32 $1.500000000e+00, v56;
	v63 =	vsub.f32 $1.500000000e+00, v59  }
0x228: {  	v15 =	vadd.f32 v61, v15;
	v59 =	vmul.f32 v27, v23;
	v61 =	vmul.f32 v60, v62  }
0x229: {  	v11 =	vadd.f32 v11, v16;
	v17 =	vmul.f32 v21, v20;
	v20 =	vmul.f32 v49, v63  }
0x22a: {  	v6 =	vadd.f32 v6, v7;
	v63 =	vmul.f32 v18, v13;
	v13 =	vmul.f32 v23, v13  }
0x22b: {  	v11 =	vadd.f32 v59, v11;
	v62 =	vsub.f32 $1.500000000e+00, v61;
	v49 =	vmul.f32 v17, v54  }
0x22c: {  	v56 =	vmul.f32 v20, v4;
	v6 =	vadd.f32 v30, v6;
	v30 =	vmul.f32 v32, v25  }
0x22d: {  	v11 =	vadd.f32 v37, v11;
	v37 =	vmul.f32 v41, v34;
	v18 =	vmul.f32 v60, v62  }
0x22e: {  	v7 =	vadd.f32 v63, v15;
	v15 =	vmul.f32 v49, v17;
	v61 =	vmul.f32 v56, v20  }
0x22f: {  	v62 =	vmul.f32 v25, v22;
	v22 =	vmul.f32 v32, v22;
	v6 =	vadd.f32 v30, v6  }
0x230: {  	v60 =	vmul.f32 v18, v31;
	v15 =	vsub.f32 $1.500000000e+00, v15;
	v16 =	vsub.f32 $1.500000000e+00, v61  }
0x231: {  	v7 =	vadd.f32 v62, v7;
	v61 =	vmul.f32 v38, v33;
	v62 =	vmul.f32 v38, v35  }
0x232: {  	v63 =	vmul.f32 v60, v18;
	v49 =	vmul.f32 v15, v17  }
0x233: {  	v56 =	vmul.f32 v16, v20;
	v60 =	vmul.f32 v35, v33;
	v6 =	vadd.f32 v62, v6  }
0x234: {  	v35 =	vmul.f32 v36, v34;
	v62 =	vmul.f32 v26, v24;
	v21 =	vsub.f32 $1.500000000e+00, v63  }
0x235: {  	v5 =	vadd.f32 v13, v5;
	v34 =	vmul.f32 v47, v10;
	v63 =	vmul.f32 v39, v38  }
0x236: {  	v25 =	vmul.f32 v49, v54;
	v59 =	vmul.f32 v21, v18  }
0x237: {  	v5 =	vadd.f32 v22, v5;
	v27 =	vmul.f32 v56, v4;
	v38 =	vmul.f32 v41, v36  }
0x238: {  	v39 =	vmul.f32 v42, v41;
	v30 =	vmul.f32 v59, v31  }
0x239: {  	v5 =	vadd.f32 v61, v5;
	v41 =	vmul.f32 v29, v28;
	v42 =	vmul.f32 v43, v28  }
0x23a: {  	v7 =	vadd.f32 v60, v7;
	v32 =	vmul.f32 v25, v49;
	v33 =	vmul.f32 v30, v59  }
0x23b: {  	v5 =	vadd.f32 v37, v5;
	v60 =	vmul.f32 v44, v43;
	v17 =	vmul.f32 v27, v56  }
0x23c: {  	v28 =	vmul.f32 v45, v26;
	v18 =	vsub.f32 $1.500000000e+00, v32;
	v20 =	vsub.f32 $1.500000000e+00, v33  }
0x23d: {  	v36 =	vmul.f32 v8, v12;
	v11 =	vadd.f32 v63, v11;
	v17 =	vsub.f32 $1.500000000e+00, v17  }
0x23e: {  	v7 =	vadd.f32 v35, v7;
	v13 =	vmul.f32 v18, v49;
	v16 =	vmul.f32 v20, v59  }
0x23f: {  	v6 =	vadd.f32 v38, v6;
	v63 =	vmul.f32 v45, v24;
	v15 =	vmul.f32 v17, v56  }
0x240: {  	v5 =	vadd.f32 v42, v5;
	v56 =	vmul.f32 v13, v54;
	v59 =	vmul.f32 v16, v31  }
0x241: {  	v38 =	vmul.f32 v47, v9;
	v11 =	vadd.f32 v39, v11;
	v4 =	vmul.f32 v15, v4  }
0x242: {  	v7 =	vadd.f32 v41, v7;
	v21 =	vmul.f32 v56, v13;
	v17 =	vmul.f32 v59, v16  }
0x243: {  	v61 =	vld [tilespmem:s30+$0x600];
	v5 =	vadd.f32 v63, v5;
	v39 =	vmul.f32 v40, v12;
	v4 =	vmul.f32 v4, v15  }
0x244: {  	v41 =	vmul.f32 v48, v47;
	v21 =	vsub.f32 $1.500000000e+00, v21;
	v17 =	vsub.f32 $1.500000000e+00, v17  }
0x245: {  	v49 =	vmul.f32 v43, v29;
	v29 =	vmul.f32 v46, v45;
	v4 =	vsub.f32 $1.500000000e+00, v4  }
0x246: {  	v11 =	vadd.f32 v60, v11;
	v13 =	vmul.f32 v21, v13;
	v30 =	vmul.f32 v17, v16  }
0x247: {  	v7 =	vadd.f32 v62, v7;
	v31 =	vmul.f32 v9, v10;
	v4 =	vmul.f32 v4, v15  }
0x248: {  	v6 =	vadd.f32 v49, v6;
	v13 =	vmul.f32 v13, v61;
	v33 =	vmul.f32 v30, v57  }
0x249: {  	v32 =	vmul.f32 v4, v55;
	v3 =	vmul.f32 v4, v3;
	v4 =	vadd.f32 v34, v5  }
0x24a: {  	v7 =	vadd.f32 v31, v7;
	v35 =	vmul.f32 v30, v58;
	v37 =	vsub.f32 $0.0e+00, v33  }
0x24b: {  	v6 =	vadd.f32 v28, v6;
	v4 =	vadd.f32 v39, v4;
	v43 =	vmul.f32 v32, v13  }
0x24c: {  	v7 =	vadd.f32 v36, v7;
	v3 =	vsub.f32 v3, v35;
	v42 =	vmul.f32 v37, v32  }
0x24d: {  	v45 =	vmul.f32 v40, v8;
	v5 =	vadd.f32 v38, v6;
	v4 =	vmul.f32 v43, v4  }
0x24e: {  	v47 =	vmul.f32 v3, v32;
	v44 =	vmul.f32 v42, v7  }
0x24f: {  	v46 =	vadd.f32 v29, v11;
	v5 =	vadd.f32 v45, v5;
	v48 =	vmul.f32 v32, v32  }
0x250: {  	v49 =	vmul.f32 v47, v53;
	v53 =	vmul.f32 v37, v13;
	v4 =	vadd.f32 v44, v4  }
0x251: {  	v8 =	vadd.f32 v41, v46;
	v57 =	vmul.f32 v13, v13;
	v54 =	vmul.f32 v37, v37  }
0x252: {  	v55 =	vmul.f32 v3, v37;
	v5 =	vmul.f32 v53, v5;
	v4 =	vadd.f32 v4, v49  }
0x253: {  	v0 =	vadd.f32 v0, v8;
	v59 =	vmul.f32 v3, v13;
	v7 =	vmul.f32 v48, v19  }
0x254: {  	v56 =	vmul.f32 v54, v14;
	v58 =	vmul.f32 v55, v52;
	v4 =	vadd.f32 v4, v5  }
0x255: {  	v60 =	vmul.f32 v57, v51;
	v3 =	vmul.f32 v3, v3  }
0x256: {  	v0 =	vmul.f32 v59, v0;
	v7 =	vadd.f32 v56, v7;
	v4 =	vadd.f32 v4, v58;
	_ =	sdelay $0x1  }
0x257: {  	v3 =	vmul.f32 v3, v50;
	v61 =	vadd.f32 v7, v60;
	v0 =	vadd.f32 v4, v0;
	_ =	sdelay $0x1  }
0x258: {  	v3 =	vadd.f32 v61, v3;
	v0 =	vadd.f32 v0, v0;
	_ =	sdelay $0x1  }
0x259: {  	v0 =	vadd.f32 v0, v3;
	_ =	sdelay $0x1  }
0x25a: {  	v3 =	vmax.f32 v0, $1.000000020e-24  }
0x25b: {  	v62 =	vshra.s32 v3, $0x1;
	v3 =	vmul.f32 $5.000000000e-01, v3  }
0x25c: {  	v4 =	vsub.s32 $0x5F3759DF, v62  }
0x25d: {  	v63 =	vmul.f32 v4, v3;
	_ =	sdelay $0x1  }
0x25e: {  	v5 =	vmul.f32 v4, v63;
	_ =	sdelay $0x1  }
0x25f: {  	v5 =	vsub.f32 $1.500000000e+00, v5;
	_ =	sdelay $0x1  }
0x260: {  	v4 =	vmul.f32 v4, v5;
	_ =	sdelay $0x1  }
0x261: {  	v5 =	vmul.f32 v4, v3;
	_ =	sdelay $0x1  }
0x262: {  	v5 =	vmul.f32 v5, v4;
	_ =	sdelay $0x1  }
0x263: {  	v5 =	vsub.f32 $1.500000000e+00, v5;
	_ =	sdelay $0x1  }
0x264: {  	v4 =	vmul.f32 v5, v4;
	_ =	sdelay $0x1  }
0x265: {  	v5 =	vmul.f32 v4, v3;
	_ =	sdelay $0x1  }
0x266: {  	v5 =	vmul.f32 v5, v4;
	_ =	sdelay $0x1  }
0x267: {  	v5 =	vsub.f32 $1.500000000e+00, v5;
	_ =	sdelay $0x1  }
0x268: {  	v4 =	vmul.f32 v5, v4;
	_ =	sdelay $0x1  }
0x269: {  	v3 =	vmul.f32 v4, v3;
	_ =	sdelay $0x1  }
0x26a: {  	v3 =	vmul.f32 v3, v4;
	_ =	sdelay $0x1  }
0x26b: {  	v3 =	vsub.f32 $1.500000000e+00, v3;
	_ =	sdelay $0x1  }
0x26c: {  	v3 =	vmul.f32 v3, v4  }
0x26d: {  	p0 =	sne.s32 s29, $0x7C0;
	v0 =	vmax.f32 v0, $0.0e+00  }
.Ltmp2:
0x26e: {  	v0 =	vmul.f32 v3, v0;
	(pc) =	sbr.rel @p0 .LBB2_6-.Ltmp2, $3  }
0x26f: {  	_ = 	snop  }
0x270: {  	v0 =	vsub.f32 $1.200000000e+01, v0;
	_ =	sdelay $0x1  }
0x271: {  	s29 =	sadd.s32 $0x40, s29;
	[tilespmem:s30+$0x1C500] =	vst v0  }
0x272: {  	s0 =	rddreg [dreg:$0xf];
	s1 =	simm.s32 $0x1C500  }
0x273: {  	[hbm4b:s0+s9] =	stream.linear.scatter [tilespmem:s1], [sflag:$0x3], $0x200, $0x38;
	[tilespmem:$0x1C700] =	vst v63  }
0x274: {  	s1 =	simm.s32 $0x3  }
0x275: {  	_ =	swait.ge [sflag:s1], $0x200  }
0x276: {  	s3 =	rddreg [dreg:$0x14]  }
0x277: {  	s31 =	rddreg [dreg:$0x11];
	s3 =	sadd.s32 $0x1, s3  }
0x278: {  	p0 =	sne.s32 s3, s31  }
.Ltmp3:
0x279: {  	_ = 	snop;
	(pc) =	sbr.rel @p0 .LBB2_1-.Ltmp3, $3  }
0x27a: {  	_ =	sdelay $0x1  }
0x27b: {  	[sflag:s1] =	ssyncset.done $0x0  }
0x27c: {  	v0 =	vlaneseq.u32;
	v3 =	vimm.f32 $-1.000000000e+00;
	[sflag:s1] =	ssyncadd.s32 $0xFFFFFE00  }
0x27d: {  	_ =	sfence.sel $0x180000  }
0x27e: {  	[bflag:$0x0] =	sbarrier.arrive $0xFFFF  }
0x27f: {  	_ =	strace $0x90000047  }
0x280: {  	s0 =	stileid.u32;
	[bflag:$0x2] =	sbarrier.arrive $0xFFFF  }
0x281: {  	p0 =	sne.s32 s0, $0x0;
	s0 =	rddreg [dreg:$0x5]  }
0x282: {  	s0 =	sadd.s32 @!p0 $0x100000, s0  }
0x283: {  	[sflag:s0] =	ssyncadd.tile.s32 @!p0 $0x1;
	_ =	shalt  }
.Lfunc_end2:
_tile_overlayer_lowered:
.L_overlay_start_2:
0x284: {  	(tag) =	ssettag $0x2  }
0x285: {  	s0 =	rddreg [dreg:$0x0];
	s2 =	stileid.u32  }
0x286: {  	s1 =	rddreg [dreg:$0x1];
	p0 =	sne.s32 s2, $0x0  }
0x287: {  	s3 =	rddreg [dreg:$0x2];
	[bflag:$0x3] =	sbarrier.arrive $0xFFFF;
	s2 =	simm.s32 @!p0 $0x1C03  }
0x288: {  	[timem:s3], [sflag:s2] =	dma.local @!p0 [hbm:s0], s1  }
0x289: {  	s0 =	simm.s32 @!p0 $0x3  }
0x28a: {  	_ =	swait.ge @!p0 [sflag:s0], s1  }
0x28b: {  	s1 =	ssub.s32 @!p0 $0x0, s1;
	[sflag:s0] =	ssyncset.done @!p0 $0x0  }
0x28c: {  	[sflag:s0] =	ssyncadd.s32 @!p0 s1  }
0x28d: {  	[bflag:$0x3] =	sbarrier.arrive $0xFFFF  }
0x28e: {  	_ =	shalt  }

</sc_bundles>
